<compile_context>
chip_gen: v7x
topology: tpu7x:2x2x1
jax: 0.10.2.dev20260603
libtpu: 0.0.44.dev20260713+nightly
codegen_flags: <defaults>
</compile_context>

<pallas_src>
import functools

import jax
import jax.numpy as jnp
from jax import lax
from jax.experimental import pallas as pl
from jax.experimental.pallas import tpu as pltpu
from jax.experimental.pallas import tpu_sc as plsc

N_NODES = 100000
N_EDGES = 3200000
NUM_HEADS = 4
NC = 2
NS = 16
NW = NC * NS
LANES = 16
EB = 1024
NBLOCKS = N_EDGES // EB
MAXT = (NBLOCKS + NW - 1) // NW
ROWS_A = 6256
ROWS_LAST = N_NODES - 15 * ROWS_A
PKROWS = 3136
PKROWS_LAST = N_NODES // 2 - 15 * PKROWS

_mesh = plsc.VectorSubcoreMesh(
    core_axis_name="c", subcore_axis_name="s", num_cores=NC, num_subcores=NS)


def _edge_pass_body(ei_hbm, cm_hbm, pk_hbm, par_hbm, zer_hbm, sts_hbm,
                    par_v, src_v0, dst_v0, cm_v0, upd_v0,
                    src_v1, dst_v1, cm_v1, upd_v1,
                    sdst_v0, sdst_v1,
                    pk_v, mrg_v, scr_v, scr_sh, st_sh,
                    sem_in0, sem_in1, sem_s0, sem_s1):
    src_v = [src_v0, src_v1]
    dst_v = [dst_v0, dst_v1]
    cm_v = [cm_v0, cm_v1]
    upd_v = [upd_v0, upd_v1]
    sdst_v = [sdst_v0, sdst_v1]
    sem_in = [sem_in0, sem_in1]
    sem_s = [sem_s0, sem_s1]
    cid = lax.axis_index("c")
    sid = lax.axis_index("s")
    wid = sid * NC + cid

    pltpu.sync_copy(par_hbm, par_v)
    pltpu.sync_copy(pk_hbm, pk_v)

    iota = lax.iota(jnp.int32, LANES)
    base_row = pl.multiple_of(sid * ROWS_A, 8)

    def mx_body(i, m, base=0):
        w = pk_v[pl.ds(base + i * LANES, LANES)]
        lo = plsc.bitcast(jnp.left_shift(w, 16), jnp.float32)
        hi = plsc.bitcast(jnp.bitwise_and(w, jnp.int32(-65536)), jnp.float32)
        return jnp.maximum(m, jnp.maximum(jnp.abs(lo), jnp.abs(hi)))

    @pl.when(sid < NS - 1)
    def _():
        pltpu.sync_copy(zer_hbm, st_sh.at[pl.ds(base_row, ROWS_A)])
        m = lax.fori_loop(
            0, PKROWS // LANES,
            functools.partial(mx_body, base=sid * PKROWS),
            jnp.zeros((LANES,), jnp.float32))
        mrg_v[...] = m

    @pl.when(sid == NS - 1)
    def _():
        pltpu.sync_copy(zer_hbm.at[pl.ds(0, ROWS_LAST)],
                        st_sh.at[pl.ds(base_row, ROWS_LAST)])
        m = lax.fori_loop(
            0, PKROWS_LAST // LANES,
            functools.partial(mx_body, base=(NS - 1) * PKROWS),
            jnp.zeros((LANES,), jnp.float32))
        mrg_v[...] = m

    pltpu.sync_copy(mrg_v, scr_sh.at[sid])
    plsc.subcore_barrier()

    pltpu.sync_copy(scr_sh, scr_v)
    mx = scr_v[0]
    for i in range(1, NS):
        mx = jnp.maximum(mx, scr_v[i])
    for k in (1, 2, 4, 8):
        mrg_v[...] = mx
        mx = jnp.maximum(mx, plsc.load_gather(
            mrg_v, [jnp.bitwise_xor(iota, jnp.int32(k))]))

    A = [par_v[h] for h in range(NUM_HEADS)]
    C = [par_v[NUM_HEADS + h] for h in range(NUM_HEADS)]
    D = [par_v[2 * NUM_HEADS + h] for h in range(NUM_HEADS)]
    E0 = [par_v[3 * NUM_HEADS + h] for h in range(NUM_HEADS)]
    PEN = [par_v[4 * NUM_HEADS + h] for h in range(NUM_HEADS)]
    SH = [jnp.abs(A[h]) * mx + jnp.abs(C[h]) * mx + jnp.abs(D[h])
          + jnp.abs(E0[h]) + jnp.abs(PEN[h]) for h in range(NUM_HEADS)]

    def _fire_loads(par, g):
        pltpu.async_copy(ei_hbm.at[0, g], src_v[par], sem_in[par])
        pltpu.async_copy(ei_hbm.at[1, g], dst_v[par], sem_in[par])
        pltpu.async_copy(cm_hbm.at[g], cm_v[par], sem_in[par])

    def _wait_loads(par, g):
        pltpu.make_async_copy(ei_hbm.at[0, g], src_v[par], sem_in[par]).wait()
        pltpu.make_async_copy(ei_hbm.at[1, g], dst_v[par], sem_in[par]).wait()
        pltpu.make_async_copy(cm_hbm.at[g], cm_v[par], sem_in[par]).wait()

    def _fire_scatters(par):
        pltpu.async_copy(upd_v[par], st_sh.at[sdst_v[par]], sem_s[par],
                         add=True)

    def _wait_scatters(par):
        pltpu.make_async_copy(upd_v[par], st_sh.at[sdst_v[par]],
                              sem_s[par]).wait()

    def _compute(par):
        if True:
            def cc_body(ccj, cc_carry):
                col = ccj * LANES
                si = src_v[par][pl.ds(col, LANES)]
                di = dst_v[par][pl.ds(col, LANES)]
                cmv = cm_v[par][pl.ds(col, LANES)]
                sdst_v[par][pl.ds(col, LANES)] = di

                def nf_at(idx):
                    w = plsc.load_gather(pk_v, [jnp.right_shift(idx, 1)])
                    lo = plsc.bitcast(jnp.left_shift(w, 16), jnp.float32)
                    hi = plsc.bitcast(
                        jnp.bitwise_and(w, jnp.int32(-65536)), jnp.float32)
                    return jnp.where(
                        jnp.bitwise_and(idx, 1) == 1, hi, lo)

                xs = nf_at(si)
                xd = nf_at(di)
                rowv = col + iota
                for h in range(NUM_HEADS):
                    r = A[h] * xs + C[h] * xd + D[h] * cmv + E0[h]
                    r = jnp.maximum(r, 0.2 * r)
                    ex = jnp.exp(r + cmv * PEN[h] - SH[h])
                    plsc.store_scatter(
                        upd_v[par],
                        [rowv, jnp.full((LANES,), h, jnp.int32)], ex)
                    plsc.store_scatter(
                        upd_v[par],
                        [rowv, jnp.full((LANES,), NUM_HEADS + h, jnp.int32)],
                        xs * ex)
                return cc_carry

            lax.fori_loop(0, EB // LANES, cc_body, 0)

    def blk2_body(u, carry):
        for par in range(2):
            t2 = 2 * u + par
            g = wid + t2 * NW
            gprev = g - NW
            gnext = g + NW

            @pl.when(g < NBLOCKS)
            def _(par=par, g=g):
                _wait_loads(par, g)

            @pl.when(gnext < NBLOCKS)
            def _(par=par, gnext=gnext):
                _fire_loads(1 - par, gnext)

            @pl.when(g < NBLOCKS)
            def _(par=par):
                _compute(par)

            @pl.when(jnp.logical_and(gprev >= 0, gprev < NBLOCKS))
            def _(par=par):
                _wait_scatters(1 - par)

            @pl.when(g < NBLOCKS)
            def _(par=par):
                _fire_scatters(par)
        return carry

    _fire_loads(0, wid)
    lax.fori_loop(0, MAXT // 2, blk2_body, 0)

    g_last = wid + (MAXT - 1) * NW

    @pl.when(g_last < NBLOCKS)
    def _():
        _wait_scatters((MAXT - 1) & 1)

    plsc.subcore_barrier()

    @pl.when(sid < NS - 1)
    def _():
        pltpu.sync_copy(st_sh.at[pl.ds(base_row, ROWS_A)],
                        sts_hbm.at[cid, pl.ds(base_row, ROWS_A)])

    @pl.when(sid == NS - 1)
    def _():
        pltpu.sync_copy(st_sh.at[pl.ds(base_row, ROWS_LAST)],
                        sts_hbm.at[cid, pl.ds(base_row, ROWS_LAST)])


_edge_pass = functools.partial(
    pl.kernel,
    out_type=jax.ShapeDtypeStruct((NC, N_NODES, 2 * NUM_HEADS), jnp.float32),
    mesh=_mesh,
    compiler_params=pltpu.CompilerParams(needs_layout_passes=False,
                                         use_tc_tiling_on_sc=False),
    scratch_types=[
        pltpu.VMEM((5 * NUM_HEADS, LANES), jnp.float32),
    ] + 2 * [
        pltpu.VMEM((EB,), jnp.int32),
        pltpu.VMEM((EB,), jnp.int32),
        pltpu.VMEM((EB,), jnp.float32),
        pltpu.VMEM((EB, 2 * NUM_HEADS), jnp.float32),
    ] + 2 * [
        pltpu.VMEM((EB,), jnp.int32),
    ] + [
        pltpu.VMEM((N_NODES // 2,), jnp.int32),
        pltpu.VMEM((LANES,), jnp.float32),
        pltpu.VMEM((NS, LANES), jnp.float32),
        pltpu.VMEM_SHARED((NS, LANES), jnp.float32),
        pltpu.VMEM_SHARED((N_NODES, 2 * NUM_HEADS), jnp.float32),
    ] + 4 * [pltpu.SemaphoreType.DMA],
)(_edge_pass_body)


CROWS = 3136
CROWS_LAST = N_NODES - (NW - 1) * CROWS


def _combine_body(sts_hbm, scl_hbm, out_hbm, va, vb, vo, scl_v):
    cid = lax.axis_index("c")
    sid = lax.axis_index("s")
    w = sid * NC + cid
    base = pl.multiple_of(w * CROWS, 8)
    pltpu.sync_copy(scl_hbm, scl_v)
    scl = scl_v[0]
    iota = lax.iota(jnp.int32, LANES)

    def _do(R):
        pltpu.sync_copy(sts_hbm.at[0, pl.ds(base, R)], va.at[pl.ds(0, R)])
        pltpu.sync_copy(sts_hbm.at[1, pl.ds(base, R)], vb.at[pl.ds(0, R)])

        def grp_body(grp, carry):
            rows = grp * LANES + iota
            q = jnp.zeros((LANES,), jnp.float32)
            for h in range(NUM_HEADS):
                ch = jnp.full((LANES,), h, jnp.int32)
                ct = jnp.full((LANES,), NUM_HEADS + h, jnp.int32)
                S = (plsc.load_gather(va, [rows, ch])
                     + plsc.load_gather(vb, [rows, ch]))
                T = (plsc.load_gather(va, [rows, ct])
                     + plsc.load_gather(vb, [rows, ct]))
                q = q + jnp.where(S > 0.0, T / S, 0.0)
            vo[pl.ds(grp * LANES, LANES)] = q * scl
            return carry

        lax.fori_loop(0, R // LANES, grp_body, 0)
        pltpu.sync_copy(vo.at[pl.ds(0, R)], out_hbm.at[pl.ds(base, R)])

    @pl.when(w < NW - 1)
    def _():
        _do(CROWS)

    @pl.when(w == NW - 1)
    def _():
        _do(CROWS_LAST)


_combine = functools.partial(
    pl.kernel,
    out_type=jax.ShapeDtypeStruct((N_NODES,), jnp.float32),
    mesh=_mesh,
    compiler_params=pltpu.CompilerParams(needs_layout_passes=False,
                                         use_tc_tiling_on_sc=False),
    scratch_types=[
        pltpu.VMEM((CROWS, 2 * NUM_HEADS), jnp.float32),
        pltpu.VMEM((CROWS, 2 * NUM_HEADS), jnp.float32),
        pltpu.VMEM((CROWS,), jnp.float32),
        pltpu.VMEM((1, LANES), jnp.float32),
    ],
)(_combine_body)


def kernel(node_features, edge_index, cycle_mask, W1, b1, W2, b2,
           cycle_penalty, min_sum_scaler):
    w1 = W1[:, 0]
    a = W2[:, :16] @ w1
    c = W2[:, 16:32] @ w1
    d = W2[:, 32]
    e = b2 + (W2[:, :16] + W2[:, 16:32]) @ b1
    par = jnp.concatenate([a, c, d, e, cycle_penalty])
    par16 = jnp.broadcast_to(par[:, None], (5 * NUM_HEADS, LANES))

    ei = edge_index.reshape(2, NBLOCKS, EB)
    cmr = cycle_mask.reshape(NBLOCKS, EB)
    zer = jnp.zeros((ROWS_A, 2 * NUM_HEADS), jnp.float32)

    pk = jax.lax.bitcast_convert_type(
        node_features.astype(jnp.bfloat16).reshape(N_NODES // 2, 2),
        jnp.int32)
    sts = _edge_pass(ei, cmr, pk, par16, zer)

    scl16 = jnp.broadcast_to(
        (min_sum_scaler * (1.0 / NUM_HEADS)).reshape(1, 1), (1, LANES))
    return _combine(sts, scl16)

# --- scband reference (transcript-rebuilt; emitter-appended) ---
"""Pipeline reference for scband-cagat-min-sum-layer-true-88802743812477 (READ-ONLY COPY).

The authoritative reference and input builder live on the scoring server;
editing this copy changes nothing except your own understanding.
"""

import jax, jax.numpy as jnp
import numpy as np

N = 100000
E = 3200000
HIDDEN_DIM = 16
NUM_HEADS = 4


def setup_inputs(seed: int = 0) -> dict:
    key = jax.random.key(seed)
    ks = jax.random.split(key, 8)
    node_features = jax.random.normal(ks[0], (N,), dtype=jnp.float32)
    edge_index = jax.random.randint(ks[1], (2, E), 0, N, dtype=jnp.int32)
    cycle_mask = jax.random.uniform(ks[2], (E,), dtype=jnp.float32)
    # learned params (per init_kwargs: hidden_dim=16, num_heads=4)
    W1 = jax.random.normal(ks[3], (HIDDEN_DIM, 1), dtype=jnp.float32) * (1.0 / np.sqrt(1.0))
    b1 = jnp.zeros((HIDDEN_DIM,), dtype=jnp.float32)
    W2 = jax.random.normal(ks[4], (NUM_HEADS, 2 * HIDDEN_DIM + 1), dtype=jnp.float32) * (1.0 / np.sqrt(2 * HIDDEN_DIM + 1))
    b2 = jnp.zeros((NUM_HEADS,), dtype=jnp.float32)
    cycle_penalty = jnp.full((NUM_HEADS,), -1.0, dtype=jnp.float32)
    min_sum_scaler = jnp.array([0.8], dtype=jnp.float32)
    return {
        "node_features": node_features,
        "edge_index": edge_index,
        "cycle_mask": cycle_mask,
        "W1": W1, "b1": b1, "W2": W2, "b2": b2,
        "cycle_penalty": cycle_penalty, "min_sum_scaler": min_sum_scaler,
    }


def _segment_softmax(logits, seg, num_segments):
    m = jax.ops.segment_max(logits, seg, num_segments=num_segments)
    ex = jnp.exp(logits - m[seg])
    s = jax.ops.segment_sum(ex, seg, num_segments=num_segments)
    return ex / s[seg]


def reference(node_features, edge_index, cycle_mask, W1, b1, W2, b2, cycle_penalty, min_sum_scaler):
    src = edge_index[0]
    dst = edge_index[1]
    num_nodes = node_features.shape[0]
    # feature_proj: Linear(1, hidden_dim) applied to scalar node features
    x_src_hidden = node_features[src][:, None] @ W1.T + b1  # [E, H]
    x_dst_hidden = node_features[dst][:, None] @ W1.T + b1  # [E, H]
    att_input = jnp.concatenate([x_src_hidden, x_dst_hidden, cycle_mask[:, None]], axis=-1)  # [E, 2H+1]
    raw_attention = att_input @ W2.T + b2  # [E, num_heads]
    raw_attention = jnp.where(raw_attention >= 0, raw_attention, 0.2 * raw_attention)  # leaky_relu(0.2)
    raw_attention = raw_attention + cycle_mask[:, None] * cycle_penalty
    attention_weights = _segment_softmax(raw_attention, dst, num_nodes)  # segment softmax over dst
    mean_attention = attention_weights.mean(axis=-1)  # [E]
    messages = node_features[src] * mean_attention * min_sum_scaler[0]  # [E]
    out = jnp.zeros_like(node_features).at[dst].add(messages)  # scatter-add over dst
    return out


if False:  # reference __main__ guard neutralized (emitter)
    inp = setup_inputs()
    o = reference(**inp)
    print(o.shape, o.dtype)

if __name__ == "__main__":
    import jax
    _d = setup_inputs()
    print(jax.jit(kernel)(*tuple(_d.values())))

</pallas_src>

<mosaic_0001>
#map = affine_map<(d0, d1) -> (0, 0, 0)>
#map1 = affine_map<(d0, d1) -> (0, 0)>
#map2 = affine_map<(d0, d1) -> (0)>
module attributes {stable_mosaic.version = 14 : i64} {
  func.func @_combine_body(%arg0: i32, %arg1: i32, %arg2: memref<2x100000x8xf32, #tpu.memory_space<hbm>>, %arg3: memref<1x16xf32, #tpu.memory_space<hbm>>, %arg4: memref<100000xf32, #tpu.memory_space<hbm>>, %arg5: memref<3136x8xf32, #tpu.memory_space<vmem>>, %arg6: memref<3136x8xf32, #tpu.memory_space<vmem>>, %arg7: memref<3136xf32, #tpu.memory_space<vmem>>, %arg8: memref<1x16xf32, #tpu.memory_space<vmem>>) attributes {dimension_semantics = [#tpu.dimension_semantics<core_parallel>, #tpu.dimension_semantics<subcore_parallel>], iteration_bounds = array<i64: 2, 16>, scalar_prefetch = 0 : i64, scratch_operands = 4 : i64, tpu.core_type = #tpu.core_type<sc_vector_subcore>, window_params = [{transform_indices = #map}, {transform_indices = #map1}, {transform_indices = #map2}]} {
    %mul3A = arith.constant 2 : i32
    %mul3A_0 = arith.muli %arg1, %mul3A : i32
    %add3A = arith.addi %mul3A_0, %arg0 : i32
    %mul3A_1 = arith.constant 3136 : i32
    %mul3A_2 = arith.muli %add3A, %mul3A_1 : i32
    %multiple_of3A = tpu.assume_multiple %mul3A_2, 8 : i32
    "tpu.region"() ({
      %run_scoped3A = tpu.sem_alloc : memref<!tpu.dma_semaphore, #tpu.memory_space<semaphore_mem>>
      tpu.enqueue_dma source(%arg3 : memref<1x16xf32, #tpu.memory_space<hbm>>) target(%arg8 : memref<1x16xf32, #tpu.memory_space<vmem>>) target_semaphore(%run_scoped3A : memref<!tpu.dma_semaphore, #tpu.memory_space<semaphore_mem>>)
      tpu.wait_dma2 semaphore(%run_scoped3A : memref<!tpu.dma_semaphore, #tpu.memory_space<semaphore_mem>>) src(%arg3 : memref<1x16xf32, #tpu.memory_space<hbm>>) dst(%arg8 : memref<1x16xf32, #tpu.memory_space<vmem>>)
      tpu.yield
    }) : () -> ()
    %get3A = arith.constant 0 : i32
    %get3A_3 = arith.index_cast %get3A : i32 to index
    %get3A_4 = arith.constant 0 : index
    %get3A_5 = tpu.vector_load %arg8[%get3A_3, %get3A_4] {strides = array<i32>} : memref<1x16xf32, #tpu.memory_space<vmem>>, vector<16xf32>,
    %iota3A = tpu.iota {dimensions = array<i32: 0>} : vector<16xi32>
    %lt3A = arith.constant 31 : i32
    %lt3A_6 = arith.cmpi slt, %add3A, %lt3A : i32
    %convert_element_type3A = arith.extui %lt3A_6 : i1 to i32
    %cond3A = arith.constant 0 : i32
    %cond3A_7 = arith.cmpi ne, %convert_element_type3A, %cond3A : i32
    scf.if %cond3A_7 {
      %run_scoped3A = arith.constant 0 : i32
      "tpu.region"() ({
        %run_scoped3A_18 = tpu.sem_alloc : memref<!tpu.dma_semaphore, #tpu.memory_space<semaphore_mem>>
        %dma_start3A = arith.constant 0 : i32
        %dma_start3A_19 = arith.constant 0 : i32
        %dma_start3A_20 = tpu.memref_slice %arg5[%dma_start3A, %dma_start3A_19] : memref<3136x8xf32, #tpu.memory_space<vmem>> -> memref<3136x8xf32, #tpu.memory_space<vmem>>
        %dma_start3A_21 = arith.constant 0 : i32
        %dma_start3A_22 = tpu.memref_slice %arg2[%run_scoped3A, %multiple_of3A, %dma_start3A_21] : memref<2x100000x8xf32, #tpu.memory_space<hbm>> -> memref<1x3136x8xf32, #tpu.memory_space<hbm>>
        %dma_start3A_23 = tpu.memref_squeeze %dma_start3A_22 : memref<1x3136x8xf32, #tpu.memory_space<hbm>> -> memref<3136x8xf32, #tpu.memory_space<hbm>>
        %dma_start3A_24 = arith.constant 0 : i32
        %dma_start3A_25 = arith.constant 0 : i32
        %dma_start3A_26 = tpu.memref_slice %arg5[%dma_start3A_24, %dma_start3A_25] : memref<3136x8xf32, #tpu.memory_space<vmem>> -> memref<3136x8xf32, #tpu.memory_space<vmem>>
        %dma_start3A_27 = arith.constant 0 : i32
        %dma_start3A_28 = tpu.memref_slice %arg2[%run_scoped3A, %multiple_of3A, %dma_start3A_27] : memref<2x100000x8xf32, #tpu.memory_space<hbm>> -> memref<1x3136x8xf32, #tpu.memory_space<hbm>>
        %dma_start3A_29 = tpu.memref_squeeze %dma_start3A_28 : memref<1x3136x8xf32, #tpu.memory_space<hbm>> -> memref<3136x8xf32, #tpu.memory_space<hbm>>
        tpu.enqueue_dma source(%dma_start3A_29 : memref<3136x8xf32, #tpu.memory_space<hbm>>) target(%dma_start3A_26 : memref<3136x8xf32, #tpu.memory_space<vmem>>) target_semaphore(%run_scoped3A_18 : memref<!tpu.dma_semaphore, #tpu.memory_space<semaphore_mem>>)
        %dma_wait3A = arith.constant 0 : i32
        %dma_wait3A_30 = arith.constant 0 : i32
        %dma_wait3A_31 = tpu.memref_slice %arg5[%dma_wait3A, %dma_wait3A_30] : memref<3136x8xf32, #tpu.memory_space<vmem>> -> memref<3136x8xf32, #tpu.memory_space<vmem>>
        %dma_wait3A_32 = arith.constant 0 : i32
        %dma_wait3A_33 = tpu.memref_slice %arg2[%run_scoped3A, %multiple_of3A, %dma_wait3A_32] : memref<2x100000x8xf32, #tpu.memory_space<hbm>> -> memref<1x3136x8xf32, #tpu.memory_space<hbm>>
        %dma_wait3A_34 = tpu.memref_squeeze %dma_wait3A_33 : memref<1x3136x8xf32, #tpu.memory_space<hbm>> -> memref<3136x8xf32, #tpu.memory_space<hbm>>
        %dma_wait3A_35 = arith.constant 0 : i32
        %dma_wait3A_36 = arith.constant 0 : i32
        %dma_wait3A_37 = tpu.memref_slice %arg5[%dma_wait3A_35, %dma_wait3A_36] : memref<3136x8xf32, #tpu.memory_space<vmem>> -> memref<3136x8xf32, #tpu.memory_space<vmem>>
        %dma_wait3A_38 = arith.constant 0 : i32
        %dma_wait3A_39 = tpu.memref_slice %arg2[%run_scoped3A, %multiple_of3A, %dma_wait3A_38] : memref<2x100000x8xf32, #tpu.memory_space<hbm>> -> memref<1x3136x8xf32, #tpu.memory_space<hbm>>
        %dma_wait3A_40 = tpu.memref_squeeze %dma_wait3A_39 : memref<1x3136x8xf32, #tpu.memory_space<hbm>> -> memref<3136x8xf32, #tpu.memory_space<hbm>>
        tpu.wait_dma2 semaphore(%run_scoped3A_18 : memref<!tpu.dma_semaphore, #tpu.memory_space<semaphore_mem>>) src(%dma_wait3A_40 : memref<3136x8xf32, #tpu.memory_space<hbm>>) dst(%dma_wait3A_37 : memref<3136x8xf32, #tpu.memory_space<vmem>>)
        tpu.yield
      }) : () -> ()
      %run_scoped3A_12 = arith.constant 1 : i32
      "tpu.region"() ({
        %run_scoped3A_18 = tpu.sem_alloc : memref<!tpu.dma_semaphore, #tpu.memory_space<semaphore_mem>>
        %dma_start3A = arith.constant 0 : i32
        %dma_start3A_19 = arith.constant 0 : i32
        %dma_start3A_20 = tpu.memref_slice %arg6[%dma_start3A, %dma_start3A_19] : memref<3136x8xf32, #tpu.memory_space<vmem>> -> memref<3136x8xf32, #tpu.memory_space<vmem>>
        %dma_start3A_21 = arith.constant 0 : i32
        %dma_start3A_22 = tpu.memref_slice %arg2[%run_scoped3A_12, %multiple_of3A, %dma_start3A_21] : memref<2x100000x8xf32, #tpu.memory_space<hbm>> -> memref<1x3136x8xf32, #tpu.memory_space<hbm>>
        %dma_start3A_23 = tpu.memref_squeeze %dma_start3A_22 : memref<1x3136x8xf32, #tpu.memory_space<hbm>> -> memref<3136x8xf32, #tpu.memory_space<hbm>>
        %dma_start3A_24 = arith.constant 0 : i32
        %dma_start3A_25 = arith.constant 0 : i32
        %dma_start3A_26 = tpu.memref_slice %arg6[%dma_start3A_24, %dma_start3A_25] : memref<3136x8xf32, #tpu.memory_space<vmem>> -> memref<3136x8xf32, #tpu.memory_space<vmem>>
        %dma_start3A_27 = arith.constant 0 : i32
        %dma_start3A_28 = tpu.memref_slice %arg2[%run_scoped3A_12, %multiple_of3A, %dma_start3A_27] : memref<2x100000x8xf32, #tpu.memory_space<hbm>> -> memref<1x3136x8xf32, #tpu.memory_space<hbm>>
        %dma_start3A_29 = tpu.memref_squeeze %dma_start3A_28 : memref<1x3136x8xf32, #tpu.memory_space<hbm>> -> memref<3136x8xf32, #tpu.memory_space<hbm>>
        tpu.enqueue_dma source(%dma_start3A_29 : memref<3136x8xf32, #tpu.memory_space<hbm>>) target(%dma_start3A_26 : memref<3136x8xf32, #tpu.memory_space<vmem>>) target_semaphore(%run_scoped3A_18 : memref<!tpu.dma_semaphore, #tpu.memory_space<semaphore_mem>>)
        %dma_wait3A = arith.constant 0 : i32
        %dma_wait3A_30 = arith.constant 0 : i32
        %dma_wait3A_31 = tpu.memref_slice %arg6[%dma_wait3A, %dma_wait3A_30] : memref<3136x8xf32, #tpu.memory_space<vmem>> -> memref<3136x8xf32, #tpu.memory_space<vmem>>
        %dma_wait3A_32 = arith.constant 0 : i32
        %dma_wait3A_33 = tpu.memref_slice %arg2[%run_scoped3A_12, %multiple_of3A, %dma_wait3A_32] : memref<2x100000x8xf32, #tpu.memory_space<hbm>> -> memref<1x3136x8xf32, #tpu.memory_space<hbm>>
        %dma_wait3A_34 = tpu.memref_squeeze %dma_wait3A_33 : memref<1x3136x8xf32, #tpu.memory_space<hbm>> -> memref<3136x8xf32, #tpu.memory_space<hbm>>
        %dma_wait3A_35 = arith.constant 0 : i32
        %dma_wait3A_36 = arith.constant 0 : i32
        %dma_wait3A_37 = tpu.memref_slice %arg6[%dma_wait3A_35, %dma_wait3A_36] : memref<3136x8xf32, #tpu.memory_space<vmem>> -> memref<3136x8xf32, #tpu.memory_space<vmem>>
        %dma_wait3A_38 = arith.constant 0 : i32
        %dma_wait3A_39 = tpu.memref_slice %arg2[%run_scoped3A_12, %multiple_of3A, %dma_wait3A_38] : memref<2x100000x8xf32, #tpu.memory_space<hbm>> -> memref<1x3136x8xf32, #tpu.memory_space<hbm>>
        %dma_wait3A_40 = tpu.memref_squeeze %dma_wait3A_39 : memref<1x3136x8xf32, #tpu.memory_space<hbm>> -> memref<3136x8xf32, #tpu.memory_space<hbm>>
        tpu.wait_dma2 semaphore(%run_scoped3A_18 : memref<!tpu.dma_semaphore, #tpu.memory_space<semaphore_mem>>) src(%dma_wait3A_40 : memref<3136x8xf32, #tpu.memory_space<hbm>>) dst(%dma_wait3A_37 : memref<3136x8xf32, #tpu.memory_space<vmem>>)
        tpu.yield
      }) : () -> ()
      %scan3A = arith.constant 0 : i32
      %scan3A_13 = arith.constant 0 : i32
      %scan3A_14 = arith.constant 196 : i32
      %scan3A_15 = arith.addi %scan3A_13, %scan3A_14 : i32
      %scan3A_16 = arith.constant 1 : i32
      scf.for %scan3A_18 = %scan3A_13 to %scan3A_15 step %scan3A_16  : i32 {
        %mul3A_19 = arith.constant 16 : i32
        %mul3A_20 = arith.muli %scan3A_18, %mul3A_19 : i32
        %add3A_21 = vector.broadcast %mul3A_20 : i32 to vector<16xi32>
        %add3A_22 = arith.addi %add3A_21, %iota3A : vector<16xi32>
        %broadcast_in_dim3A = arith.constant 0.000000e+00 : f32
        %broadcast_in_dim3A_23 = vector.broadcast %broadcast_in_dim3A : f32 to vector<16xf32>
        %broadcast_in_dim3A_24 = arith.constant 0 : i32
        %broadcast_in_dim3A_25 = vector.broadcast %broadcast_in_dim3A_24 : i32 to vector<16xi32>
        %broadcast_in_dim3A_26 = arith.constant 4 : i32
        %broadcast_in_dim3A_27 = vector.broadcast %broadcast_in_dim3A_26 : i32 to vector<16xi32>
        %gather3A = tpu.vector_load_idx %arg5[%add3A_22, %broadcast_in_dim3A_25] : memref<3136x8xf32, #tpu.memory_space<vmem>>[vector<16xi32>, vector<16xi32>], vector<16xf32>,
        %gather3A_28 = tpu.vector_load_idx %arg6[%add3A_22, %broadcast_in_dim3A_25] : memref<3136x8xf32, #tpu.memory_space<vmem>>[vector<16xi32>, vector<16xi32>], vector<16xf32>,
        %add3A_29 = arith.addf %gather3A, %gather3A_28 : vector<16xf32>
        %gather3A_30 = tpu.vector_load_idx %arg5[%add3A_22, %broadcast_in_dim3A_27] : memref<3136x8xf32, #tpu.memory_space<vmem>>[vector<16xi32>, vector<16xi32>], vector<16xf32>,
        %gather3A_31 = tpu.vector_load_idx %arg6[%add3A_22, %broadcast_in_dim3A_27] : memref<3136x8xf32, #tpu.memory_space<vmem>>[vector<16xi32>, vector<16xi32>], vector<16xf32>,
        %add3A_32 = arith.addf %gather3A_30, %gather3A_31 : vector<16xf32>
        %gt3A = arith.constant 0.000000e+00 : f32
        %gt3A_33 = vector.broadcast %gt3A : f32 to vector<16xf32>
        %gt3A_34 = arith.cmpf ogt, %add3A_29, %gt3A_33 : vector<16xf32>
        %div3A = arith.divf %add3A_32, %add3A_29 : vector<16xf32>
        %jit3A = arith.constant 0.000000e+00 : f32
        %broadcast_in_dim3A_35 = vector.broadcast %jit3A : f32 to vector<16xf32>
        %select_n3A = arith.select %gt3A_34, %div3A, %broadcast_in_dim3A_35 : vector<16xi1>, vector<16xf32>
        %add3A_36 = arith.addf %broadcast_in_dim3A_23, %select_n3A : vector<16xf32>
        %broadcast_in_dim3A_37 = arith.constant 1 : i32
        %broadcast_in_dim3A_38 = vector.broadcast %broadcast_in_dim3A_37 : i32 to vector<16xi32>
        %broadcast_in_dim3A_39 = arith.constant 5 : i32
        %broadcast_in_dim3A_40 = vector.broadcast %broadcast_in_dim3A_39 : i32 to vector<16xi32>
        %gather3A_41 = tpu.vector_load_idx %arg5[%add3A_22, %broadcast_in_dim3A_38] : memref<3136x8xf32, #tpu.memory_space<vmem>>[vector<16xi32>, vector<16xi32>], vector<16xf32>,
        %gather3A_42 = tpu.vector_load_idx %arg6[%add3A_22, %broadcast_in_dim3A_38] : memref<3136x8xf32, #tpu.memory_space<vmem>>[vector<16xi32>, vector<16xi32>], vector<16xf32>,
        %add3A_43 = arith.addf %gather3A_41, %gather3A_42 : vector<16xf32>
        %gather3A_44 = tpu.vector_load_idx %arg5[%add3A_22, %broadcast_in_dim3A_40] : memref<3136x8xf32, #tpu.memory_space<vmem>>[vector<16xi32>, vector<16xi32>], vector<16xf32>,
        %gather3A_45 = tpu.vector_load_idx %arg6[%add3A_22, %broadcast_in_dim3A_40] : memref<3136x8xf32, #tpu.memory_space<vmem>>[vector<16xi32>, vector<16xi32>], vector<16xf32>,
        %add3A_46 = arith.addf %gather3A_44, %gather3A_45 : vector<16xf32>
        %gt3A_47 = arith.constant 0.000000e+00 : f32
        %gt3A_48 = vector.broadcast %gt3A_47 : f32 to vector<16xf32>
        %gt3A_49 = arith.cmpf ogt, %add3A_43, %gt3A_48 : vector<16xf32>
        %div3A_50 = arith.divf %add3A_46, %add3A_43 : vector<16xf32>
        %jit3A_51 = arith.constant 0.000000e+00 : f32
        %broadcast_in_dim3A_52 = vector.broadcast %jit3A_51 : f32 to vector<16xf32>
        %select_n3A_53 = arith.select %gt3A_49, %div3A_50, %broadcast_in_dim3A_52 : vector<16xi1>, vector<16xf32>
        %add3A_54 = arith.addf %add3A_36, %select_n3A_53 : vector<16xf32>
        %broadcast_in_dim3A_55 = arith.constant 2 : i32
        %broadcast_in_dim3A_56 = vector.broadcast %broadcast_in_dim3A_55 : i32 to vector<16xi32>
        %broadcast_in_dim3A_57 = arith.constant 6 : i32
        %broadcast_in_dim3A_58 = vector.broadcast %broadcast_in_dim3A_57 : i32 to vector<16xi32>
        %gather3A_59 = tpu.vector_load_idx %arg5[%add3A_22, %broadcast_in_dim3A_56] : memref<3136x8xf32, #tpu.memory_space<vmem>>[vector<16xi32>, vector<16xi32>], vector<16xf32>,
        %gather3A_60 = tpu.vector_load_idx %arg6[%add3A_22, %broadcast_in_dim3A_56] : memref<3136x8xf32, #tpu.memory_space<vmem>>[vector<16xi32>, vector<16xi32>], vector<16xf32>,
        %add3A_61 = arith.addf %gather3A_59, %gather3A_60 : vector<16xf32>
        %gather3A_62 = tpu.vector_load_idx %arg5[%add3A_22, %broadcast_in_dim3A_58] : memref<3136x8xf32, #tpu.memory_space<vmem>>[vector<16xi32>, vector<16xi32>], vector<16xf32>,
        %gather3A_63 = tpu.vector_load_idx %arg6[%add3A_22, %broadcast_in_dim3A_58] : memref<3136x8xf32, #tpu.memory_space<vmem>>[vector<16xi32>, vector<16xi32>], vector<16xf32>,
        %add3A_64 = arith.addf %gather3A_62, %gather3A_63 : vector<16xf32>
        %gt3A_65 = arith.constant 0.000000e+00 : f32
        %gt3A_66 = vector.broadcast %gt3A_65 : f32 to vector<16xf32>
        %gt3A_67 = arith.cmpf ogt, %add3A_61, %gt3A_66 : vector<16xf32>
        %div3A_68 = arith.divf %add3A_64, %add3A_61 : vector<16xf32>
        %jit3A_69 = arith.constant 0.000000e+00 : f32
        %broadcast_in_dim3A_70 = vector.broadcast %jit3A_69 : f32 to vector<16xf32>
        %select_n3A_71 = arith.select %gt3A_67, %div3A_68, %broadcast_in_dim3A_70 : vector<16xi1>, vector<16xf32>
        %add3A_72 = arith.addf %add3A_54, %select_n3A_71 : vector<16xf32>
        %broadcast_in_dim3A_73 = arith.constant 3 : i32
        %broadcast_in_dim3A_74 = vector.broadcast %broadcast_in_dim3A_73 : i32 to vector<16xi32>
        %broadcast_in_dim3A_75 = arith.constant 7 : i32
        %broadcast_in_dim3A_76 = vector.broadcast %broadcast_in_dim3A_75 : i32 to vector<16xi32>
        %gather3A_77 = tpu.vector_load_idx %arg5[%add3A_22, %broadcast_in_dim3A_74] : memref<3136x8xf32, #tpu.memory_space<vmem>>[vector<16xi32>, vector<16xi32>], vector<16xf32>,
        %gather3A_78 = tpu.vector_load_idx %arg6[%add3A_22, %broadcast_in_dim3A_74] : memref<3136x8xf32, #tpu.memory_space<vmem>>[vector<16xi32>, vector<16xi32>], vector<16xf32>,
        %add3A_79 = arith.addf %gather3A_77, %gather3A_78 : vector<16xf32>
        %gather3A_80 = tpu.vector_load_idx %arg5[%add3A_22, %broadcast_in_dim3A_76] : memref<3136x8xf32, #tpu.memory_space<vmem>>[vector<16xi32>, vector<16xi32>], vector<16xf32>,
        %gather3A_81 = tpu.vector_load_idx %arg6[%add3A_22, %broadcast_in_dim3A_76] : memref<3136x8xf32, #tpu.memory_space<vmem>>[vector<16xi32>, vector<16xi32>], vector<16xf32>,
        %add3A_82 = arith.addf %gather3A_80, %gather3A_81 : vector<16xf32>
        %gt3A_83 = arith.constant 0.000000e+00 : f32
        %gt3A_84 = vector.broadcast %gt3A_83 : f32 to vector<16xf32>
        %gt3A_85 = arith.cmpf ogt, %add3A_79, %gt3A_84 : vector<16xf32>
        %div3A_86 = arith.divf %add3A_82, %add3A_79 : vector<16xf32>
        %jit3A_87 = arith.constant 0.000000e+00 : f32
        %broadcast_in_dim3A_88 = vector.broadcast %jit3A_87 : f32 to vector<16xf32>
        %select_n3A_89 = arith.select %gt3A_85, %div3A_86, %broadcast_in_dim3A_88 : vector<16xi1>, vector<16xf32>
        %add3A_90 = arith.addf %add3A_72, %select_n3A_89 : vector<16xf32>
        %mul3A_91 = arith.mulf %add3A_90, %get3A_5 : vector<16xf32>
        %mul3A_92 = arith.constant 16 : i32
        %mul3A_93 = arith.muli %scan3A_18, %mul3A_92 : i32
        %swap3A = arith.index_cast %mul3A_93 : i32 to index
        %swap3A_94 = tpu.vector_load %arg7[%swap3A] {strides = array<i32>} : memref<3136xf32, #tpu.memory_space<vmem>>, vector<16xf32>,
        tpu.vector_store %arg7[%swap3A], %mul3A_91 {strides = array<i32>} : memref<3136xf32, #tpu.memory_space<vmem>>, vector<16xf32>,
      }
      %scan3A_17 = arith.constant 196 : i32
      "tpu.region"() ({
        %run_scoped3A_18 = tpu.sem_alloc : memref<!tpu.dma_semaphore, #tpu.memory_space<semaphore_mem>>
        %dma_start3A = arith.constant 0 : i32
        %dma_start3A_19 = tpu.memref_slice %arg7[%dma_start3A] : memref<3136xf32, #tpu.memory_space<vmem>> -> memref<3136xf32, #tpu.memory_space<vmem>>
        %dma_start3A_20 = tpu.memref_slice %arg4[%multiple_of3A] : memref<100000xf32, #tpu.memory_space<hbm>> -> memref<3136xf32, #tpu.memory_space<hbm>>
        %dma_start3A_21 = tpu.memref_slice %arg4[%multiple_of3A] : memref<100000xf32, #tpu.memory_space<hbm>> -> memref<3136xf32, #tpu.memory_space<hbm>>
        %dma_start3A_22 = arith.constant 0 : i32
        %dma_start3A_23 = tpu.memref_slice %arg7[%dma_start3A_22] : memref<3136xf32, #tpu.memory_space<vmem>> -> memref<3136xf32, #tpu.memory_space<vmem>>
        tpu.enqueue_dma source(%dma_start3A_23 : memref<3136xf32, #tpu.memory_space<vmem>>) target(%dma_start3A_21 : memref<3136xf32, #tpu.memory_space<hbm>>) target_semaphore(%run_scoped3A_18 : memref<!tpu.dma_semaphore, #tpu.memory_space<semaphore_mem>>)
        %dma_wait3A = arith.constant 0 : i32
        %dma_wait3A_24 = tpu.memref_slice %arg7[%dma_wait3A] : memref<3136xf32, #tpu.memory_space<vmem>> -> memref<3136xf32, #tpu.memory_space<vmem>>
        %dma_wait3A_25 = tpu.memref_slice %arg4[%multiple_of3A] : memref<100000xf32, #tpu.memory_space<hbm>> -> memref<3136xf32, #tpu.memory_space<hbm>>
        %dma_wait3A_26 = tpu.memref_slice %arg4[%multiple_of3A] : memref<100000xf32, #tpu.memory_space<hbm>> -> memref<3136xf32, #tpu.memory_space<hbm>>
        %dma_wait3A_27 = arith.constant 0 : i32
        %dma_wait3A_28 = tpu.memref_slice %arg7[%dma_wait3A_27] : memref<3136xf32, #tpu.memory_space<vmem>> -> memref<3136xf32, #tpu.memory_space<vmem>>
        tpu.wait_dma2 semaphore(%run_scoped3A_18 : memref<!tpu.dma_semaphore, #tpu.memory_space<semaphore_mem>>) src(%dma_wait3A_28 : memref<3136xf32, #tpu.memory_space<vmem>>) dst(%dma_wait3A_26 : memref<3136xf32, #tpu.memory_space<hbm>>)
        tpu.yield
      }) : () -> ()
    } else {
    }
    %eq3A = arith.constant 31 : i32
    %eq3A_8 = arith.cmpi eq, %add3A, %eq3A : i32
    %convert_element_type3A_9 = arith.extui %eq3A_8 : i1 to i32
    %cond3A_10 = arith.constant 0 : i32
    %cond3A_11 = arith.cmpi ne, %convert_element_type3A_9, %cond3A_10 : i32
    scf.if %cond3A_11 {
      %run_scoped3A = arith.constant 0 : i32
      "tpu.region"() ({
        %run_scoped3A_18 = tpu.sem_alloc : memref<!tpu.dma_semaphore, #tpu.memory_space<semaphore_mem>>
        %dma_start3A = arith.constant 0 : i32
        %dma_start3A_19 = arith.constant 0 : i32
        %dma_start3A_20 = tpu.memref_slice %arg5[%dma_start3A, %dma_start3A_19] : memref<3136x8xf32, #tpu.memory_space<vmem>> -> memref<2784x8xf32, #tpu.memory_space<vmem>>
        %dma_start3A_21 = arith.constant 0 : i32
        %dma_start3A_22 = tpu.memref_slice %arg2[%run_scoped3A, %multiple_of3A, %dma_start3A_21] : memref<2x100000x8xf32, #tpu.memory_space<hbm>> -> memref<1x2784x8xf32, #tpu.memory_space<hbm>>
        %dma_start3A_23 = tpu.memref_squeeze %dma_start3A_22 : memref<1x2784x8xf32, #tpu.memory_space<hbm>> -> memref<2784x8xf32, #tpu.memory_space<hbm>>
        %dma_start3A_24 = arith.constant 0 : i32
        %dma_start3A_25 = arith.constant 0 : i32
        %dma_start3A_26 = tpu.memref_slice %arg5[%dma_start3A_24, %dma_start3A_25] : memref<3136x8xf32, #tpu.memory_space<vmem>> -> memref<2784x8xf32, #tpu.memory_space<vmem>>
        %dma_start3A_27 = arith.constant 0 : i32
        %dma_start3A_28 = tpu.memref_slice %arg2[%run_scoped3A, %multiple_of3A, %dma_start3A_27] : memref<2x100000x8xf32, #tpu.memory_space<hbm>> -> memref<1x2784x8xf32, #tpu.memory_space<hbm>>
        %dma_start3A_29 = tpu.memref_squeeze %dma_start3A_28 : memref<1x2784x8xf32, #tpu.memory_space<hbm>> -> memref<2784x8xf32, #tpu.memory_space<hbm>>
        tpu.enqueue_dma source(%dma_start3A_29 : memref<2784x8xf32, #tpu.memory_space<hbm>>) target(%dma_start3A_26 : memref<2784x8xf32, #tpu.memory_space<vmem>>) target_semaphore(%run_scoped3A_18 : memref<!tpu.dma_semaphore, #tpu.memory_space<semaphore_mem>>)
        %dma_wait3A = arith.constant 0 : i32
        %dma_wait3A_30 = arith.constant 0 : i32
        %dma_wait3A_31 = tpu.memref_slice %arg5[%dma_wait3A, %dma_wait3A_30] : memref<3136x8xf32, #tpu.memory_space<vmem>> -> memref<2784x8xf32, #tpu.memory_space<vmem>>
        %dma_wait3A_32 = arith.constant 0 : i32
        %dma_wait3A_33 = tpu.memref_slice %arg2[%run_scoped3A, %multiple_of3A, %dma_wait3A_32] : memref<2x100000x8xf32, #tpu.memory_space<hbm>> -> memref<1x2784x8xf32, #tpu.memory_space<hbm>>
        %dma_wait3A_34 = tpu.memref_squeeze %dma_wait3A_33 : memref<1x2784x8xf32, #tpu.memory_space<hbm>> -> memref<2784x8xf32, #tpu.memory_space<hbm>>
        %dma_wait3A_35 = arith.constant 0 : i32
        %dma_wait3A_36 = arith.constant 0 : i32
        %dma_wait3A_37 = tpu.memref_slice %arg5[%dma_wait3A_35, %dma_wait3A_36] : memref<3136x8xf32, #tpu.memory_space<vmem>> -> memref<2784x8xf32, #tpu.memory_space<vmem>>
        %dma_wait3A_38 = arith.constant 0 : i32
        %dma_wait3A_39 = tpu.memref_slice %arg2[%run_scoped3A, %multiple_of3A, %dma_wait3A_38] : memref<2x100000x8xf32, #tpu.memory_space<hbm>> -> memref<1x2784x8xf32, #tpu.memory_space<hbm>>
        %dma_wait3A_40 = tpu.memref_squeeze %dma_wait3A_39 : memref<1x2784x8xf32, #tpu.memory_space<hbm>> -> memref<2784x8xf32, #tpu.memory_space<hbm>>
        tpu.wait_dma2 semaphore(%run_scoped3A_18 : memref<!tpu.dma_semaphore, #tpu.memory_space<semaphore_mem>>) src(%dma_wait3A_40 : memref<2784x8xf32, #tpu.memory_space<hbm>>) dst(%dma_wait3A_37 : memref<2784x8xf32, #tpu.memory_space<vmem>>)
        tpu.yield
      }) : () -> ()
      %run_scoped3A_12 = arith.constant 1 : i32
      "tpu.region"() ({
        %run_scoped3A_18 = tpu.sem_alloc : memref<!tpu.dma_semaphore, #tpu.memory_space<semaphore_mem>>
        %dma_start3A = arith.constant 0 : i32
        %dma_start3A_19 = arith.constant 0 : i32
        %dma_start3A_20 = tpu.memref_slice %arg6[%dma_start3A, %dma_start3A_19] : memref<3136x8xf32, #tpu.memory_space<vmem>> -> memref<2784x8xf32, #tpu.memory_space<vmem>>
        %dma_start3A_21 = arith.constant 0 : i32
        %dma_start3A_22 = tpu.memref_slice %arg2[%run_scoped3A_12, %multiple_of3A, %dma_start3A_21] : memref<2x100000x8xf32, #tpu.memory_space<hbm>> -> memref<1x2784x8xf32, #tpu.memory_space<hbm>>
        %dma_start3A_23 = tpu.memref_squeeze %dma_start3A_22 : memref<1x2784x8xf32, #tpu.memory_space<hbm>> -> memref<2784x8xf32, #tpu.memory_space<hbm>>
        %dma_start3A_24 = arith.constant 0 : i32
        %dma_start3A_25 = arith.constant 0 : i32
        %dma_start3A_26 = tpu.memref_slice %arg6[%dma_start3A_24, %dma_start3A_25] : memref<3136x8xf32, #tpu.memory_space<vmem>> -> memref<2784x8xf32, #tpu.memory_space<vmem>>
        %dma_start3A_27 = arith.constant 0 : i32
        %dma_start3A_28 = tpu.memref_slice %arg2[%run_scoped3A_12, %multiple_of3A, %dma_start3A_27] : memref<2x100000x8xf32, #tpu.memory_space<hbm>> -> memref<1x2784x8xf32, #tpu.memory_space<hbm>>
        %dma_start3A_29 = tpu.memref_squeeze %dma_start3A_28 : memref<1x2784x8xf32, #tpu.memory_space<hbm>> -> memref<2784x8xf32, #tpu.memory_space<hbm>>
        tpu.enqueue_dma source(%dma_start3A_29 : memref<2784x8xf32, #tpu.memory_space<hbm>>) target(%dma_start3A_26 : memref<2784x8xf32, #tpu.memory_space<vmem>>) target_semaphore(%run_scoped3A_18 : memref<!tpu.dma_semaphore, #tpu.memory_space<semaphore_mem>>)
        %dma_wait3A = arith.constant 0 : i32
        %dma_wait3A_30 = arith.constant 0 : i32
        %dma_wait3A_31 = tpu.memref_slice %arg6[%dma_wait3A, %dma_wait3A_30] : memref<3136x8xf32, #tpu.memory_space<vmem>> -> memref<2784x8xf32, #tpu.memory_space<vmem>>
        %dma_wait3A_32 = arith.constant 0 : i32
        %dma_wait3A_33 = tpu.memref_slice %arg2[%run_scoped3A_12, %multiple_of3A, %dma_wait3A_32] : memref<2x100000x8xf32, #tpu.memory_space<hbm>> -> memref<1x2784x8xf32, #tpu.memory_space<hbm>>
        %dma_wait3A_34 = tpu.memref_squeeze %dma_wait3A_33 : memref<1x2784x8xf32, #tpu.memory_space<hbm>> -> memref<2784x8xf32, #tpu.memory_space<hbm>>
        %dma_wait3A_35 = arith.constant 0 : i32
        %dma_wait3A_36 = arith.constant 0 : i32
        %dma_wait3A_37 = tpu.memref_slice %arg6[%dma_wait3A_35, %dma_wait3A_36] : memref<3136x8xf32, #tpu.memory_space<vmem>> -> memref<2784x8xf32, #tpu.memory_space<vmem>>
        %dma_wait3A_38 = arith.constant 0 : i32
        %dma_wait3A_39 = tpu.memref_slice %arg2[%run_scoped3A_12, %multiple_of3A, %dma_wait3A_38] : memref<2x100000x8xf32, #tpu.memory_space<hbm>> -> memref<1x2784x8xf32, #tpu.memory_space<hbm>>
        %dma_wait3A_40 = tpu.memref_squeeze %dma_wait3A_39 : memref<1x2784x8xf32, #tpu.memory_space<hbm>> -> memref<2784x8xf32, #tpu.memory_space<hbm>>
        tpu.wait_dma2 semaphore(%run_scoped3A_18 : memref<!tpu.dma_semaphore, #tpu.memory_space<semaphore_mem>>) src(%dma_wait3A_40 : memref<2784x8xf32, #tpu.memory_space<hbm>>) dst(%dma_wait3A_37 : memref<2784x8xf32, #tpu.memory_space<vmem>>)
        tpu.yield
      }) : () -> ()
      %scan3A = arith.constant 0 : i32
      %scan3A_13 = arith.constant 0 : i32
      %scan3A_14 = arith.constant 174 : i32
      %scan3A_15 = arith.addi %scan3A_13, %scan3A_14 : i32
      %scan3A_16 = arith.constant 1 : i32
      scf.for %scan3A_18 = %scan3A_13 to %scan3A_15 step %scan3A_16  : i32 {
        %mul3A_19 = arith.constant 16 : i32
        %mul3A_20 = arith.muli %scan3A_18, %mul3A_19 : i32
        %add3A_21 = vector.broadcast %mul3A_20 : i32 to vector<16xi32>
        %add3A_22 = arith.addi %add3A_21, %iota3A : vector<16xi32>
        %broadcast_in_dim3A = arith.constant 0.000000e+00 : f32
        %broadcast_in_dim3A_23 = vector.broadcast %broadcast_in_dim3A : f32 to vector<16xf32>
        %broadcast_in_dim3A_24 = arith.constant 0 : i32
        %broadcast_in_dim3A_25 = vector.broadcast %broadcast_in_dim3A_24 : i32 to vector<16xi32>
        %broadcast_in_dim3A_26 = arith.constant 4 : i32
        %broadcast_in_dim3A_27 = vector.broadcast %broadcast_in_dim3A_26 : i32 to vector<16xi32>
        %gather3A = tpu.vector_load_idx %arg5[%add3A_22, %broadcast_in_dim3A_25] : memref<3136x8xf32, #tpu.memory_space<vmem>>[vector<16xi32>, vector<16xi32>], vector<16xf32>,
        %gather3A_28 = tpu.vector_load_idx %arg6[%add3A_22, %broadcast_in_dim3A_25] : memref<3136x8xf32, #tpu.memory_space<vmem>>[vector<16xi32>, vector<16xi32>], vector<16xf32>,
        %add3A_29 = arith.addf %gather3A, %gather3A_28 : vector<16xf32>
        %gather3A_30 = tpu.vector_load_idx %arg5[%add3A_22, %broadcast_in_dim3A_27] : memref<3136x8xf32, #tpu.memory_space<vmem>>[vector<16xi32>, vector<16xi32>], vector<16xf32>,
        %gather3A_31 = tpu.vector_load_idx %arg6[%add3A_22, %broadcast_in_dim3A_27] : memref<3136x8xf32, #tpu.memory_space<vmem>>[vector<16xi32>, vector<16xi32>], vector<16xf32>,
        %add3A_32 = arith.addf %gather3A_30, %gather3A_31 : vector<16xf32>
        %gt3A = arith.constant 0.000000e+00 : f32
        %gt3A_33 = vector.broadcast %gt3A : f32 to vector<16xf32>
        %gt3A_34 = arith.cmpf ogt, %add3A_29, %gt3A_33 : vector<16xf32>
        %div3A = arith.divf %add3A_32, %add3A_29 : vector<16xf32>
        %jit3A = arith.constant 0.000000e+00 : f32
        %broadcast_in_dim3A_35 = vector.broadcast %jit3A : f32 to vector<16xf32>
        %select_n3A = arith.select %gt3A_34, %div3A, %broadcast_in_dim3A_35 : vector<16xi1>, vector<16xf32>
        %add3A_36 = arith.addf %broadcast_in_dim3A_23, %select_n3A : vector<16xf32>
        %broadcast_in_dim3A_37 = arith.constant 1 : i32
        %broadcast_in_dim3A_38 = vector.broadcast %broadcast_in_dim3A_37 : i32 to vector<16xi32>
        %broadcast_in_dim3A_39 = arith.constant 5 : i32
        %broadcast_in_dim3A_40 = vector.broadcast %broadcast_in_dim3A_39 : i32 to vector<16xi32>
        %gather3A_41 = tpu.vector_load_idx %arg5[%add3A_22, %broadcast_in_dim3A_38] : memref<3136x8xf32, #tpu.memory_space<vmem>>[vector<16xi32>, vector<16xi32>], vector<16xf32>,
        %gather3A_42 = tpu.vector_load_idx %arg6[%add3A_22, %broadcast_in_dim3A_38] : memref<3136x8xf32, #tpu.memory_space<vmem>>[vector<16xi32>, vector<16xi32>], vector<16xf32>,
        %add3A_43 = arith.addf %gather3A_41, %gather3A_42 : vector<16xf32>
        %gather3A_44 = tpu.vector_load_idx %arg5[%add3A_22, %broadcast_in_dim3A_40] : memref<3136x8xf32, #tpu.memory_space<vmem>>[vector<16xi32>, vector<16xi32>], vector<16xf32>,
        %gather3A_45 = tpu.vector_load_idx %arg6[%add3A_22, %broadcast_in_dim3A_40] : memref<3136x8xf32, #tpu.memory_space<vmem>>[vector<16xi32>, vector<16xi32>], vector<16xf32>,
        %add3A_46 = arith.addf %gather3A_44, %gather3A_45 : vector<16xf32>
        %gt3A_47 = arith.constant 0.000000e+00 : f32
        %gt3A_48 = vector.broadcast %gt3A_47 : f32 to vector<16xf32>
        %gt3A_49 = arith.cmpf ogt, %add3A_43, %gt3A_48 : vector<16xf32>
        %div3A_50 = arith.divf %add3A_46, %add3A_43 : vector<16xf32>
        %jit3A_51 = arith.constant 0.000000e+00 : f32
        %broadcast_in_dim3A_52 = vector.broadcast %jit3A_51 : f32 to vector<16xf32>
        %select_n3A_53 = arith.select %gt3A_49, %div3A_50, %broadcast_in_dim3A_52 : vector<16xi1>, vector<16xf32>
        %add3A_54 = arith.addf %add3A_36, %select_n3A_53 : vector<16xf32>
        %broadcast_in_dim3A_55 = arith.constant 2 : i32
        %broadcast_in_dim3A_56 = vector.broadcast %broadcast_in_dim3A_55 : i32 to vector<16xi32>
        %broadcast_in_dim3A_57 = arith.constant 6 : i32
        %broadcast_in_dim3A_58 = vector.broadcast %broadcast_in_dim3A_57 : i32 to vector<16xi32>
        %gather3A_59 = tpu.vector_load_idx %arg5[%add3A_22, %broadcast_in_dim3A_56] : memref<3136x8xf32, #tpu.memory_space<vmem>>[vector<16xi32>, vector<16xi32>], vector<16xf32>,
        %gather3A_60 = tpu.vector_load_idx %arg6[%add3A_22, %broadcast_in_dim3A_56] : memref<3136x8xf32, #tpu.memory_space<vmem>>[vector<16xi32>, vector<16xi32>], vector<16xf32>,
        %add3A_61 = arith.addf %gather3A_59, %gather3A_60 : vector<16xf32>
        %gather3A_62 = tpu.vector_load_idx %arg5[%add3A_22, %broadcast_in_dim3A_58] : memref<3136x8xf32, #tpu.memory_space<vmem>>[vector<16xi32>, vector<16xi32>], vector<16xf32>,
        %gather3A_63 = tpu.vector_load_idx %arg6[%add3A_22, %broadcast_in_dim3A_58] : memref<3136x8xf32, #tpu.memory_space<vmem>>[vector<16xi32>, vector<16xi32>], vector<16xf32>,
        %add3A_64 = arith.addf %gather3A_62, %gather3A_63 : vector<16xf32>
        %gt3A_65 = arith.constant 0.000000e+00 : f32
        %gt3A_66 = vector.broadcast %gt3A_65 : f32 to vector<16xf32>
        %gt3A_67 = arith.cmpf ogt, %add3A_61, %gt3A_66 : vector<16xf32>
        %div3A_68 = arith.divf %add3A_64, %add3A_61 : vector<16xf32>
        %jit3A_69 = arith.constant 0.000000e+00 : f32
        %broadcast_in_dim3A_70 = vector.broadcast %jit3A_69 : f32 to vector<16xf32>
        %select_n3A_71 = arith.select %gt3A_67, %div3A_68, %broadcast_in_dim3A_70 : vector<16xi1>, vector<16xf32>
        %add3A_72 = arith.addf %add3A_54, %select_n3A_71 : vector<16xf32>
        %broadcast_in_dim3A_73 = arith.constant 3 : i32
        %broadcast_in_dim3A_74 = vector.broadcast %broadcast_in_dim3A_73 : i32 to vector<16xi32>
        %broadcast_in_dim3A_75 = arith.constant 7 : i32
        %broadcast_in_dim3A_76 = vector.broadcast %broadcast_in_dim3A_75 : i32 to vector<16xi32>
        %gather3A_77 = tpu.vector_load_idx %arg5[%add3A_22, %broadcast_in_dim3A_74] : memref<3136x8xf32, #tpu.memory_space<vmem>>[vector<16xi32>, vector<16xi32>], vector<16xf32>,
        %gather3A_78 = tpu.vector_load_idx %arg6[%add3A_22, %broadcast_in_dim3A_74] : memref<3136x8xf32, #tpu.memory_space<vmem>>[vector<16xi32>, vector<16xi32>], vector<16xf32>,
        %add3A_79 = arith.addf %gather3A_77, %gather3A_78 : vector<16xf32>
        %gather3A_80 = tpu.vector_load_idx %arg5[%add3A_22, %broadcast_in_dim3A_76] : memref<3136x8xf32, #tpu.memory_space<vmem>>[vector<16xi32>, vector<16xi32>], vector<16xf32>,
        %gather3A_81 = tpu.vector_load_idx %arg6[%add3A_22, %broadcast_in_dim3A_76] : memref<3136x8xf32, #tpu.memory_space<vmem>>[vector<16xi32>, vector<16xi32>], vector<16xf32>,
        %add3A_82 = arith.addf %gather3A_80, %gather3A_81 : vector<16xf32>
        %gt3A_83 = arith.constant 0.000000e+00 : f32
        %gt3A_84 = vector.broadcast %gt3A_83 : f32 to vector<16xf32>
        %gt3A_85 = arith.cmpf ogt, %add3A_79, %gt3A_84 : vector<16xf32>
        %div3A_86 = arith.divf %add3A_82, %add3A_79 : vector<16xf32>
        %jit3A_87 = arith.constant 0.000000e+00 : f32
        %broadcast_in_dim3A_88 = vector.broadcast %jit3A_87 : f32 to vector<16xf32>
        %select_n3A_89 = arith.select %gt3A_85, %div3A_86, %broadcast_in_dim3A_88 : vector<16xi1>, vector<16xf32>
        %add3A_90 = arith.addf %add3A_72, %select_n3A_89 : vector<16xf32>
        %mul3A_91 = arith.mulf %add3A_90, %get3A_5 : vector<16xf32>
        %mul3A_92 = arith.constant 16 : i32
        %mul3A_93 = arith.muli %scan3A_18, %mul3A_92 : i32
        %swap3A = arith.index_cast %mul3A_93 : i32 to index
        %swap3A_94 = tpu.vector_load %arg7[%swap3A] {strides = array<i32>} : memref<3136xf32, #tpu.memory_space<vmem>>, vector<16xf32>,
        tpu.vector_store %arg7[%swap3A], %mul3A_91 {strides = array<i32>} : memref<3136xf32, #tpu.memory_space<vmem>>, vector<16xf32>,
      }
      %scan3A_17 = arith.constant 174 : i32
      "tpu.region"() ({
        %run_scoped3A_18 = tpu.sem_alloc : memref<!tpu.dma_semaphore, #tpu.memory_space<semaphore_mem>>
        %dma_start3A = arith.constant 0 : i32
        %dma_start3A_19 = tpu.memref_slice %arg7[%dma_start3A] : memref<3136xf32, #tpu.memory_space<vmem>> -> memref<2784xf32, #tpu.memory_space<vmem>>
        %dma_start3A_20 = tpu.memref_slice %arg4[%multiple_of3A] : memref<100000xf32, #tpu.memory_space<hbm>> -> memref<2784xf32, #tpu.memory_space<hbm>>
        %dma_start3A_21 = tpu.memref_slice %arg4[%multiple_of3A] : memref<100000xf32, #tpu.memory_space<hbm>> -> memref<2784xf32, #tpu.memory_space<hbm>>
        %dma_start3A_22 = arith.constant 0 : i32
        %dma_start3A_23 = tpu.memref_slice %arg7[%dma_start3A_22] : memref<3136xf32, #tpu.memory_space<vmem>> -> memref<2784xf32, #tpu.memory_space<vmem>>
        tpu.enqueue_dma source(%dma_start3A_23 : memref<2784xf32, #tpu.memory_space<vmem>>) target(%dma_start3A_21 : memref<2784xf32, #tpu.memory_space<hbm>>) target_semaphore(%run_scoped3A_18 : memref<!tpu.dma_semaphore, #tpu.memory_space<semaphore_mem>>)
        %dma_wait3A = arith.constant 0 : i32
        %dma_wait3A_24 = tpu.memref_slice %arg7[%dma_wait3A] : memref<3136xf32, #tpu.memory_space<vmem>> -> memref<2784xf32, #tpu.memory_space<vmem>>
        %dma_wait3A_25 = tpu.memref_slice %arg4[%multiple_of3A] : memref<100000xf32, #tpu.memory_space<hbm>> -> memref<2784xf32, #tpu.memory_space<hbm>>
        %dma_wait3A_26 = tpu.memref_slice %arg4[%multiple_of3A] : memref<100000xf32, #tpu.memory_space<hbm>> -> memref<2784xf32, #tpu.memory_space<hbm>>
        %dma_wait3A_27 = arith.constant 0 : i32
        %dma_wait3A_28 = tpu.memref_slice %arg7[%dma_wait3A_27] : memref<3136xf32, #tpu.memory_space<vmem>> -> memref<2784xf32, #tpu.memory_space<vmem>>
        tpu.wait_dma2 semaphore(%run_scoped3A_18 : memref<!tpu.dma_semaphore, #tpu.memory_space<semaphore_mem>>) src(%dma_wait3A_28 : memref<2784xf32, #tpu.memory_space<vmem>>) dst(%dma_wait3A_26 : memref<2784xf32, #tpu.memory_space<hbm>>)
        tpu.yield
      }) : () -> ()
    } else {
    }
    return
  }
}

#map = affine_map<(d0, d1) -> (0, 0, 0)>
#map1 = affine_map<(d0, d1) -> (0, 0)>
#map2 = affine_map<(d0, d1) -> (0)>
module attributes {stable_mosaic.version = 14 : i64} {
  func.func @_edge_pass_body(%arg0: i32, %arg1: i32, %arg2: memref<2x3125x1024xi32, #tpu.memory_space<hbm>>, %arg3: memref<3125x1024xf32, #tpu.memory_space<hbm>>, %arg4: memref<50000xi32, #tpu.memory_space<hbm>>, %arg5: memref<20x16xf32, #tpu.memory_space<hbm>>, %arg6: memref<6256x8xf32, #tpu.memory_space<hbm>>, %arg7: memref<2x100000x8xf32, #tpu.memory_space<hbm>>, %arg8: memref<20x16xf32, #tpu.memory_space<vmem>>, %arg9: memref<1024xi32, #tpu.memory_space<vmem>>, %arg10: memref<1024xi32, #tpu.memory_space<vmem>>, %arg11: memref<1024xf32, #tpu.memory_space<vmem>>, %arg12: memref<1024x8xf32, #tpu.memory_space<vmem>>, %arg13: memref<1024xi32, #tpu.memory_space<vmem>>, %arg14: memref<1024xi32, #tpu.memory_space<vmem>>, %arg15: memref<1024xf32, #tpu.memory_space<vmem>>, %arg16: memref<1024x8xf32, #tpu.memory_space<vmem>>, %arg17: memref<1024xi32, #tpu.memory_space<vmem>>, %arg18: memref<1024xi32, #tpu.memory_space<vmem>>, %arg19: memref<50000xi32, #tpu.memory_space<vmem>>, %arg20: memref<16xf32, #tpu.memory_space<vmem>>, %arg21: memref<16x16xf32, #tpu.memory_space<vmem>>, %arg22: memref<16x16xf32, #tpu.memory_space<vmem_shared>>, %arg23: memref<100000x8xf32, #tpu.memory_space<vmem_shared>>, %arg24: memref<!tpu.dma_semaphore, #tpu.memory_space<semaphore_mem>>, %arg25: memref<!tpu.dma_semaphore, #tpu.memory_space<semaphore_mem>>, %arg26: memref<!tpu.dma_semaphore, #tpu.memory_space<semaphore_mem>>, %arg27: memref<!tpu.dma_semaphore, #tpu.memory_space<semaphore_mem>>) attributes {dimension_semantics = [#tpu.dimension_semantics<core_parallel>, #tpu.dimension_semantics<subcore_parallel>], iteration_bounds = array<i64: 2, 16>, scalar_prefetch = 0 : i64, scratch_operands = 20 : i64, tpu.core_type = #tpu.core_type<sc_vector_subcore>, window_params = [{transform_indices = #map}, {transform_indices = #map1}, {transform_indices = #map2}, {transform_indices = #map1}, {transform_indices = #map1}, {transform_indices = #map}]} {
    %mul3A = arith.constant 2 : i32
    %mul3A_0 = arith.muli %arg1, %mul3A : i32
    %add3A = arith.addi %mul3A_0, %arg0 : i32
    "tpu.region"() ({
      %run_scoped3A = tpu.sem_alloc : memref<!tpu.dma_semaphore, #tpu.memory_space<semaphore_mem>>
      tpu.enqueue_dma source(%arg5 : memref<20x16xf32, #tpu.memory_space<hbm>>) target(%arg8 : memref<20x16xf32, #tpu.memory_space<vmem>>) target_semaphore(%run_scoped3A : memref<!tpu.dma_semaphore, #tpu.memory_space<semaphore_mem>>)
      tpu.wait_dma2 semaphore(%run_scoped3A : memref<!tpu.dma_semaphore, #tpu.memory_space<semaphore_mem>>) src(%arg5 : memref<20x16xf32, #tpu.memory_space<hbm>>) dst(%arg8 : memref<20x16xf32, #tpu.memory_space<vmem>>)
      tpu.yield
    }) : () -> ()
    "tpu.region"() ({
      %run_scoped3A = tpu.sem_alloc : memref<!tpu.dma_semaphore, #tpu.memory_space<semaphore_mem>>
      tpu.enqueue_dma source(%arg4 : memref<50000xi32, #tpu.memory_space<hbm>>) target(%arg19 : memref<50000xi32, #tpu.memory_space<vmem>>) target_semaphore(%run_scoped3A : memref<!tpu.dma_semaphore, #tpu.memory_space<semaphore_mem>>)
      tpu.wait_dma2 semaphore(%run_scoped3A : memref<!tpu.dma_semaphore, #tpu.memory_space<semaphore_mem>>) src(%arg4 : memref<50000xi32, #tpu.memory_space<hbm>>) dst(%arg19 : memref<50000xi32, #tpu.memory_space<vmem>>)
      tpu.yield
    }) : () -> ()
    %iota3A = tpu.iota {dimensions = array<i32: 0>} : vector<16xi32>
    %mul3A_1 = arith.constant 6256 : i32
    %mul3A_2 = arith.muli %arg1, %mul3A_1 : i32
    %multiple_of3A = tpu.assume_multiple %mul3A_2, 8 : i32
    %lt3A = arith.constant 15 : i32
    %lt3A_3 = arith.cmpi slt, %arg1, %lt3A : i32
    %convert_element_type3A = arith.extui %lt3A_3 : i1 to i32
    %cond3A = arith.constant 0 : i32
    %cond3A_4 = arith.cmpi ne, %convert_element_type3A, %cond3A : i32
    scf.if %cond3A_4 {
      "tpu.region"() ({
        %run_scoped3A = tpu.sem_alloc : memref<!tpu.dma_semaphore, #tpu.memory_space<semaphore_mem>>
        %dma_start3A_287 = arith.constant 0 : i32
        %dma_start3A_288 = tpu.memref_slice %arg23[%multiple_of3A, %dma_start3A_287] : memref<100000x8xf32, #tpu.memory_space<vmem_shared>> -> memref<6256x8xf32, #tpu.memory_space<vmem_shared>>
        tpu.enqueue_dma source(%arg6 : memref<6256x8xf32, #tpu.memory_space<hbm>>) target(%dma_start3A_288 : memref<6256x8xf32, #tpu.memory_space<vmem_shared>>) target_semaphore(%run_scoped3A : memref<!tpu.dma_semaphore, #tpu.memory_space<semaphore_mem>>)
        %dma_wait3A = arith.constant 0 : i32
        %dma_wait3A_289 = tpu.memref_slice %arg23[%multiple_of3A, %dma_wait3A] : memref<100000x8xf32, #tpu.memory_space<vmem_shared>> -> memref<6256x8xf32, #tpu.memory_space<vmem_shared>>
        tpu.wait_dma2 semaphore(%run_scoped3A : memref<!tpu.dma_semaphore, #tpu.memory_space<semaphore_mem>>) src(%arg6 : memref<6256x8xf32, #tpu.memory_space<hbm>>) dst(%dma_wait3A_289 : memref<6256x8xf32, #tpu.memory_space<vmem_shared>>)
        tpu.yield
      }) : () -> ()
      %mul3A_276 = arith.constant 3136 : i32
      %mul3A_277 = arith.muli %arg1, %mul3A_276 : i32
      %broadcast_in_dim3A = arith.constant 0.000000e+00 : f32
      %broadcast_in_dim3A_278 = vector.broadcast %broadcast_in_dim3A : f32 to vector<16xf32>
      %scan3A_279 = arith.constant 0 : i32
      %scan3A_280 = arith.constant 196 : i32
      %scan3A_281 = arith.addi %scan3A_279, %scan3A_280 : i32
      %scan3A_282 = arith.constant 1 : i32
      %scan3A_283 = scf.for %scan3A_287 = %scan3A_279 to %scan3A_281 step %scan3A_282 iter_args(%scan3A_288 = %broadcast_in_dim3A_278) -> (vector<16xf32>)  : i32 {
        %mul3A_289 = arith.constant 16 : i32
        %mul3A_290 = arith.muli %scan3A_287, %mul3A_289 : i32
        %add3A_291 = arith.addi %mul3A_277, %mul3A_290 : i32
        %get3A_292 = arith.index_cast %add3A_291 : i32 to index
        %get3A_293 = tpu.vector_load %arg19[%get3A_292] {strides = array<i32>} : memref<50000xi32, #tpu.memory_space<vmem>>, vector<16xi32>,
        %shift_left3A = arith.constant 16 : i32
        %shift_left3A_294 = vector.broadcast %shift_left3A : i32 to vector<16xi32>
        %shift_left3A_295 = arith.shli %get3A_293, %shift_left3A_294 : vector<16xi32>
        %bitcast3A = vector.bitcast %shift_left3A_295 : vector<16xi32> to vector<16xf32>
        %and3A = arith.constant -65536 : i32
        %and3A_296 = vector.broadcast %and3A : i32 to vector<16xi32>
        %and3A_297 = arith.andi %get3A_293, %and3A_296 : vector<16xi32>
        %bitcast3A_298 = vector.bitcast %and3A_297 : vector<16xi32> to vector<16xf32>
        %abs3A_299 = math.absf %bitcast3A : vector<16xf32>
        %abs3A_300 = math.absf %bitcast3A_298 : vector<16xf32>
        %max3A_301 = arith.maximumf %abs3A_299, %abs3A_300 : vector<16xf32>
        %max3A_302 = arith.maximumf %scan3A_288, %max3A_301 : vector<16xf32>
        scf.yield %max3A_302 : vector<16xf32>
      }
      %scan3A_284 = arith.constant 196 : i32
      %swap3A_285 = arith.constant 0 : index
      %swap3A_286 = tpu.vector_load %arg20[%swap3A_285] {strides = array<i32>} : memref<16xf32, #tpu.memory_space<vmem>>, vector<16xf32>,
      tpu.vector_store %arg20[%swap3A_285], %scan3A_283 {strides = array<i32>} : memref<16xf32, #tpu.memory_space<vmem>>, vector<16xf32>,
    } else {
    }
    %eq3A = arith.constant 15 : i32
    %eq3A_5 = arith.cmpi eq, %arg1, %eq3A : i32
    %convert_element_type3A_6 = arith.extui %eq3A_5 : i1 to i32
    %cond3A_7 = arith.constant 0 : i32
    %cond3A_8 = arith.cmpi ne, %convert_element_type3A_6, %cond3A_7 : i32
    scf.if %cond3A_8 {
      "tpu.region"() ({
        %run_scoped3A = tpu.sem_alloc : memref<!tpu.dma_semaphore, #tpu.memory_space<semaphore_mem>>
        %dma_start3A_285 = arith.constant 0 : i32
        %dma_start3A_286 = tpu.memref_slice %arg23[%multiple_of3A, %dma_start3A_285] : memref<100000x8xf32, #tpu.memory_space<vmem_shared>> -> memref<6160x8xf32, #tpu.memory_space<vmem_shared>>
        %dma_start3A_287 = arith.constant 0 : i32
        %dma_start3A_288 = arith.constant 0 : i32
        %dma_start3A_289 = tpu.memref_slice %arg6[%dma_start3A_287, %dma_start3A_288] : memref<6256x8xf32, #tpu.memory_space<hbm>> -> memref<6160x8xf32, #tpu.memory_space<hbm>>
        tpu.enqueue_dma source(%dma_start3A_289 : memref<6160x8xf32, #tpu.memory_space<hbm>>) target(%dma_start3A_286 : memref<6160x8xf32, #tpu.memory_space<vmem_shared>>) target_semaphore(%run_scoped3A : memref<!tpu.dma_semaphore, #tpu.memory_space<semaphore_mem>>)
        %dma_wait3A = arith.constant 0 : i32
        %dma_wait3A_290 = tpu.memref_slice %arg23[%multiple_of3A, %dma_wait3A] : memref<100000x8xf32, #tpu.memory_space<vmem_shared>> -> memref<6160x8xf32, #tpu.memory_space<vmem_shared>>
        %dma_wait3A_291 = arith.constant 0 : i32
        %dma_wait3A_292 = arith.constant 0 : i32
        %dma_wait3A_293 = tpu.memref_slice %arg6[%dma_wait3A_291, %dma_wait3A_292] : memref<6256x8xf32, #tpu.memory_space<hbm>> -> memref<6160x8xf32, #tpu.memory_space<hbm>>
        tpu.wait_dma2 semaphore(%run_scoped3A : memref<!tpu.dma_semaphore, #tpu.memory_space<semaphore_mem>>) src(%dma_wait3A_293 : memref<6160x8xf32, #tpu.memory_space<hbm>>) dst(%dma_wait3A_290 : memref<6160x8xf32, #tpu.memory_space<vmem_shared>>)
        tpu.yield
      }) : () -> ()
      %broadcast_in_dim3A = arith.constant 0.000000e+00 : f32
      %broadcast_in_dim3A_276 = vector.broadcast %broadcast_in_dim3A : f32 to vector<16xf32>
      %scan3A_277 = arith.constant 0 : i32
      %scan3A_278 = arith.constant 185 : i32
      %scan3A_279 = arith.addi %scan3A_277, %scan3A_278 : i32
      %scan3A_280 = arith.constant 1 : i32
      %scan3A_281 = scf.for %scan3A_285 = %scan3A_277 to %scan3A_279 step %scan3A_280 iter_args(%scan3A_286 = %broadcast_in_dim3A_276) -> (vector<16xf32>)  : i32 {
        %mul3A_287 = arith.constant 16 : i32
        %mul3A_288 = arith.muli %scan3A_285, %mul3A_287 : i32
        %add3A_289 = arith.constant 47040 : i32
        %add3A_290 = arith.addi %add3A_289, %mul3A_288 : i32
        %get3A_291 = arith.index_cast %add3A_290 : i32 to index
        %get3A_292 = tpu.vector_load %arg19[%get3A_291] {strides = array<i32>} : memref<50000xi32, #tpu.memory_space<vmem>>, vector<16xi32>,
        %shift_left3A = arith.constant 16 : i32
        %shift_left3A_293 = vector.broadcast %shift_left3A : i32 to vector<16xi32>
        %shift_left3A_294 = arith.shli %get3A_292, %shift_left3A_293 : vector<16xi32>
        %bitcast3A = vector.bitcast %shift_left3A_294 : vector<16xi32> to vector<16xf32>
        %and3A = arith.constant -65536 : i32
        %and3A_295 = vector.broadcast %and3A : i32 to vector<16xi32>
        %and3A_296 = arith.andi %get3A_292, %and3A_295 : vector<16xi32>
        %bitcast3A_297 = vector.bitcast %and3A_296 : vector<16xi32> to vector<16xf32>
        %abs3A_298 = math.absf %bitcast3A : vector<16xf32>
        %abs3A_299 = math.absf %bitcast3A_297 : vector<16xf32>
        %max3A_300 = arith.maximumf %abs3A_298, %abs3A_299 : vector<16xf32>
        %max3A_301 = arith.maximumf %scan3A_286, %max3A_300 : vector<16xf32>
        scf.yield %max3A_301 : vector<16xf32>
      }
      %scan3A_282 = arith.constant 185 : i32
      %swap3A_283 = arith.constant 0 : index
      %swap3A_284 = tpu.vector_load %arg20[%swap3A_283] {strides = array<i32>} : memref<16xf32, #tpu.memory_space<vmem>>, vector<16xf32>,
      tpu.vector_store %arg20[%swap3A_283], %scan3A_281 {strides = array<i32>} : memref<16xf32, #tpu.memory_space<vmem>>, vector<16xf32>,
    } else {
    }
    "tpu.region"() ({
      %run_scoped3A = tpu.sem_alloc : memref<!tpu.dma_semaphore, #tpu.memory_space<semaphore_mem>>
      %dma_start3A_276 = arith.constant 0 : i32
      %dma_start3A_277 = tpu.memref_slice %arg22[%arg1, %dma_start3A_276] : memref<16x16xf32, #tpu.memory_space<vmem_shared>> -> memref<1x16xf32, #tpu.memory_space<vmem_shared>>
      %dma_start3A_278 = tpu.memref_squeeze %dma_start3A_277 : memref<1x16xf32, #tpu.memory_space<vmem_shared>> -> memref<16xf32, #tpu.memory_space<vmem_shared>>
      %dma_start3A_279 = arith.constant 0 : i32
      %dma_start3A_280 = tpu.memref_slice %arg22[%arg1, %dma_start3A_279] : memref<16x16xf32, #tpu.memory_space<vmem_shared>> -> memref<1x16xf32, #tpu.memory_space<vmem_shared>>
      %dma_start3A_281 = tpu.memref_squeeze %dma_start3A_280 : memref<1x16xf32, #tpu.memory_space<vmem_shared>> -> memref<16xf32, #tpu.memory_space<vmem_shared>>
      tpu.enqueue_dma source(%arg20 : memref<16xf32, #tpu.memory_space<vmem>>) target(%dma_start3A_281 : memref<16xf32, #tpu.memory_space<vmem_shared>>) target_semaphore(%run_scoped3A : memref<!tpu.dma_semaphore, #tpu.memory_space<semaphore_mem>>)
      %dma_wait3A = arith.constant 0 : i32
      %dma_wait3A_282 = tpu.memref_slice %arg22[%arg1, %dma_wait3A] : memref<16x16xf32, #tpu.memory_space<vmem_shared>> -> memref<1x16xf32, #tpu.memory_space<vmem_shared>>
      %dma_wait3A_283 = tpu.memref_squeeze %dma_wait3A_282 : memref<1x16xf32, #tpu.memory_space<vmem_shared>> -> memref<16xf32, #tpu.memory_space<vmem_shared>>
      %dma_wait3A_284 = arith.constant 0 : i32
      %dma_wait3A_285 = tpu.memref_slice %arg22[%arg1, %dma_wait3A_284] : memref<16x16xf32, #tpu.memory_space<vmem_shared>> -> memref<1x16xf32, #tpu.memory_space<vmem_shared>>
      %dma_wait3A_286 = tpu.memref_squeeze %dma_wait3A_285 : memref<1x16xf32, #tpu.memory_space<vmem_shared>> -> memref<16xf32, #tpu.memory_space<vmem_shared>>
      tpu.wait_dma2 semaphore(%run_scoped3A : memref<!tpu.dma_semaphore, #tpu.memory_space<semaphore_mem>>) src(%arg20 : memref<16xf32, #tpu.memory_space<vmem>>) dst(%dma_wait3A_286 : memref<16xf32, #tpu.memory_space<vmem_shared>>)
      tpu.yield
    }) : () -> ()
    %barrier3A = arith.constant 0 : index
    tpu.barrier barrier_id(%barrier3A)
    "tpu.region"() ({
      %run_scoped3A = tpu.sem_alloc : memref<!tpu.dma_semaphore, #tpu.memory_space<semaphore_mem>>
      tpu.enqueue_dma source(%arg22 : memref<16x16xf32, #tpu.memory_space<vmem_shared>>) target(%arg21 : memref<16x16xf32, #tpu.memory_space<vmem>>) target_semaphore(%run_scoped3A : memref<!tpu.dma_semaphore, #tpu.memory_space<semaphore_mem>>)
      tpu.wait_dma2 semaphore(%run_scoped3A : memref<!tpu.dma_semaphore, #tpu.memory_space<semaphore_mem>>) src(%arg22 : memref<16x16xf32, #tpu.memory_space<vmem_shared>>) dst(%arg21 : memref<16x16xf32, #tpu.memory_space<vmem>>)
      tpu.yield
    }) : () -> ()
    %get3A = arith.constant 0 : i32
    %get3A_9 = arith.index_cast %get3A : i32 to index
    %get3A_10 = arith.constant 0 : index
    %get3A_11 = tpu.vector_load %arg21[%get3A_9, %get3A_10] {strides = array<i32>} : memref<16x16xf32, #tpu.memory_space<vmem>>, vector<16xf32>,
    %get3A_12 = arith.constant 1 : i32
    %get3A_13 = arith.index_cast %get3A_12 : i32 to index
    %get3A_14 = arith.constant 0 : index
    %get3A_15 = tpu.vector_load %arg21[%get3A_13, %get3A_14] {strides = array<i32>} : memref<16x16xf32, #tpu.memory_space<vmem>>, vector<16xf32>,
    %max3A = arith.maximumf %get3A_11, %get3A_15 : vector<16xf32>
    %get3A_16 = arith.constant 2 : i32
    %get3A_17 = arith.index_cast %get3A_16 : i32 to index
    %get3A_18 = arith.constant 0 : index
    %get3A_19 = tpu.vector_load %arg21[%get3A_17, %get3A_18] {strides = array<i32>} : memref<16x16xf32, #tpu.memory_space<vmem>>, vector<16xf32>,
    %max3A_20 = arith.maximumf %max3A, %get3A_19 : vector<16xf32>
    %get3A_21 = arith.constant 3 : i32
    %get3A_22 = arith.index_cast %get3A_21 : i32 to index
    %get3A_23 = arith.constant 0 : index
    %get3A_24 = tpu.vector_load %arg21[%get3A_22, %get3A_23] {strides = array<i32>} : memref<16x16xf32, #tpu.memory_space<vmem>>, vector<16xf32>,
    %max3A_25 = arith.maximumf %max3A_20, %get3A_24 : vector<16xf32>
    %get3A_26 = arith.constant 4 : i32
    %get3A_27 = arith.index_cast %get3A_26 : i32 to index
    %get3A_28 = arith.constant 0 : index
    %get3A_29 = tpu.vector_load %arg21[%get3A_27, %get3A_28] {strides = array<i32>} : memref<16x16xf32, #tpu.memory_space<vmem>>, vector<16xf32>,
    %max3A_30 = arith.maximumf %max3A_25, %get3A_29 : vector<16xf32>
    %get3A_31 = arith.constant 5 : i32
    %get3A_32 = arith.index_cast %get3A_31 : i32 to index
    %get3A_33 = arith.constant 0 : index
    %get3A_34 = tpu.vector_load %arg21[%get3A_32, %get3A_33] {strides = array<i32>} : memref<16x16xf32, #tpu.memory_space<vmem>>, vector<16xf32>,
    %max3A_35 = arith.maximumf %max3A_30, %get3A_34 : vector<16xf32>
    %get3A_36 = arith.constant 6 : i32
    %get3A_37 = arith.index_cast %get3A_36 : i32 to index
    %get3A_38 = arith.constant 0 : index
    %get3A_39 = tpu.vector_load %arg21[%get3A_37, %get3A_38] {strides = array<i32>} : memref<16x16xf32, #tpu.memory_space<vmem>>, vector<16xf32>,
    %max3A_40 = arith.maximumf %max3A_35, %get3A_39 : vector<16xf32>
    %get3A_41 = arith.constant 7 : i32
    %get3A_42 = arith.index_cast %get3A_41 : i32 to index
    %get3A_43 = arith.constant 0 : index
    %get3A_44 = tpu.vector_load %arg21[%get3A_42, %get3A_43] {strides = array<i32>} : memref<16x16xf32, #tpu.memory_space<vmem>>, vector<16xf32>,
    %max3A_45 = arith.maximumf %max3A_40, %get3A_44 : vector<16xf32>
    %get3A_46 = arith.constant 8 : i32
    %get3A_47 = arith.index_cast %get3A_46 : i32 to index
    %get3A_48 = arith.constant 0 : index
    %get3A_49 = tpu.vector_load %arg21[%get3A_47, %get3A_48] {strides = array<i32>} : memref<16x16xf32, #tpu.memory_space<vmem>>, vector<16xf32>,
    %max3A_50 = arith.maximumf %max3A_45, %get3A_49 : vector<16xf32>
    %get3A_51 = arith.constant 9 : i32
    %get3A_52 = arith.index_cast %get3A_51 : i32 to index
    %get3A_53 = arith.constant 0 : index
    %get3A_54 = tpu.vector_load %arg21[%get3A_52, %get3A_53] {strides = array<i32>} : memref<16x16xf32, #tpu.memory_space<vmem>>, vector<16xf32>,
    %max3A_55 = arith.maximumf %max3A_50, %get3A_54 : vector<16xf32>
    %get3A_56 = arith.constant 10 : i32
    %get3A_57 = arith.index_cast %get3A_56 : i32 to index
    %get3A_58 = arith.constant 0 : index
    %get3A_59 = tpu.vector_load %arg21[%get3A_57, %get3A_58] {strides = array<i32>} : memref<16x16xf32, #tpu.memory_space<vmem>>, vector<16xf32>,
    %max3A_60 = arith.maximumf %max3A_55, %get3A_59 : vector<16xf32>
    %get3A_61 = arith.constant 11 : i32
    %get3A_62 = arith.index_cast %get3A_61 : i32 to index
    %get3A_63 = arith.constant 0 : index
    %get3A_64 = tpu.vector_load %arg21[%get3A_62, %get3A_63] {strides = array<i32>} : memref<16x16xf32, #tpu.memory_space<vmem>>, vector<16xf32>,
    %max3A_65 = arith.maximumf %max3A_60, %get3A_64 : vector<16xf32>
    %get3A_66 = arith.constant 12 : i32
    %get3A_67 = arith.index_cast %get3A_66 : i32 to index
    %get3A_68 = arith.constant 0 : index
    %get3A_69 = tpu.vector_load %arg21[%get3A_67, %get3A_68] {strides = array<i32>} : memref<16x16xf32, #tpu.memory_space<vmem>>, vector<16xf32>,
    %max3A_70 = arith.maximumf %max3A_65, %get3A_69 : vector<16xf32>
    %get3A_71 = arith.constant 13 : i32
    %get3A_72 = arith.index_cast %get3A_71 : i32 to index
    %get3A_73 = arith.constant 0 : index
    %get3A_74 = tpu.vector_load %arg21[%get3A_72, %get3A_73] {strides = array<i32>} : memref<16x16xf32, #tpu.memory_space<vmem>>, vector<16xf32>,
    %max3A_75 = arith.maximumf %max3A_70, %get3A_74 : vector<16xf32>
    %get3A_76 = arith.constant 14 : i32
    %get3A_77 = arith.index_cast %get3A_76 : i32 to index
    %get3A_78 = arith.constant 0 : index
    %get3A_79 = tpu.vector_load %arg21[%get3A_77, %get3A_78] {strides = array<i32>} : memref<16x16xf32, #tpu.memory_space<vmem>>, vector<16xf32>,
    %max3A_80 = arith.maximumf %max3A_75, %get3A_79 : vector<16xf32>
    %get3A_81 = arith.constant 15 : i32
    %get3A_82 = arith.index_cast %get3A_81 : i32 to index
    %get3A_83 = arith.constant 0 : index
    %get3A_84 = tpu.vector_load %arg21[%get3A_82, %get3A_83] {strides = array<i32>} : memref<16x16xf32, #tpu.memory_space<vmem>>, vector<16xf32>,
    %max3A_85 = arith.maximumf %max3A_80, %get3A_84 : vector<16xf32>
    %swap3A = arith.constant 0 : index
    %swap3A_86 = tpu.vector_load %arg20[%swap3A] {strides = array<i32>} : memref<16xf32, #tpu.memory_space<vmem>>, vector<16xf32>,
    tpu.vector_store %arg20[%swap3A], %max3A_85 {strides = array<i32>} : memref<16xf32, #tpu.memory_space<vmem>>, vector<16xf32>,
    %xor3A = arith.constant 1 : i32
    %xor3A_87 = vector.broadcast %xor3A : i32 to vector<16xi32>
    %xor3A_88 = arith.xori %iota3A, %xor3A_87 : vector<16xi32>
    %gather3A = tpu.vector_load_idx %arg20[%xor3A_88] : memref<16xf32, #tpu.memory_space<vmem>>[vector<16xi32>], vector<16xf32>,
    %max3A_89 = arith.maximumf %max3A_85, %gather3A : vector<16xf32>
    %swap3A_90 = arith.constant 0 : index
    %swap3A_91 = tpu.vector_load %arg20[%swap3A_90] {strides = array<i32>} : memref<16xf32, #tpu.memory_space<vmem>>, vector<16xf32>,
    tpu.vector_store %arg20[%swap3A_90], %max3A_89 {strides = array<i32>} : memref<16xf32, #tpu.memory_space<vmem>>, vector<16xf32>,
    %xor3A_92 = arith.constant 2 : i32
    %xor3A_93 = vector.broadcast %xor3A_92 : i32 to vector<16xi32>
    %xor3A_94 = arith.xori %iota3A, %xor3A_93 : vector<16xi32>
    %gather3A_95 = tpu.vector_load_idx %arg20[%xor3A_94] : memref<16xf32, #tpu.memory_space<vmem>>[vector<16xi32>], vector<16xf32>,
    %max3A_96 = arith.maximumf %max3A_89, %gather3A_95 : vector<16xf32>
    %swap3A_97 = arith.constant 0 : index
    %swap3A_98 = tpu.vector_load %arg20[%swap3A_97] {strides = array<i32>} : memref<16xf32, #tpu.memory_space<vmem>>, vector<16xf32>,
    tpu.vector_store %arg20[%swap3A_97], %max3A_96 {strides = array<i32>} : memref<16xf32, #tpu.memory_space<vmem>>, vector<16xf32>,
    %xor3A_99 = arith.constant 4 : i32
    %xor3A_100 = vector.broadcast %xor3A_99 : i32 to vector<16xi32>
    %xor3A_101 = arith.xori %iota3A, %xor3A_100 : vector<16xi32>
    %gather3A_102 = tpu.vector_load_idx %arg20[%xor3A_101] : memref<16xf32, #tpu.memory_space<vmem>>[vector<16xi32>], vector<16xf32>,
    %max3A_103 = arith.maximumf %max3A_96, %gather3A_102 : vector<16xf32>
    %swap3A_104 = arith.constant 0 : index
    %swap3A_105 = tpu.vector_load %arg20[%swap3A_104] {strides = array<i32>} : memref<16xf32, #tpu.memory_space<vmem>>, vector<16xf32>,
    tpu.vector_store %arg20[%swap3A_104], %max3A_103 {strides = array<i32>} : memref<16xf32, #tpu.memory_space<vmem>>, vector<16xf32>,
    %xor3A_106 = arith.constant 8 : i32
    %xor3A_107 = vector.broadcast %xor3A_106 : i32 to vector<16xi32>
    %xor3A_108 = arith.xori %iota3A, %xor3A_107 : vector<16xi32>
    %gather3A_109 = tpu.vector_load_idx %arg20[%xor3A_108] : memref<16xf32, #tpu.memory_space<vmem>>[vector<16xi32>], vector<16xf32>,
    %max3A_110 = arith.maximumf %max3A_103, %gather3A_109 : vector<16xf32>
    %get3A_111 = arith.constant 0 : i32
    %get3A_112 = arith.index_cast %get3A_111 : i32 to index
    %get3A_113 = arith.constant 0 : index
    %get3A_114 = tpu.vector_load %arg8[%get3A_112, %get3A_113] {strides = array<i32>} : memref<20x16xf32, #tpu.memory_space<vmem>>, vector<16xf32>,
    %get3A_115 = arith.constant 1 : i32
    %get3A_116 = arith.index_cast %get3A_115 : i32 to index
    %get3A_117 = arith.constant 0 : index
    %get3A_118 = tpu.vector_load %arg8[%get3A_116, %get3A_117] {strides = array<i32>} : memref<20x16xf32, #tpu.memory_space<vmem>>, vector<16xf32>,
    %get3A_119 = arith.constant 2 : i32
    %get3A_120 = arith.index_cast %get3A_119 : i32 to index
    %get3A_121 = arith.constant 0 : index
    %get3A_122 = tpu.vector_load %arg8[%get3A_120, %get3A_121] {strides = array<i32>} : memref<20x16xf32, #tpu.memory_space<vmem>>, vector<16xf32>,
    %get3A_123 = arith.constant 3 : i32
    %get3A_124 = arith.index_cast %get3A_123 : i32 to index
    %get3A_125 = arith.constant 0 : index
    %get3A_126 = tpu.vector_load %arg8[%get3A_124, %get3A_125] {strides = array<i32>} : memref<20x16xf32, #tpu.memory_space<vmem>>, vector<16xf32>,
    %get3A_127 = arith.constant 4 : i32
    %get3A_128 = arith.index_cast %get3A_127 : i32 to index
    %get3A_129 = arith.constant 0 : index
    %get3A_130 = tpu.vector_load %arg8[%get3A_128, %get3A_129] {strides = array<i32>} : memref<20x16xf32, #tpu.memory_space<vmem>>, vector<16xf32>,
    %get3A_131 = arith.constant 5 : i32
    %get3A_132 = arith.index_cast %get3A_131 : i32 to index
    %get3A_133 = arith.constant 0 : index
    %get3A_134 = tpu.vector_load %arg8[%get3A_132, %get3A_133] {strides = array<i32>} : memref<20x16xf32, #tpu.memory_space<vmem>>, vector<16xf32>,
    %get3A_135 = arith.constant 6 : i32
    %get3A_136 = arith.index_cast %get3A_135 : i32 to index
    %get3A_137 = arith.constant 0 : index
    %get3A_138 = tpu.vector_load %arg8[%get3A_136, %get3A_137] {strides = array<i32>} : memref<20x16xf32, #tpu.memory_space<vmem>>, vector<16xf32>,
    %get3A_139 = arith.constant 7 : i32
    %get3A_140 = arith.index_cast %get3A_139 : i32 to index
    %get3A_141 = arith.constant 0 : index
    %get3A_142 = tpu.vector_load %arg8[%get3A_140, %get3A_141] {strides = array<i32>} : memref<20x16xf32, #tpu.memory_space<vmem>>, vector<16xf32>,
    %get3A_143 = arith.constant 8 : i32
    %get3A_144 = arith.index_cast %get3A_143 : i32 to index
    %get3A_145 = arith.constant 0 : index
    %get3A_146 = tpu.vector_load %arg8[%get3A_144, %get3A_145] {strides = array<i32>} : memref<20x16xf32, #tpu.memory_space<vmem>>, vector<16xf32>,
    %get3A_147 = arith.constant 9 : i32
    %get3A_148 = arith.index_cast %get3A_147 : i32 to index
    %get3A_149 = arith.constant 0 : index
    %get3A_150 = tpu.vector_load %arg8[%get3A_148, %get3A_149] {strides = array<i32>} : memref<20x16xf32, #tpu.memory_space<vmem>>, vector<16xf32>,
    %get3A_151 = arith.constant 10 : i32
    %get3A_152 = arith.index_cast %get3A_151 : i32 to index
    %get3A_153 = arith.constant 0 : index
    %get3A_154 = tpu.vector_load %arg8[%get3A_152, %get3A_153] {strides = array<i32>} : memref<20x16xf32, #tpu.memory_space<vmem>>, vector<16xf32>,
    %get3A_155 = arith.constant 11 : i32
    %get3A_156 = arith.index_cast %get3A_155 : i32 to index
    %get3A_157 = arith.constant 0 : index
    %get3A_158 = tpu.vector_load %arg8[%get3A_156, %get3A_157] {strides = array<i32>} : memref<20x16xf32, #tpu.memory_space<vmem>>, vector<16xf32>,
    %get3A_159 = arith.constant 12 : i32
    %get3A_160 = arith.index_cast %get3A_159 : i32 to index
    %get3A_161 = arith.constant 0 : index
    %get3A_162 = tpu.vector_load %arg8[%get3A_160, %get3A_161] {strides = array<i32>} : memref<20x16xf32, #tpu.memory_space<vmem>>, vector<16xf32>,
    %get3A_163 = arith.constant 13 : i32
    %get3A_164 = arith.index_cast %get3A_163 : i32 to index
    %get3A_165 = arith.constant 0 : index
    %get3A_166 = tpu.vector_load %arg8[%get3A_164, %get3A_165] {strides = array<i32>} : memref<20x16xf32, #tpu.memory_space<vmem>>, vector<16xf32>,
    %get3A_167 = arith.constant 14 : i32
    %get3A_168 = arith.index_cast %get3A_167 : i32 to index
    %get3A_169 = arith.constant 0 : index
    %get3A_170 = tpu.vector_load %arg8[%get3A_168, %get3A_169] {strides = array<i32>} : memref<20x16xf32, #tpu.memory_space<vmem>>, vector<16xf32>,
    %get3A_171 = arith.constant 15 : i32
    %get3A_172 = arith.index_cast %get3A_171 : i32 to index
    %get3A_173 = arith.constant 0 : index
    %get3A_174 = tpu.vector_load %arg8[%get3A_172, %get3A_173] {strides = array<i32>} : memref<20x16xf32, #tpu.memory_space<vmem>>, vector<16xf32>,
    %get3A_175 = arith.constant 16 : i32
    %get3A_176 = arith.index_cast %get3A_175 : i32 to index
    %get3A_177 = arith.constant 0 : index
    %get3A_178 = tpu.vector_load %arg8[%get3A_176, %get3A_177] {strides = array<i32>} : memref<20x16xf32, #tpu.memory_space<vmem>>, vector<16xf32>,
    %get3A_179 = arith.constant 17 : i32
    %get3A_180 = arith.index_cast %get3A_179 : i32 to index
    %get3A_181 = arith.constant 0 : index
    %get3A_182 = tpu.vector_load %arg8[%get3A_180, %get3A_181] {strides = array<i32>} : memref<20x16xf32, #tpu.memory_space<vmem>>, vector<16xf32>,
    %get3A_183 = arith.constant 18 : i32
    %get3A_184 = arith.index_cast %get3A_183 : i32 to index
    %get3A_185 = arith.constant 0 : index
    %get3A_186 = tpu.vector_load %arg8[%get3A_184, %get3A_185] {strides = array<i32>} : memref<20x16xf32, #tpu.memory_space<vmem>>, vector<16xf32>,
    %get3A_187 = arith.constant 19 : i32
    %get3A_188 = arith.index_cast %get3A_187 : i32 to index
    %get3A_189 = arith.constant 0 : index
    %get3A_190 = tpu.vector_load %arg8[%get3A_188, %get3A_189] {strides = array<i32>} : memref<20x16xf32, #tpu.memory_space<vmem>>, vector<16xf32>,
    %abs3A = math.absf %get3A_114 : vector<16xf32>
    %mul3A_191 = arith.mulf %abs3A, %max3A_110 : vector<16xf32>
    %abs3A_192 = math.absf %get3A_130 : vector<16xf32>
    %mul3A_193 = arith.mulf %abs3A_192, %max3A_110 : vector<16xf32>
    %add3A_194 = arith.addf %mul3A_191, %mul3A_193 : vector<16xf32>
    %abs3A_195 = math.absf %get3A_146 : vector<16xf32>
    %add3A_196 = arith.addf %add3A_194, %abs3A_195 : vector<16xf32>
    %abs3A_197 = math.absf %get3A_162 : vector<16xf32>
    %add3A_198 = arith.addf %add3A_196, %abs3A_197 : vector<16xf32>
    %abs3A_199 = math.absf %get3A_178 : vector<16xf32>
    %add3A_200 = arith.addf %add3A_198, %abs3A_199 : vector<16xf32>
    %abs3A_201 = math.absf %get3A_118 : vector<16xf32>
    %mul3A_202 = arith.mulf %abs3A_201, %max3A_110 : vector<16xf32>
    %abs3A_203 = math.absf %get3A_134 : vector<16xf32>
    %mul3A_204 = arith.mulf %abs3A_203, %max3A_110 : vector<16xf32>
    %add3A_205 = arith.addf %mul3A_202, %mul3A_204 : vector<16xf32>
    %abs3A_206 = math.absf %get3A_150 : vector<16xf32>
    %add3A_207 = arith.addf %add3A_205, %abs3A_206 : vector<16xf32>
    %abs3A_208 = math.absf %get3A_166 : vector<16xf32>
    %add3A_209 = arith.addf %add3A_207, %abs3A_208 : vector<16xf32>
    %abs3A_210 = math.absf %get3A_182 : vector<16xf32>
    %add3A_211 = arith.addf %add3A_209, %abs3A_210 : vector<16xf32>
    %abs3A_212 = math.absf %get3A_122 : vector<16xf32>
    %mul3A_213 = arith.mulf %abs3A_212, %max3A_110 : vector<16xf32>
    %abs3A_214 = math.absf %get3A_138 : vector<16xf32>
    %mul3A_215 = arith.mulf %abs3A_214, %max3A_110 : vector<16xf32>
    %add3A_216 = arith.addf %mul3A_213, %mul3A_215 : vector<16xf32>
    %abs3A_217 = math.absf %get3A_154 : vector<16xf32>
    %add3A_218 = arith.addf %add3A_216, %abs3A_217 : vector<16xf32>
    %abs3A_219 = math.absf %get3A_170 : vector<16xf32>
    %add3A_220 = arith.addf %add3A_218, %abs3A_219 : vector<16xf32>
    %abs3A_221 = math.absf %get3A_186 : vector<16xf32>
    %add3A_222 = arith.addf %add3A_220, %abs3A_221 : vector<16xf32>
    %abs3A_223 = math.absf %get3A_126 : vector<16xf32>
    %mul3A_224 = arith.mulf %abs3A_223, %max3A_110 : vector<16xf32>
    %abs3A_225 = math.absf %get3A_142 : vector<16xf32>
    %mul3A_226 = arith.mulf %abs3A_225, %max3A_110 : vector<16xf32>
    %add3A_227 = arith.addf %mul3A_224, %mul3A_226 : vector<16xf32>
    %abs3A_228 = math.absf %get3A_158 : vector<16xf32>
    %add3A_229 = arith.addf %add3A_227, %abs3A_228 : vector<16xf32>
    %abs3A_230 = math.absf %get3A_174 : vector<16xf32>
    %add3A_231 = arith.addf %add3A_229, %abs3A_230 : vector<16xf32>
    %abs3A_232 = math.absf %get3A_190 : vector<16xf32>
    %add3A_233 = arith.addf %add3A_231, %abs3A_232 : vector<16xf32>
    %dma_start3A = arith.constant 0 : i32
    %dma_start3A_234 = arith.constant 0 : i32
    %dma_start3A_235 = tpu.memref_slice %arg2[%dma_start3A, %add3A, %dma_start3A_234] : memref<2x3125x1024xi32, #tpu.memory_space<hbm>> -> memref<1x1x1024xi32, #tpu.memory_space<hbm>>
    %dma_start3A_236 = tpu.memref_squeeze %dma_start3A_235 : memref<1x1x1024xi32, #tpu.memory_space<hbm>> -> memref<1024xi32, #tpu.memory_space<hbm>>
    %dma_start3A_237 = arith.constant 0 : i32
    %dma_start3A_238 = tpu.memref_slice %arg2[%dma_start3A, %add3A, %dma_start3A_237] : memref<2x3125x1024xi32, #tpu.memory_space<hbm>> -> memref<1x1x1024xi32, #tpu.memory_space<hbm>>
    %dma_start3A_239 = tpu.memref_squeeze %dma_start3A_238 : memref<1x1x1024xi32, #tpu.memory_space<hbm>> -> memref<1024xi32, #tpu.memory_space<hbm>>
    tpu.enqueue_dma source(%dma_start3A_239 : memref<1024xi32, #tpu.memory_space<hbm>>) target(%arg9 : memref<1024xi32, #tpu.memory_space<vmem>>) target_semaphore(%arg24 : memref<!tpu.dma_semaphore, #tpu.memory_space<semaphore_mem>>)
    %dma_start3A_240 = arith.constant 1 : i32
    %dma_start3A_241 = arith.constant 0 : i32
    %dma_start3A_242 = tpu.memref_slice %arg2[%dma_start3A_240, %add3A, %dma_start3A_241] : memref<2x3125x1024xi32, #tpu.memory_space<hbm>> -> memref<1x1x1024xi32, #tpu.memory_space<hbm>>
    %dma_start3A_243 = tpu.memref_squeeze %dma_start3A_242 : memref<1x1x1024xi32, #tpu.memory_space<hbm>> -> memref<1024xi32, #tpu.memory_space<hbm>>
    %dma_start3A_244 = arith.constant 0 : i32
    %dma_start3A_245 = tpu.memref_slice %arg2[%dma_start3A_240, %add3A, %dma_start3A_244] : memref<2x3125x1024xi32, #tpu.memory_space<hbm>> -> memref<1x1x1024xi32, #tpu.memory_space<hbm>>
    %dma_start3A_246 = tpu.memref_squeeze %dma_start3A_245 : memref<1x1x1024xi32, #tpu.memory_space<hbm>> -> memref<1024xi32, #tpu.memory_space<hbm>>
    tpu.enqueue_dma source(%dma_start3A_246 : memref<1024xi32, #tpu.memory_space<hbm>>) target(%arg10 : memref<1024xi32, #tpu.memory_space<vmem>>) target_semaphore(%arg24 : memref<!tpu.dma_semaphore, #tpu.memory_space<semaphore_mem>>)
    %dma_start3A_247 = arith.constant 0 : i32
    %dma_start3A_248 = tpu.memref_slice %arg3[%add3A, %dma_start3A_247] : memref<3125x1024xf32, #tpu.memory_space<hbm>> -> memref<1x1024xf32, #tpu.memory_space<hbm>>
    %dma_start3A_249 = tpu.memref_squeeze %dma_start3A_248 : memref<1x1024xf32, #tpu.memory_space<hbm>> -> memref<1024xf32, #tpu.memory_space<hbm>>
    %dma_start3A_250 = arith.constant 0 : i32
    %dma_start3A_251 = tpu.memref_slice %arg3[%add3A, %dma_start3A_250] : memref<3125x1024xf32, #tpu.memory_space<hbm>> -> memref<1x1024xf32, #tpu.memory_space<hbm>>
    %dma_start3A_252 = tpu.memref_squeeze %dma_start3A_251 : memref<1x1024xf32, #tpu.memory_space<hbm>> -> memref<1024xf32, #tpu.memory_space<hbm>>
    tpu.enqueue_dma source(%dma_start3A_252 : memref<1024xf32, #tpu.memory_space<hbm>>) target(%arg11 : memref<1024xf32, #tpu.memory_space<vmem>>) target_semaphore(%arg24 : memref<!tpu.dma_semaphore, #tpu.memory_space<semaphore_mem>>)
    %scan3A = arith.constant 0 : i32
    %scan3A_253 = arith.constant 0 : i32
    %scan3A_254 = arith.constant 49 : i32
    %scan3A_255 = arith.addi %scan3A_253, %scan3A_254 : i32
    %scan3A_256 = arith.constant 1 : i32
    scf.for %scan3A_276 = %scan3A_253 to %scan3A_255 step %scan3A_256  : i32 {
      %mul3A_277 = arith.constant 2 : i32
      %mul3A_278 = arith.muli %mul3A_277, %scan3A_276 : i32
      %add3A_279 = arith.constant 0 : i32
      %add3A_280 = arith.addi %mul3A_278, %add3A_279 : i32
      %mul3A_281 = arith.constant 32 : i32
      %mul3A_282 = arith.muli %add3A_280, %mul3A_281 : i32
      %add3A_283 = arith.addi %add3A, %mul3A_282 : i32
      %sub3A = arith.constant 32 : i32
      %sub3A_284 = arith.subi %add3A_283, %sub3A : i32
      %add3A_285 = arith.constant 32 : i32
      %add3A_286 = arith.addi %add3A_283, %add3A_285 : i32
      %lt3A_287 = arith.constant 3125 : i32
      %lt3A_288 = arith.cmpi slt, %add3A_283, %lt3A_287 : i32
      %convert_element_type3A_289 = arith.extui %lt3A_288 : i1 to i32
      %cond3A_290 = arith.constant 0 : i32
      %cond3A_291 = arith.cmpi ne, %convert_element_type3A_289, %cond3A_290 : i32
      scf.if %cond3A_291 {
        %dma_wait3A = arith.constant 0 : i32
        %dma_wait3A_352 = arith.constant 0 : i32
        %dma_wait3A_353 = tpu.memref_slice %arg2[%dma_wait3A, %add3A_283, %dma_wait3A_352] : memref<2x3125x1024xi32, #tpu.memory_space<hbm>> -> memref<1x1x1024xi32, #tpu.memory_space<hbm>>
        %dma_wait3A_354 = tpu.memref_squeeze %dma_wait3A_353 : memref<1x1x1024xi32, #tpu.memory_space<hbm>> -> memref<1024xi32, #tpu.memory_space<hbm>>
        %dma_wait3A_355 = arith.constant 0 : i32
        %dma_wait3A_356 = tpu.memref_slice %arg2[%dma_wait3A, %add3A_283, %dma_wait3A_355] : memref<2x3125x1024xi32, #tpu.memory_space<hbm>> -> memref<1x1x1024xi32, #tpu.memory_space<hbm>>
        %dma_wait3A_357 = tpu.memref_squeeze %dma_wait3A_356 : memref<1x1x1024xi32, #tpu.memory_space<hbm>> -> memref<1024xi32, #tpu.memory_space<hbm>>
        tpu.wait_dma2 semaphore(%arg24 : memref<!tpu.dma_semaphore, #tpu.memory_space<semaphore_mem>>) src(%dma_wait3A_357 : memref<1024xi32, #tpu.memory_space<hbm>>) dst(%arg9 : memref<1024xi32, #tpu.memory_space<vmem>>)
        %dma_wait3A_358 = arith.constant 1 : i32
        %dma_wait3A_359 = arith.constant 0 : i32
        %dma_wait3A_360 = tpu.memref_slice %arg2[%dma_wait3A_358, %add3A_283, %dma_wait3A_359] : memref<2x3125x1024xi32, #tpu.memory_space<hbm>> -> memref<1x1x1024xi32, #tpu.memory_space<hbm>>
        %dma_wait3A_361 = tpu.memref_squeeze %dma_wait3A_360 : memref<1x1x1024xi32, #tpu.memory_space<hbm>> -> memref<1024xi32, #tpu.memory_space<hbm>>
        %dma_wait3A_362 = arith.constant 0 : i32
        %dma_wait3A_363 = tpu.memref_slice %arg2[%dma_wait3A_358, %add3A_283, %dma_wait3A_362] : memref<2x3125x1024xi32, #tpu.memory_space<hbm>> -> memref<1x1x1024xi32, #tpu.memory_space<hbm>>
        %dma_wait3A_364 = tpu.memref_squeeze %dma_wait3A_363 : memref<1x1x1024xi32, #tpu.memory_space<hbm>> -> memref<1024xi32, #tpu.memory_space<hbm>>
        tpu.wait_dma2 semaphore(%arg24 : memref<!tpu.dma_semaphore, #tpu.memory_space<semaphore_mem>>) src(%dma_wait3A_364 : memref<1024xi32, #tpu.memory_space<hbm>>) dst(%arg10 : memref<1024xi32, #tpu.memory_space<vmem>>)
        %dma_wait3A_365 = arith.constant 0 : i32
        %dma_wait3A_366 = tpu.memref_slice %arg3[%add3A_283, %dma_wait3A_365] : memref<3125x1024xf32, #tpu.memory_space<hbm>> -> memref<1x1024xf32, #tpu.memory_space<hbm>>
        %dma_wait3A_367 = tpu.memref_squeeze %dma_wait3A_366 : memref<1x1024xf32, #tpu.memory_space<hbm>> -> memref<1024xf32, #tpu.memory_space<hbm>>
        %dma_wait3A_368 = arith.constant 0 : i32
        %dma_wait3A_369 = tpu.memref_slice %arg3[%add3A_283, %dma_wait3A_368] : memref<3125x1024xf32, #tpu.memory_space<hbm>> -> memref<1x1024xf32, #tpu.memory_space<hbm>>
        %dma_wait3A_370 = tpu.memref_squeeze %dma_wait3A_369 : memref<1x1024xf32, #tpu.memory_space<hbm>> -> memref<1024xf32, #tpu.memory_space<hbm>>
        tpu.wait_dma2 semaphore(%arg24 : memref<!tpu.dma_semaphore, #tpu.memory_space<semaphore_mem>>) src(%dma_wait3A_370 : memref<1024xf32, #tpu.memory_space<hbm>>) dst(%arg11 : memref<1024xf32, #tpu.memory_space<vmem>>)
      } else {
      }
      %lt3A_292 = arith.constant 3125 : i32
      %lt3A_293 = arith.cmpi slt, %add3A_286, %lt3A_292 : i32
      %convert_element_type3A_294 = arith.extui %lt3A_293 : i1 to i32
      %cond3A_295 = arith.constant 0 : i32
      %cond3A_296 = arith.cmpi ne, %convert_element_type3A_294, %cond3A_295 : i32
      scf.if %cond3A_296 {
        %dma_start3A_352 = arith.constant 0 : i32
        %dma_start3A_353 = arith.constant 0 : i32
        %dma_start3A_354 = tpu.memref_slice %arg2[%dma_start3A_352, %add3A_286, %dma_start3A_353] : memref<2x3125x1024xi32, #tpu.memory_space<hbm>> -> memref<1x1x1024xi32, #tpu.memory_space<hbm>>
        %dma_start3A_355 = tpu.memref_squeeze %dma_start3A_354 : memref<1x1x1024xi32, #tpu.memory_space<hbm>> -> memref<1024xi32, #tpu.memory_space<hbm>>
        %dma_start3A_356 = arith.constant 0 : i32
        %dma_start3A_357 = tpu.memref_slice %arg2[%dma_start3A_352, %add3A_286, %dma_start3A_356] : memref<2x3125x1024xi32, #tpu.memory_space<hbm>> -> memref<1x1x1024xi32, #tpu.memory_space<hbm>>
        %dma_start3A_358 = tpu.memref_squeeze %dma_start3A_357 : memref<1x1x1024xi32, #tpu.memory_space<hbm>> -> memref<1024xi32, #tpu.memory_space<hbm>>
        tpu.enqueue_dma source(%dma_start3A_358 : memref<1024xi32, #tpu.memory_space<hbm>>) target(%arg13 : memref<1024xi32, #tpu.memory_space<vmem>>) target_semaphore(%arg25 : memref<!tpu.dma_semaphore, #tpu.memory_space<semaphore_mem>>)
        %dma_start3A_359 = arith.constant 1 : i32
        %dma_start3A_360 = arith.constant 0 : i32
        %dma_start3A_361 = tpu.memref_slice %arg2[%dma_start3A_359, %add3A_286, %dma_start3A_360] : memref<2x3125x1024xi32, #tpu.memory_space<hbm>> -> memref<1x1x1024xi32, #tpu.memory_space<hbm>>
        %dma_start3A_362 = tpu.memref_squeeze %dma_start3A_361 : memref<1x1x1024xi32, #tpu.memory_space<hbm>> -> memref<1024xi32, #tpu.memory_space<hbm>>
        %dma_start3A_363 = arith.constant 0 : i32
        %dma_start3A_364 = tpu.memref_slice %arg2[%dma_start3A_359, %add3A_286, %dma_start3A_363] : memref<2x3125x1024xi32, #tpu.memory_space<hbm>> -> memref<1x1x1024xi32, #tpu.memory_space<hbm>>
        %dma_start3A_365 = tpu.memref_squeeze %dma_start3A_364 : memref<1x1x1024xi32, #tpu.memory_space<hbm>> -> memref<1024xi32, #tpu.memory_space<hbm>>
        tpu.enqueue_dma source(%dma_start3A_365 : memref<1024xi32, #tpu.memory_space<hbm>>) target(%arg14 : memref<1024xi32, #tpu.memory_space<vmem>>) target_semaphore(%arg25 : memref<!tpu.dma_semaphore, #tpu.memory_space<semaphore_mem>>)
        %dma_start3A_366 = arith.constant 0 : i32
        %dma_start3A_367 = tpu.memref_slice %arg3[%add3A_286, %dma_start3A_366] : memref<3125x1024xf32, #tpu.memory_space<hbm>> -> memref<1x1024xf32, #tpu.memory_space<hbm>>
        %dma_start3A_368 = tpu.memref_squeeze %dma_start3A_367 : memref<1x1024xf32, #tpu.memory_space<hbm>> -> memref<1024xf32, #tpu.memory_space<hbm>>
        %dma_start3A_369 = arith.constant 0 : i32
        %dma_start3A_370 = tpu.memref_slice %arg3[%add3A_286, %dma_start3A_369] : memref<3125x1024xf32, #tpu.memory_space<hbm>> -> memref<1x1024xf32, #tpu.memory_space<hbm>>
        %dma_start3A_371 = tpu.memref_squeeze %dma_start3A_370 : memref<1x1024xf32, #tpu.memory_space<hbm>> -> memref<1024xf32, #tpu.memory_space<hbm>>
        tpu.enqueue_dma source(%dma_start3A_371 : memref<1024xf32, #tpu.memory_space<hbm>>) target(%arg15 : memref<1024xf32, #tpu.memory_space<vmem>>) target_semaphore(%arg25 : memref<!tpu.dma_semaphore, #tpu.memory_space<semaphore_mem>>)
      } else {
      }
      %lt3A_297 = arith.constant 3125 : i32
      %lt3A_298 = arith.cmpi slt, %add3A_283, %lt3A_297 : i32
      %convert_element_type3A_299 = arith.extui %lt3A_298 : i1 to i32
      %cond3A_300 = arith.constant 0 : i32
      %cond3A_301 = arith.cmpi ne, %convert_element_type3A_299, %cond3A_300 : i32
      scf.if %cond3A_301 {
        %scan3A_352 = arith.constant 0 : i32
        %scan3A_353 = arith.constant 0 : i32
        %scan3A_354 = arith.constant 64 : i32
        %scan3A_355 = arith.addi %scan3A_353, %scan3A_354 : i32
        %scan3A_356 = arith.constant 1 : i32
        scf.for %scan3A_358 = %scan3A_353 to %scan3A_355 step %scan3A_356  : i32 {
          %mul3A_359 = arith.constant 16 : i32
          %mul3A_360 = arith.muli %scan3A_358, %mul3A_359 : i32
          %get3A_361 = arith.index_cast %mul3A_360 : i32 to index
          %get3A_362 = tpu.vector_load %arg9[%get3A_361] {strides = array<i32>} : memref<1024xi32, #tpu.memory_space<vmem>>, vector<16xi32>,
          %get3A_363 = arith.index_cast %mul3A_360 : i32 to index
          %get3A_364 = tpu.vector_load %arg10[%get3A_363] {strides = array<i32>} : memref<1024xi32, #tpu.memory_space<vmem>>, vector<16xi32>,
          %get3A_365 = arith.index_cast %mul3A_360 : i32 to index
          %get3A_366 = tpu.vector_load %arg11[%get3A_365] {strides = array<i32>} : memref<1024xf32, #tpu.memory_space<vmem>>, vector<16xf32>,
          %swap3A_367 = arith.index_cast %mul3A_360 : i32 to index
          %swap3A_368 = tpu.vector_load %arg17[%swap3A_367] {strides = array<i32>} : memref<1024xi32, #tpu.memory_space<vmem>>, vector<16xi32>,
          tpu.vector_store %arg17[%swap3A_367], %get3A_364 {strides = array<i32>} : memref<1024xi32, #tpu.memory_space<vmem>>, vector<16xi32>,
          %shift_right_arithmetic3A = arith.constant 1 : i32
          %shift_right_arithmetic3A_369 = vector.broadcast %shift_right_arithmetic3A : i32 to vector<16xi32>
          %shift_right_arithmetic3A_370 = arith.shrsi %get3A_362, %shift_right_arithmetic3A_369 : vector<16xi32>
          %gather3A_371 = tpu.vector_load_idx %arg19[%shift_right_arithmetic3A_370] : memref<50000xi32, #tpu.memory_space<vmem>>[vector<16xi32>], vector<16xi32>,
          %shift_left3A = arith.constant 16 : i32
          %shift_left3A_372 = vector.broadcast %shift_left3A : i32 to vector<16xi32>
          %shift_left3A_373 = arith.shli %gather3A_371, %shift_left3A_372 : vector<16xi32>
          %bitcast3A = vector.bitcast %shift_left3A_373 : vector<16xi32> to vector<16xf32>
          %and3A_374 = arith.constant -65536 : i32
          %and3A_375 = vector.broadcast %and3A_374 : i32 to vector<16xi32>
          %and3A_376 = arith.andi %gather3A_371, %and3A_375 : vector<16xi32>
          %bitcast3A_377 = vector.bitcast %and3A_376 : vector<16xi32> to vector<16xf32>
          %and3A_378 = arith.constant 1 : i32
          %and3A_379 = vector.broadcast %and3A_378 : i32 to vector<16xi32>
          %and3A_380 = arith.andi %get3A_362, %and3A_379 : vector<16xi32>
          %eq3A_381 = arith.constant 1 : i32
          %eq3A_382 = vector.broadcast %eq3A_381 : i32 to vector<16xi32>
          %eq3A_383 = arith.cmpi eq, %and3A_380, %eq3A_382 : vector<16xi32>
          %select_n3A = arith.select %eq3A_383, %bitcast3A_377, %bitcast3A : vector<16xi1>, vector<16xf32>
          %shift_right_arithmetic3A_384 = arith.constant 1 : i32
          %shift_right_arithmetic3A_385 = vector.broadcast %shift_right_arithmetic3A_384 : i32 to vector<16xi32>
          %shift_right_arithmetic3A_386 = arith.shrsi %get3A_364, %shift_right_arithmetic3A_385 : vector<16xi32>
          %gather3A_387 = tpu.vector_load_idx %arg19[%shift_right_arithmetic3A_386] : memref<50000xi32, #tpu.memory_space<vmem>>[vector<16xi32>], vector<16xi32>,
          %shift_left3A_388 = arith.constant 16 : i32
          %shift_left3A_389 = vector.broadcast %shift_left3A_388 : i32 to vector<16xi32>
          %shift_left3A_390 = arith.shli %gather3A_387, %shift_left3A_389 : vector<16xi32>
          %bitcast3A_391 = vector.bitcast %shift_left3A_390 : vector<16xi32> to vector<16xf32>
          %and3A_392 = arith.constant -65536 : i32
          %and3A_393 = vector.broadcast %and3A_392 : i32 to vector<16xi32>
          %and3A_394 = arith.andi %gather3A_387, %and3A_393 : vector<16xi32>
          %bitcast3A_395 = vector.bitcast %and3A_394 : vector<16xi32> to vector<16xf32>
          %and3A_396 = arith.constant 1 : i32
          %and3A_397 = vector.broadcast %and3A_396 : i32 to vector<16xi32>
          %and3A_398 = arith.andi %get3A_364, %and3A_397 : vector<16xi32>
          %eq3A_399 = arith.constant 1 : i32
          %eq3A_400 = vector.broadcast %eq3A_399 : i32 to vector<16xi32>
          %eq3A_401 = arith.cmpi eq, %and3A_398, %eq3A_400 : vector<16xi32>
          %select_n3A_402 = arith.select %eq3A_401, %bitcast3A_395, %bitcast3A_391 : vector<16xi1>, vector<16xf32>
          %add3A_403 = vector.broadcast %mul3A_360 : i32 to vector<16xi32>
          %add3A_404 = arith.addi %add3A_403, %iota3A : vector<16xi32>
          %mul3A_405 = arith.mulf %get3A_114, %select_n3A : vector<16xf32>
          %mul3A_406 = arith.mulf %get3A_130, %select_n3A_402 : vector<16xf32>
          %add3A_407 = arith.addf %mul3A_405, %mul3A_406 : vector<16xf32>
          %mul3A_408 = arith.mulf %get3A_146, %get3A_366 : vector<16xf32>
          %add3A_409 = arith.addf %add3A_407, %mul3A_408 : vector<16xf32>
          %add3A_410 = arith.addf %add3A_409, %get3A_162 : vector<16xf32>
          %mul3A_411 = arith.constant 2.000000e-01 : f32
          %mul3A_412 = vector.broadcast %mul3A_411 : f32 to vector<16xf32>
          %mul3A_413 = arith.mulf %mul3A_412, %add3A_410 : vector<16xf32>
          %max3A_414 = arith.maximumf %add3A_410, %mul3A_413 : vector<16xf32>
          %mul3A_415 = arith.mulf %get3A_366, %get3A_178 : vector<16xf32>
          %add3A_416 = arith.addf %max3A_414, %mul3A_415 : vector<16xf32>
          %sub3A_417 = arith.subf %add3A_416, %add3A_200 : vector<16xf32>
          %exp3A = math.exp %sub3A_417 : vector<16xf32>
          %broadcast_in_dim3A = arith.constant 0 : i32
          %broadcast_in_dim3A_418 = vector.broadcast %broadcast_in_dim3A : i32 to vector<16xi32>
          tpu.vector_store_idx %arg12[%add3A_404, %broadcast_in_dim3A_418], %exp3A : memref<1024x8xf32, #tpu.memory_space<vmem>>[vector<16xi32>, vector<16xi32>], vector<16xf32>,
          %broadcast_in_dim3A_419 = arith.constant 4 : i32
          %broadcast_in_dim3A_420 = vector.broadcast %broadcast_in_dim3A_419 : i32 to vector<16xi32>
          %mul3A_421 = arith.mulf %select_n3A, %exp3A : vector<16xf32>
          tpu.vector_store_idx %arg12[%add3A_404, %broadcast_in_dim3A_420], %mul3A_421 : memref<1024x8xf32, #tpu.memory_space<vmem>>[vector<16xi32>, vector<16xi32>], vector<16xf32>,
          %mul3A_422 = arith.mulf %get3A_118, %select_n3A : vector<16xf32>
          %mul3A_423 = arith.mulf %get3A_134, %select_n3A_402 : vector<16xf32>
          %add3A_424 = arith.addf %mul3A_422, %mul3A_423 : vector<16xf32>
          %mul3A_425 = arith.mulf %get3A_150, %get3A_366 : vector<16xf32>
          %add3A_426 = arith.addf %add3A_424, %mul3A_425 : vector<16xf32>
          %add3A_427 = arith.addf %add3A_426, %get3A_166 : vector<16xf32>
          %mul3A_428 = arith.constant 2.000000e-01 : f32
          %mul3A_429 = vector.broadcast %mul3A_428 : f32 to vector<16xf32>
          %mul3A_430 = arith.mulf %mul3A_429, %add3A_427 : vector<16xf32>
          %max3A_431 = arith.maximumf %add3A_427, %mul3A_430 : vector<16xf32>
          %mul3A_432 = arith.mulf %get3A_366, %get3A_182 : vector<16xf32>
          %add3A_433 = arith.addf %max3A_431, %mul3A_432 : vector<16xf32>
          %sub3A_434 = arith.subf %add3A_433, %add3A_211 : vector<16xf32>
          %exp3A_435 = math.exp %sub3A_434 : vector<16xf32>
          %broadcast_in_dim3A_436 = arith.constant 1 : i32
          %broadcast_in_dim3A_437 = vector.broadcast %broadcast_in_dim3A_436 : i32 to vector<16xi32>
          tpu.vector_store_idx %arg12[%add3A_404, %broadcast_in_dim3A_437], %exp3A_435 : memref<1024x8xf32, #tpu.memory_space<vmem>>[vector<16xi32>, vector<16xi32>], vector<16xf32>,
          %broadcast_in_dim3A_438 = arith.constant 5 : i32
          %broadcast_in_dim3A_439 = vector.broadcast %broadcast_in_dim3A_438 : i32 to vector<16xi32>
          %mul3A_440 = arith.mulf %select_n3A, %exp3A_435 : vector<16xf32>
          tpu.vector_store_idx %arg12[%add3A_404, %broadcast_in_dim3A_439], %mul3A_440 : memref<1024x8xf32, #tpu.memory_space<vmem>>[vector<16xi32>, vector<16xi32>], vector<16xf32>,
          %mul3A_441 = arith.mulf %get3A_122, %select_n3A : vector<16xf32>
          %mul3A_442 = arith.mulf %get3A_138, %select_n3A_402 : vector<16xf32>
          %add3A_443 = arith.addf %mul3A_441, %mul3A_442 : vector<16xf32>
          %mul3A_444 = arith.mulf %get3A_154, %get3A_366 : vector<16xf32>
          %add3A_445 = arith.addf %add3A_443, %mul3A_444 : vector<16xf32>
          %add3A_446 = arith.addf %add3A_445, %get3A_170 : vector<16xf32>
          %mul3A_447 = arith.constant 2.000000e-01 : f32
          %mul3A_448 = vector.broadcast %mul3A_447 : f32 to vector<16xf32>
          %mul3A_449 = arith.mulf %mul3A_448, %add3A_446 : vector<16xf32>
          %max3A_450 = arith.maximumf %add3A_446, %mul3A_449 : vector<16xf32>
          %mul3A_451 = arith.mulf %get3A_366, %get3A_186 : vector<16xf32>
          %add3A_452 = arith.addf %max3A_450, %mul3A_451 : vector<16xf32>
          %sub3A_453 = arith.subf %add3A_452, %add3A_222 : vector<16xf32>
          %exp3A_454 = math.exp %sub3A_453 : vector<16xf32>
          %broadcast_in_dim3A_455 = arith.constant 2 : i32
          %broadcast_in_dim3A_456 = vector.broadcast %broadcast_in_dim3A_455 : i32 to vector<16xi32>
          tpu.vector_store_idx %arg12[%add3A_404, %broadcast_in_dim3A_456], %exp3A_454 : memref<1024x8xf32, #tpu.memory_space<vmem>>[vector<16xi32>, vector<16xi32>], vector<16xf32>,
          %broadcast_in_dim3A_457 = arith.constant 6 : i32
          %broadcast_in_dim3A_458 = vector.broadcast %broadcast_in_dim3A_457 : i32 to vector<16xi32>
          %mul3A_459 = arith.mulf %select_n3A, %exp3A_454 : vector<16xf32>
          tpu.vector_store_idx %arg12[%add3A_404, %broadcast_in_dim3A_458], %mul3A_459 : memref<1024x8xf32, #tpu.memory_space<vmem>>[vector<16xi32>, vector<16xi32>], vector<16xf32>,
          %mul3A_460 = arith.mulf %get3A_126, %select_n3A : vector<16xf32>
          %mul3A_461 = arith.mulf %get3A_142, %select_n3A_402 : vector<16xf32>
          %add3A_462 = arith.addf %mul3A_460, %mul3A_461 : vector<16xf32>
          %mul3A_463 = arith.mulf %get3A_158, %get3A_366 : vector<16xf32>
          %add3A_464 = arith.addf %add3A_462, %mul3A_463 : vector<16xf32>
          %add3A_465 = arith.addf %add3A_464, %get3A_174 : vector<16xf32>
          %mul3A_466 = arith.constant 2.000000e-01 : f32
          %mul3A_467 = vector.broadcast %mul3A_466 : f32 to vector<16xf32>
          %mul3A_468 = arith.mulf %mul3A_467, %add3A_465 : vector<16xf32>
          %max3A_469 = arith.maximumf %add3A_465, %mul3A_468 : vector<16xf32>
          %mul3A_470 = arith.mulf %get3A_366, %get3A_190 : vector<16xf32>
          %add3A_471 = arith.addf %max3A_469, %mul3A_470 : vector<16xf32>
          %sub3A_472 = arith.subf %add3A_471, %add3A_233 : vector<16xf32>
          %exp3A_473 = math.exp %sub3A_472 : vector<16xf32>
          %broadcast_in_dim3A_474 = arith.constant 3 : i32
          %broadcast_in_dim3A_475 = vector.broadcast %broadcast_in_dim3A_474 : i32 to vector<16xi32>
          tpu.vector_store_idx %arg12[%add3A_404, %broadcast_in_dim3A_475], %exp3A_473 : memref<1024x8xf32, #tpu.memory_space<vmem>>[vector<16xi32>, vector<16xi32>], vector<16xf32>,
          %broadcast_in_dim3A_476 = arith.constant 7 : i32
          %broadcast_in_dim3A_477 = vector.broadcast %broadcast_in_dim3A_476 : i32 to vector<16xi32>
          %mul3A_478 = arith.mulf %select_n3A, %exp3A_473 : vector<16xf32>
          tpu.vector_store_idx %arg12[%add3A_404, %broadcast_in_dim3A_477], %mul3A_478 : memref<1024x8xf32, #tpu.memory_space<vmem>>[vector<16xi32>, vector<16xi32>], vector<16xf32>,
        }
        %scan3A_357 = arith.constant 64 : i32
      } else {
      }
      %ge3A = arith.constant 0 : i32
      %ge3A_302 = arith.cmpi sge, %sub3A_284, %ge3A : i32
      %lt3A_303 = arith.constant 3125 : i32
      %lt3A_304 = arith.cmpi slt, %sub3A_284, %lt3A_303 : i32
      %and3A = arith.andi %ge3A_302, %lt3A_304 : i1
      %convert_element_type3A_305 = arith.extui %and3A : i1 to i32
      %cond3A_306 = arith.constant 0 : i32
      %cond3A_307 = arith.cmpi ne, %convert_element_type3A_305, %cond3A_306 : i32
      scf.if %cond3A_307 {
        %dma_wait3A = arith.constant 0 : i32
        %dma_wait3A_352 = arith.constant 0 : i32
        %dma_wait3A_353 = tpu.memref_slice %arg23[%dma_wait3A, %dma_wait3A_352] : memref<100000x8xf32, #tpu.memory_space<vmem_shared>> -> memref<100000x8xf32, #tpu.memory_space<vmem_shared>>
        tpu.wait_indirect_dma semaphore(%arg27 : memref<!tpu.dma_semaphore, #tpu.memory_space<semaphore_mem>>) src(%arg16 : memref<1024x8xf32, #tpu.memory_space<vmem>>) dst(%dma_wait3A_353 : memref<100000x8xf32, #tpu.memory_space<vmem_shared>>)
      } else {
      }
      %lt3A_308 = arith.constant 3125 : i32
      %lt3A_309 = arith.cmpi slt, %add3A_283, %lt3A_308 : i32
      %convert_element_type3A_310 = arith.extui %lt3A_309 : i1 to i32
      %cond3A_311 = arith.constant 0 : i32
      %cond3A_312 = arith.cmpi ne, %convert_element_type3A_310, %cond3A_311 : i32
      scf.if %cond3A_312 {
        %dma_start3A_352 = arith.constant 0 : i32
        %dma_start3A_353 = arith.constant 0 : i32
        %dma_start3A_354 = tpu.memref_slice %arg23[%dma_start3A_352, %dma_start3A_353] : memref<100000x8xf32, #tpu.memory_space<vmem_shared>> -> memref<100000x8xf32, #tpu.memory_space<vmem_shared>>
        tpu.enqueue_indirect_dma source(%arg12 : memref<1024x8xf32, #tpu.memory_space<vmem>>) target(%dma_start3A_354 : memref<100000x8xf32, #tpu.memory_space<vmem_shared>>) offsets(%arg17 : memref<1024xi32, #tpu.memory_space<vmem>>) semaphore(%arg26 : memref<!tpu.dma_semaphore, #tpu.memory_space<semaphore_mem>>) {add = true}
      } else {
      }
      %mul3A_313 = arith.constant 2 : i32
      %mul3A_314 = arith.muli %mul3A_313, %scan3A_276 : i32
      %add3A_315 = arith.constant 1 : i32
      %add3A_316 = arith.addi %mul3A_314, %add3A_315 : i32
      %mul3A_317 = arith.constant 32 : i32
      %mul3A_318 = arith.muli %add3A_316, %mul3A_317 : i32
      %add3A_319 = arith.addi %add3A, %mul3A_318 : i32
      %sub3A_320 = arith.constant 32 : i32
      %sub3A_321 = arith.subi %add3A_319, %sub3A_320 : i32
      %add3A_322 = arith.constant 32 : i32
      %add3A_323 = arith.addi %add3A_319, %add3A_322 : i32
      %lt3A_324 = arith.constant 3125 : i32
      %lt3A_325 = arith.cmpi slt, %add3A_319, %lt3A_324 : i32
      %convert_element_type3A_326 = arith.extui %lt3A_325 : i1 to i32
      %cond3A_327 = arith.constant 0 : i32
      %cond3A_328 = arith.cmpi ne, %convert_element_type3A_326, %cond3A_327 : i32
      scf.if %cond3A_328 {
        %dma_wait3A = arith.constant 0 : i32
        %dma_wait3A_352 = arith.constant 0 : i32
        %dma_wait3A_353 = tpu.memref_slice %arg2[%dma_wait3A, %add3A_319, %dma_wait3A_352] : memref<2x3125x1024xi32, #tpu.memory_space<hbm>> -> memref<1x1x1024xi32, #tpu.memory_space<hbm>>
        %dma_wait3A_354 = tpu.memref_squeeze %dma_wait3A_353 : memref<1x1x1024xi32, #tpu.memory_space<hbm>> -> memref<1024xi32, #tpu.memory_space<hbm>>
        %dma_wait3A_355 = arith.constant 0 : i32
        %dma_wait3A_356 = tpu.memref_slice %arg2[%dma_wait3A, %add3A_319, %dma_wait3A_355] : memref<2x3125x1024xi32, #tpu.memory_space<hbm>> -> memref<1x1x1024xi32, #tpu.memory_space<hbm>>
        %dma_wait3A_357 = tpu.memref_squeeze %dma_wait3A_356 : memref<1x1x1024xi32, #tpu.memory_space<hbm>> -> memref<1024xi32, #tpu.memory_space<hbm>>
        tpu.wait_dma2 semaphore(%arg25 : memref<!tpu.dma_semaphore, #tpu.memory_space<semaphore_mem>>) src(%dma_wait3A_357 : memref<1024xi32, #tpu.memory_space<hbm>>) dst(%arg13 : memref<1024xi32, #tpu.memory_space<vmem>>)
        %dma_wait3A_358 = arith.constant 1 : i32
        %dma_wait3A_359 = arith.constant 0 : i32
        %dma_wait3A_360 = tpu.memref_slice %arg2[%dma_wait3A_358, %add3A_319, %dma_wait3A_359] : memref<2x3125x1024xi32, #tpu.memory_space<hbm>> -> memref<1x1x1024xi32, #tpu.memory_space<hbm>>
        %dma_wait3A_361 = tpu.memref_squeeze %dma_wait3A_360 : memref<1x1x1024xi32, #tpu.memory_space<hbm>> -> memref<1024xi32, #tpu.memory_space<hbm>>
        %dma_wait3A_362 = arith.constant 0 : i32
        %dma_wait3A_363 = tpu.memref_slice %arg2[%dma_wait3A_358, %add3A_319, %dma_wait3A_362] : memref<2x3125x1024xi32, #tpu.memory_space<hbm>> -> memref<1x1x1024xi32, #tpu.memory_space<hbm>>
        %dma_wait3A_364 = tpu.memref_squeeze %dma_wait3A_363 : memref<1x1x1024xi32, #tpu.memory_space<hbm>> -> memref<1024xi32, #tpu.memory_space<hbm>>
        tpu.wait_dma2 semaphore(%arg25 : memref<!tpu.dma_semaphore, #tpu.memory_space<semaphore_mem>>) src(%dma_wait3A_364 : memref<1024xi32, #tpu.memory_space<hbm>>) dst(%arg14 : memref<1024xi32, #tpu.memory_space<vmem>>)
        %dma_wait3A_365 = arith.constant 0 : i32
        %dma_wait3A_366 = tpu.memref_slice %arg3[%add3A_319, %dma_wait3A_365] : memref<3125x1024xf32, #tpu.memory_space<hbm>> -> memref<1x1024xf32, #tpu.memory_space<hbm>>
        %dma_wait3A_367 = tpu.memref_squeeze %dma_wait3A_366 : memref<1x1024xf32, #tpu.memory_space<hbm>> -> memref<1024xf32, #tpu.memory_space<hbm>>
        %dma_wait3A_368 = arith.constant 0 : i32
        %dma_wait3A_369 = tpu.memref_slice %arg3[%add3A_319, %dma_wait3A_368] : memref<3125x1024xf32, #tpu.memory_space<hbm>> -> memref<1x1024xf32, #tpu.memory_space<hbm>>
        %dma_wait3A_370 = tpu.memref_squeeze %dma_wait3A_369 : memref<1x1024xf32, #tpu.memory_space<hbm>> -> memref<1024xf32, #tpu.memory_space<hbm>>
        tpu.wait_dma2 semaphore(%arg25 : memref<!tpu.dma_semaphore, #tpu.memory_space<semaphore_mem>>) src(%dma_wait3A_370 : memref<1024xf32, #tpu.memory_space<hbm>>) dst(%arg15 : memref<1024xf32, #tpu.memory_space<vmem>>)
      } else {
      }
      %lt3A_329 = arith.constant 3125 : i32
      %lt3A_330 = arith.cmpi slt, %add3A_323, %lt3A_329 : i32
      %convert_element_type3A_331 = arith.extui %lt3A_330 : i1 to i32
      %cond3A_332 = arith.constant 0 : i32
      %cond3A_333 = arith.cmpi ne, %convert_element_type3A_331, %cond3A_332 : i32
      scf.if %cond3A_333 {
        %dma_start3A_352 = arith.constant 0 : i32
        %dma_start3A_353 = arith.constant 0 : i32
        %dma_start3A_354 = tpu.memref_slice %arg2[%dma_start3A_352, %add3A_323, %dma_start3A_353] : memref<2x3125x1024xi32, #tpu.memory_space<hbm>> -> memref<1x1x1024xi32, #tpu.memory_space<hbm>>
        %dma_start3A_355 = tpu.memref_squeeze %dma_start3A_354 : memref<1x1x1024xi32, #tpu.memory_space<hbm>> -> memref<1024xi32, #tpu.memory_space<hbm>>
        %dma_start3A_356 = arith.constant 0 : i32
        %dma_start3A_357 = tpu.memref_slice %arg2[%dma_start3A_352, %add3A_323, %dma_start3A_356] : memref<2x3125x1024xi32, #tpu.memory_space<hbm>> -> memref<1x1x1024xi32, #tpu.memory_space<hbm>>
        %dma_start3A_358 = tpu.memref_squeeze %dma_start3A_357 : memref<1x1x1024xi32, #tpu.memory_space<hbm>> -> memref<1024xi32, #tpu.memory_space<hbm>>
        tpu.enqueue_dma source(%dma_start3A_358 : memref<1024xi32, #tpu.memory_space<hbm>>) target(%arg9 : memref<1024xi32, #tpu.memory_space<vmem>>) target_semaphore(%arg24 : memref<!tpu.dma_semaphore, #tpu.memory_space<semaphore_mem>>)
        %dma_start3A_359 = arith.constant 1 : i32
        %dma_start3A_360 = arith.constant 0 : i32
        %dma_start3A_361 = tpu.memref_slice %arg2[%dma_start3A_359, %add3A_323, %dma_start3A_360] : memref<2x3125x1024xi32, #tpu.memory_space<hbm>> -> memref<1x1x1024xi32, #tpu.memory_space<hbm>>
        %dma_start3A_362 = tpu.memref_squeeze %dma_start3A_361 : memref<1x1x1024xi32, #tpu.memory_space<hbm>> -> memref<1024xi32, #tpu.memory_space<hbm>>
        %dma_start3A_363 = arith.constant 0 : i32
        %dma_start3A_364 = tpu.memref_slice %arg2[%dma_start3A_359, %add3A_323, %dma_start3A_363] : memref<2x3125x1024xi32, #tpu.memory_space<hbm>> -> memref<1x1x1024xi32, #tpu.memory_space<hbm>>
        %dma_start3A_365 = tpu.memref_squeeze %dma_start3A_364 : memref<1x1x1024xi32, #tpu.memory_space<hbm>> -> memref<1024xi32, #tpu.memory_space<hbm>>
        tpu.enqueue_dma source(%dma_start3A_365 : memref<1024xi32, #tpu.memory_space<hbm>>) target(%arg10 : memref<1024xi32, #tpu.memory_space<vmem>>) target_semaphore(%arg24 : memref<!tpu.dma_semaphore, #tpu.memory_space<semaphore_mem>>)
        %dma_start3A_366 = arith.constant 0 : i32
        %dma_start3A_367 = tpu.memref_slice %arg3[%add3A_323, %dma_start3A_366] : memref<3125x1024xf32, #tpu.memory_space<hbm>> -> memref<1x1024xf32, #tpu.memory_space<hbm>>
        %dma_start3A_368 = tpu.memref_squeeze %dma_start3A_367 : memref<1x1024xf32, #tpu.memory_space<hbm>> -> memref<1024xf32, #tpu.memory_space<hbm>>
        %dma_start3A_369 = arith.constant 0 : i32
        %dma_start3A_370 = tpu.memref_slice %arg3[%add3A_323, %dma_start3A_369] : memref<3125x1024xf32, #tpu.memory_space<hbm>> -> memref<1x1024xf32, #tpu.memory_space<hbm>>
        %dma_start3A_371 = tpu.memref_squeeze %dma_start3A_370 : memref<1x1024xf32, #tpu.memory_space<hbm>> -> memref<1024xf32, #tpu.memory_space<hbm>>
        tpu.enqueue_dma source(%dma_start3A_371 : memref<1024xf32, #tpu.memory_space<hbm>>) target(%arg11 : memref<1024xf32, #tpu.memory_space<vmem>>) target_semaphore(%arg24 : memref<!tpu.dma_semaphore, #tpu.memory_space<semaphore_mem>>)
      } else {
      }
      %lt3A_334 = arith.constant 3125 : i32
      %lt3A_335 = arith.cmpi slt, %add3A_319, %lt3A_334 : i32
      %convert_element_type3A_336 = arith.extui %lt3A_335 : i1 to i32
      %cond3A_337 = arith.constant 0 : i32
      %cond3A_338 = arith.cmpi ne, %convert_element_type3A_336, %cond3A_337 : i32
      scf.if %cond3A_338 {
        %scan3A_352 = arith.constant 0 : i32
        %scan3A_353 = arith.constant 0 : i32
        %scan3A_354 = arith.constant 64 : i32
        %scan3A_355 = arith.addi %scan3A_353, %scan3A_354 : i32
        %scan3A_356 = arith.constant 1 : i32
        scf.for %scan3A_358 = %scan3A_353 to %scan3A_355 step %scan3A_356  : i32 {
          %mul3A_359 = arith.constant 16 : i32
          %mul3A_360 = arith.muli %scan3A_358, %mul3A_359 : i32
          %get3A_361 = arith.index_cast %mul3A_360 : i32 to index
          %get3A_362 = tpu.vector_load %arg13[%get3A_361] {strides = array<i32>} : memref<1024xi32, #tpu.memory_space<vmem>>, vector<16xi32>,
          %get3A_363 = arith.index_cast %mul3A_360 : i32 to index
          %get3A_364 = tpu.vector_load %arg14[%get3A_363] {strides = array<i32>} : memref<1024xi32, #tpu.memory_space<vmem>>, vector<16xi32>,
          %get3A_365 = arith.index_cast %mul3A_360 : i32 to index
          %get3A_366 = tpu.vector_load %arg15[%get3A_365] {strides = array<i32>} : memref<1024xf32, #tpu.memory_space<vmem>>, vector<16xf32>,
          %swap3A_367 = arith.index_cast %mul3A_360 : i32 to index
          %swap3A_368 = tpu.vector_load %arg18[%swap3A_367] {strides = array<i32>} : memref<1024xi32, #tpu.memory_space<vmem>>, vector<16xi32>,
          tpu.vector_store %arg18[%swap3A_367], %get3A_364 {strides = array<i32>} : memref<1024xi32, #tpu.memory_space<vmem>>, vector<16xi32>,
          %shift_right_arithmetic3A = arith.constant 1 : i32
          %shift_right_arithmetic3A_369 = vector.broadcast %shift_right_arithmetic3A : i32 to vector<16xi32>
          %shift_right_arithmetic3A_370 = arith.shrsi %get3A_362, %shift_right_arithmetic3A_369 : vector<16xi32>
          %gather3A_371 = tpu.vector_load_idx %arg19[%shift_right_arithmetic3A_370] : memref<50000xi32, #tpu.memory_space<vmem>>[vector<16xi32>], vector<16xi32>,
          %shift_left3A = arith.constant 16 : i32
          %shift_left3A_372 = vector.broadcast %shift_left3A : i32 to vector<16xi32>
          %shift_left3A_373 = arith.shli %gather3A_371, %shift_left3A_372 : vector<16xi32>
          %bitcast3A = vector.bitcast %shift_left3A_373 : vector<16xi32> to vector<16xf32>
          %and3A_374 = arith.constant -65536 : i32
          %and3A_375 = vector.broadcast %and3A_374 : i32 to vector<16xi32>
          %and3A_376 = arith.andi %gather3A_371, %and3A_375 : vector<16xi32>
          %bitcast3A_377 = vector.bitcast %and3A_376 : vector<16xi32> to vector<16xf32>
          %and3A_378 = arith.constant 1 : i32
          %and3A_379 = vector.broadcast %and3A_378 : i32 to vector<16xi32>
          %and3A_380 = arith.andi %get3A_362, %and3A_379 : vector<16xi32>
          %eq3A_381 = arith.constant 1 : i32
          %eq3A_382 = vector.broadcast %eq3A_381 : i32 to vector<16xi32>
          %eq3A_383 = arith.cmpi eq, %and3A_380, %eq3A_382 : vector<16xi32>
          %select_n3A = arith.select %eq3A_383, %bitcast3A_377, %bitcast3A : vector<16xi1>, vector<16xf32>
          %shift_right_arithmetic3A_384 = arith.constant 1 : i32
          %shift_right_arithmetic3A_385 = vector.broadcast %shift_right_arithmetic3A_384 : i32 to vector<16xi32>
          %shift_right_arithmetic3A_386 = arith.shrsi %get3A_364, %shift_right_arithmetic3A_385 : vector<16xi32>
          %gather3A_387 = tpu.vector_load_idx %arg19[%shift_right_arithmetic3A_386] : memref<50000xi32, #tpu.memory_space<vmem>>[vector<16xi32>], vector<16xi32>,
          %shift_left3A_388 = arith.constant 16 : i32
          %shift_left3A_389 = vector.broadcast %shift_left3A_388 : i32 to vector<16xi32>
          %shift_left3A_390 = arith.shli %gather3A_387, %shift_left3A_389 : vector<16xi32>
          %bitcast3A_391 = vector.bitcast %shift_left3A_390 : vector<16xi32> to vector<16xf32>
          %and3A_392 = arith.constant -65536 : i32
          %and3A_393 = vector.broadcast %and3A_392 : i32 to vector<16xi32>
          %and3A_394 = arith.andi %gather3A_387, %and3A_393 : vector<16xi32>
          %bitcast3A_395 = vector.bitcast %and3A_394 : vector<16xi32> to vector<16xf32>
          %and3A_396 = arith.constant 1 : i32
          %and3A_397 = vector.broadcast %and3A_396 : i32 to vector<16xi32>
          %and3A_398 = arith.andi %get3A_364, %and3A_397 : vector<16xi32>
          %eq3A_399 = arith.constant 1 : i32
          %eq3A_400 = vector.broadcast %eq3A_399 : i32 to vector<16xi32>
          %eq3A_401 = arith.cmpi eq, %and3A_398, %eq3A_400 : vector<16xi32>
          %select_n3A_402 = arith.select %eq3A_401, %bitcast3A_395, %bitcast3A_391 : vector<16xi1>, vector<16xf32>
          %add3A_403 = vector.broadcast %mul3A_360 : i32 to vector<16xi32>
          %add3A_404 = arith.addi %add3A_403, %iota3A : vector<16xi32>
          %mul3A_405 = arith.mulf %get3A_114, %select_n3A : vector<16xf32>
          %mul3A_406 = arith.mulf %get3A_130, %select_n3A_402 : vector<16xf32>
          %add3A_407 = arith.addf %mul3A_405, %mul3A_406 : vector<16xf32>
          %mul3A_408 = arith.mulf %get3A_146, %get3A_366 : vector<16xf32>
          %add3A_409 = arith.addf %add3A_407, %mul3A_408 : vector<16xf32>
          %add3A_410 = arith.addf %add3A_409, %get3A_162 : vector<16xf32>
          %mul3A_411 = arith.constant 2.000000e-01 : f32
          %mul3A_412 = vector.broadcast %mul3A_411 : f32 to vector<16xf32>
          %mul3A_413 = arith.mulf %mul3A_412, %add3A_410 : vector<16xf32>
          %max3A_414 = arith.maximumf %add3A_410, %mul3A_413 : vector<16xf32>
          %mul3A_415 = arith.mulf %get3A_366, %get3A_178 : vector<16xf32>
          %add3A_416 = arith.addf %max3A_414, %mul3A_415 : vector<16xf32>
          %sub3A_417 = arith.subf %add3A_416, %add3A_200 : vector<16xf32>
          %exp3A = math.exp %sub3A_417 : vector<16xf32>
          %broadcast_in_dim3A = arith.constant 0 : i32
          %broadcast_in_dim3A_418 = vector.broadcast %broadcast_in_dim3A : i32 to vector<16xi32>
          tpu.vector_store_idx %arg16[%add3A_404, %broadcast_in_dim3A_418], %exp3A : memref<1024x8xf32, #tpu.memory_space<vmem>>[vector<16xi32>, vector<16xi32>], vector<16xf32>,
          %broadcast_in_dim3A_419 = arith.constant 4 : i32
          %broadcast_in_dim3A_420 = vector.broadcast %broadcast_in_dim3A_419 : i32 to vector<16xi32>
          %mul3A_421 = arith.mulf %select_n3A, %exp3A : vector<16xf32>
          tpu.vector_store_idx %arg16[%add3A_404, %broadcast_in_dim3A_420], %mul3A_421 : memref<1024x8xf32, #tpu.memory_space<vmem>>[vector<16xi32>, vector<16xi32>], vector<16xf32>,
          %mul3A_422 = arith.mulf %get3A_118, %select_n3A : vector<16xf32>
          %mul3A_423 = arith.mulf %get3A_134, %select_n3A_402 : vector<16xf32>
          %add3A_424 = arith.addf %mul3A_422, %mul3A_423 : vector<16xf32>
          %mul3A_425 = arith.mulf %get3A_150, %get3A_366 : vector<16xf32>
          %add3A_426 = arith.addf %add3A_424, %mul3A_425 : vector<16xf32>
          %add3A_427 = arith.addf %add3A_426, %get3A_166 : vector<16xf32>
          %mul3A_428 = arith.constant 2.000000e-01 : f32
          %mul3A_429 = vector.broadcast %mul3A_428 : f32 to vector<16xf32>
          %mul3A_430 = arith.mulf %mul3A_429, %add3A_427 : vector<16xf32>
          %max3A_431 = arith.maximumf %add3A_427, %mul3A_430 : vector<16xf32>
          %mul3A_432 = arith.mulf %get3A_366, %get3A_182 : vector<16xf32>
          %add3A_433 = arith.addf %max3A_431, %mul3A_432 : vector<16xf32>
          %sub3A_434 = arith.subf %add3A_433, %add3A_211 : vector<16xf32>
          %exp3A_435 = math.exp %sub3A_434 : vector<16xf32>
          %broadcast_in_dim3A_436 = arith.constant 1 : i32
          %broadcast_in_dim3A_437 = vector.broadcast %broadcast_in_dim3A_436 : i32 to vector<16xi32>
          tpu.vector_store_idx %arg16[%add3A_404, %broadcast_in_dim3A_437], %exp3A_435 : memref<1024x8xf32, #tpu.memory_space<vmem>>[vector<16xi32>, vector<16xi32>], vector<16xf32>,
          %broadcast_in_dim3A_438 = arith.constant 5 : i32
          %broadcast_in_dim3A_439 = vector.broadcast %broadcast_in_dim3A_438 : i32 to vector<16xi32>
          %mul3A_440 = arith.mulf %select_n3A, %exp3A_435 : vector<16xf32>
          tpu.vector_store_idx %arg16[%add3A_404, %broadcast_in_dim3A_439], %mul3A_440 : memref<1024x8xf32, #tpu.memory_space<vmem>>[vector<16xi32>, vector<16xi32>], vector<16xf32>,
          %mul3A_441 = arith.mulf %get3A_122, %select_n3A : vector<16xf32>
          %mul3A_442 = arith.mulf %get3A_138, %select_n3A_402 : vector<16xf32>
          %add3A_443 = arith.addf %mul3A_441, %mul3A_442 : vector<16xf32>
          %mul3A_444 = arith.mulf %get3A_154, %get3A_366 : vector<16xf32>
          %add3A_445 = arith.addf %add3A_443, %mul3A_444 : vector<16xf32>
          %add3A_446 = arith.addf %add3A_445, %get3A_170 : vector<16xf32>
          %mul3A_447 = arith.constant 2.000000e-01 : f32
          %mul3A_448 = vector.broadcast %mul3A_447 : f32 to vector<16xf32>
          %mul3A_449 = arith.mulf %mul3A_448, %add3A_446 : vector<16xf32>
          %max3A_450 = arith.maximumf %add3A_446, %mul3A_449 : vector<16xf32>
          %mul3A_451 = arith.mulf %get3A_366, %get3A_186 : vector<16xf32>
          %add3A_452 = arith.addf %max3A_450, %mul3A_451 : vector<16xf32>
          %sub3A_453 = arith.subf %add3A_452, %add3A_222 : vector<16xf32>
          %exp3A_454 = math.exp %sub3A_453 : vector<16xf32>
          %broadcast_in_dim3A_455 = arith.constant 2 : i32
          %broadcast_in_dim3A_456 = vector.broadcast %broadcast_in_dim3A_455 : i32 to vector<16xi32>
          tpu.vector_store_idx %arg16[%add3A_404, %broadcast_in_dim3A_456], %exp3A_454 : memref<1024x8xf32, #tpu.memory_space<vmem>>[vector<16xi32>, vector<16xi32>], vector<16xf32>,
          %broadcast_in_dim3A_457 = arith.constant 6 : i32
          %broadcast_in_dim3A_458 = vector.broadcast %broadcast_in_dim3A_457 : i32 to vector<16xi32>
          %mul3A_459 = arith.mulf %select_n3A, %exp3A_454 : vector<16xf32>
          tpu.vector_store_idx %arg16[%add3A_404, %broadcast_in_dim3A_458], %mul3A_459 : memref<1024x8xf32, #tpu.memory_space<vmem>>[vector<16xi32>, vector<16xi32>], vector<16xf32>,
          %mul3A_460 = arith.mulf %get3A_126, %select_n3A : vector<16xf32>
          %mul3A_461 = arith.mulf %get3A_142, %select_n3A_402 : vector<16xf32>
          %add3A_462 = arith.addf %mul3A_460, %mul3A_461 : vector<16xf32>
          %mul3A_463 = arith.mulf %get3A_158, %get3A_366 : vector<16xf32>
          %add3A_464 = arith.addf %add3A_462, %mul3A_463 : vector<16xf32>
          %add3A_465 = arith.addf %add3A_464, %get3A_174 : vector<16xf32>
          %mul3A_466 = arith.constant 2.000000e-01 : f32
          %mul3A_467 = vector.broadcast %mul3A_466 : f32 to vector<16xf32>
          %mul3A_468 = arith.mulf %mul3A_467, %add3A_465 : vector<16xf32>
          %max3A_469 = arith.maximumf %add3A_465, %mul3A_468 : vector<16xf32>
          %mul3A_470 = arith.mulf %get3A_366, %get3A_190 : vector<16xf32>
          %add3A_471 = arith.addf %max3A_469, %mul3A_470 : vector<16xf32>
          %sub3A_472 = arith.subf %add3A_471, %add3A_233 : vector<16xf32>
          %exp3A_473 = math.exp %sub3A_472 : vector<16xf32>
          %broadcast_in_dim3A_474 = arith.constant 3 : i32
          %broadcast_in_dim3A_475 = vector.broadcast %broadcast_in_dim3A_474 : i32 to vector<16xi32>
          tpu.vector_store_idx %arg16[%add3A_404, %broadcast_in_dim3A_475], %exp3A_473 : memref<1024x8xf32, #tpu.memory_space<vmem>>[vector<16xi32>, vector<16xi32>], vector<16xf32>,
          %broadcast_in_dim3A_476 = arith.constant 7 : i32
          %broadcast_in_dim3A_477 = vector.broadcast %broadcast_in_dim3A_476 : i32 to vector<16xi32>
          %mul3A_478 = arith.mulf %select_n3A, %exp3A_473 : vector<16xf32>
          tpu.vector_store_idx %arg16[%add3A_404, %broadcast_in_dim3A_477], %mul3A_478 : memref<1024x8xf32, #tpu.memory_space<vmem>>[vector<16xi32>, vector<16xi32>], vector<16xf32>,
        }
        %scan3A_357 = arith.constant 64 : i32
      } else {
      }
      %ge3A_339 = arith.constant 0 : i32
      %ge3A_340 = arith.cmpi sge, %sub3A_321, %ge3A_339 : i32
      %lt3A_341 = arith.constant 3125 : i32
      %lt3A_342 = arith.cmpi slt, %sub3A_321, %lt3A_341 : i32
      %and3A_343 = arith.andi %ge3A_340, %lt3A_342 : i1
      %convert_element_type3A_344 = arith.extui %and3A_343 : i1 to i32
      %cond3A_345 = arith.constant 0 : i32
      %cond3A_346 = arith.cmpi ne, %convert_element_type3A_344, %cond3A_345 : i32
      scf.if %cond3A_346 {
        %dma_wait3A = arith.constant 0 : i32
        %dma_wait3A_352 = arith.constant 0 : i32
        %dma_wait3A_353 = tpu.memref_slice %arg23[%dma_wait3A, %dma_wait3A_352] : memref<100000x8xf32, #tpu.memory_space<vmem_shared>> -> memref<100000x8xf32, #tpu.memory_space<vmem_shared>>
        tpu.wait_indirect_dma semaphore(%arg26 : memref<!tpu.dma_semaphore, #tpu.memory_space<semaphore_mem>>) src(%arg12 : memref<1024x8xf32, #tpu.memory_space<vmem>>) dst(%dma_wait3A_353 : memref<100000x8xf32, #tpu.memory_space<vmem_shared>>)
      } else {
      }
      %lt3A_347 = arith.constant 3125 : i32
      %lt3A_348 = arith.cmpi slt, %add3A_319, %lt3A_347 : i32
      %convert_element_type3A_349 = arith.extui %lt3A_348 : i1 to i32
      %cond3A_350 = arith.constant 0 : i32
      %cond3A_351 = arith.cmpi ne, %convert_element_type3A_349, %cond3A_350 : i32
      scf.if %cond3A_351 {
        %dma_start3A_352 = arith.constant 0 : i32
        %dma_start3A_353 = arith.constant 0 : i32
        %dma_start3A_354 = tpu.memref_slice %arg23[%dma_start3A_352, %dma_start3A_353] : memref<100000x8xf32, #tpu.memory_space<vmem_shared>> -> memref<100000x8xf32, #tpu.memory_space<vmem_shared>>
        tpu.enqueue_indirect_dma source(%arg16 : memref<1024x8xf32, #tpu.memory_space<vmem>>) target(%dma_start3A_354 : memref<100000x8xf32, #tpu.memory_space<vmem_shared>>) offsets(%arg18 : memref<1024xi32, #tpu.memory_space<vmem>>) semaphore(%arg27 : memref<!tpu.dma_semaphore, #tpu.memory_space<semaphore_mem>>) {add = true}
      } else {
      }
    }
    %scan3A_257 = arith.constant 49 : i32
    %add3A_258 = arith.constant 3104 : i32
    %add3A_259 = arith.addi %add3A, %add3A_258 : i32
    %lt3A_260 = arith.constant 3125 : i32
    %lt3A_261 = arith.cmpi slt, %add3A_259, %lt3A_260 : i32
    %convert_element_type3A_262 = arith.extui %lt3A_261 : i1 to i32
    %cond3A_263 = arith.constant 0 : i32
    %cond3A_264 = arith.cmpi ne, %convert_element_type3A_262, %cond3A_263 : i32
    scf.if %cond3A_264 {
      %dma_wait3A = arith.constant 0 : i32
      %dma_wait3A_276 = arith.constant 0 : i32
      %dma_wait3A_277 = tpu.memref_slice %arg23[%dma_wait3A, %dma_wait3A_276] : memref<100000x8xf32, #tpu.memory_space<vmem_shared>> -> memref<100000x8xf32, #tpu.memory_space<vmem_shared>>
      tpu.wait_indirect_dma semaphore(%arg27 : memref<!tpu.dma_semaphore, #tpu.memory_space<semaphore_mem>>) src(%arg16 : memref<1024x8xf32, #tpu.memory_space<vmem>>) dst(%dma_wait3A_277 : memref<100000x8xf32, #tpu.memory_space<vmem_shared>>)
    } else {
    }
    %barrier3A_265 = arith.constant 0 : index
    tpu.barrier barrier_id(%barrier3A_265)
    %lt3A_266 = arith.constant 15 : i32
    %lt3A_267 = arith.cmpi slt, %arg1, %lt3A_266 : i32
    %convert_element_type3A_268 = arith.extui %lt3A_267 : i1 to i32
    %cond3A_269 = arith.constant 0 : i32
    %cond3A_270 = arith.cmpi ne, %convert_element_type3A_268, %cond3A_269 : i32
    scf.if %cond3A_270 {
      "tpu.region"() ({
        %run_scoped3A = tpu.sem_alloc : memref<!tpu.dma_semaphore, #tpu.memory_space<semaphore_mem>>
        %dma_start3A_276 = arith.constant 0 : i32
        %dma_start3A_277 = tpu.memref_slice %arg7[%arg0, %multiple_of3A, %dma_start3A_276] : memref<2x100000x8xf32, #tpu.memory_space<hbm>> -> memref<1x6256x8xf32, #tpu.memory_space<hbm>>
        %dma_start3A_278 = tpu.memref_squeeze %dma_start3A_277 : memref<1x6256x8xf32, #tpu.memory_space<hbm>> -> memref<6256x8xf32, #tpu.memory_space<hbm>>
        %dma_start3A_279 = arith.constant 0 : i32
        %dma_start3A_280 = tpu.memref_slice %arg23[%multiple_of3A, %dma_start3A_279] : memref<100000x8xf32, #tpu.memory_space<vmem_shared>> -> memref<6256x8xf32, #tpu.memory_space<vmem_shared>>
        tpu.enqueue_dma source(%dma_start3A_280 : memref<6256x8xf32, #tpu.memory_space<vmem_shared>>) target(%dma_start3A_278 : memref<6256x8xf32, #tpu.memory_space<hbm>>) target_semaphore(%run_scoped3A : memref<!tpu.dma_semaphore, #tpu.memory_space<semaphore_mem>>)
        %dma_wait3A = arith.constant 0 : i32
        %dma_wait3A_281 = tpu.memref_slice %arg7[%arg0, %multiple_of3A, %dma_wait3A] : memref<2x100000x8xf32, #tpu.memory_space<hbm>> -> memref<1x6256x8xf32, #tpu.memory_space<hbm>>
        %dma_wait3A_282 = tpu.memref_squeeze %dma_wait3A_281 : memref<1x6256x8xf32, #tpu.memory_space<hbm>> -> memref<6256x8xf32, #tpu.memory_space<hbm>>
        %dma_wait3A_283 = arith.constant 0 : i32
        %dma_wait3A_284 = tpu.memref_slice %arg23[%multiple_of3A, %dma_wait3A_283] : memref<100000x8xf32, #tpu.memory_space<vmem_shared>> -> memref<6256x8xf32, #tpu.memory_space<vmem_shared>>
        tpu.wait_dma2 semaphore(%run_scoped3A : memref<!tpu.dma_semaphore, #tpu.memory_space<semaphore_mem>>) src(%dma_wait3A_284 : memref<6256x8xf32, #tpu.memory_space<vmem_shared>>) dst(%dma_wait3A_282 : memref<6256x8xf32, #tpu.memory_space<hbm>>)
        tpu.yield
      }) : () -> ()
    } else {
    }
    %eq3A_271 = arith.constant 15 : i32
    %eq3A_272 = arith.cmpi eq, %arg1, %eq3A_271 : i32
    %convert_element_type3A_273 = arith.extui %eq3A_272 : i1 to i32
    %cond3A_274 = arith.constant 0 : i32
    %cond3A_275 = arith.cmpi ne, %convert_element_type3A_273, %cond3A_274 : i32
    scf.if %cond3A_275 {
      "tpu.region"() ({
        %run_scoped3A = tpu.sem_alloc : memref<!tpu.dma_semaphore, #tpu.memory_space<semaphore_mem>>
        %dma_start3A_276 = arith.constant 0 : i32
        %dma_start3A_277 = tpu.memref_slice %arg7[%arg0, %multiple_of3A, %dma_start3A_276] : memref<2x100000x8xf32, #tpu.memory_space<hbm>> -> memref<1x6160x8xf32, #tpu.memory_space<hbm>>
        %dma_start3A_278 = tpu.memref_squeeze %dma_start3A_277 : memref<1x6160x8xf32, #tpu.memory_space<hbm>> -> memref<6160x8xf32, #tpu.memory_space<hbm>>
        %dma_start3A_279 = arith.constant 0 : i32
        %dma_start3A_280 = tpu.memref_slice %arg23[%multiple_of3A, %dma_start3A_279] : memref<100000x8xf32, #tpu.memory_space<vmem_shared>> -> memref<6160x8xf32, #tpu.memory_space<vmem_shared>>
        tpu.enqueue_dma source(%dma_start3A_280 : memref<6160x8xf32, #tpu.memory_space<vmem_shared>>) target(%dma_start3A_278 : memref<6160x8xf32, #tpu.memory_space<hbm>>) target_semaphore(%run_scoped3A : memref<!tpu.dma_semaphore, #tpu.memory_space<semaphore_mem>>)
        %dma_wait3A = arith.constant 0 : i32
        %dma_wait3A_281 = tpu.memref_slice %arg7[%arg0, %multiple_of3A, %dma_wait3A] : memref<2x100000x8xf32, #tpu.memory_space<hbm>> -> memref<1x6160x8xf32, #tpu.memory_space<hbm>>
        %dma_wait3A_282 = tpu.memref_squeeze %dma_wait3A_281 : memref<1x6160x8xf32, #tpu.memory_space<hbm>> -> memref<6160x8xf32, #tpu.memory_space<hbm>>
        %dma_wait3A_283 = arith.constant 0 : i32
        %dma_wait3A_284 = tpu.memref_slice %arg23[%multiple_of3A, %dma_wait3A_283] : memref<100000x8xf32, #tpu.memory_space<vmem_shared>> -> memref<6160x8xf32, #tpu.memory_space<vmem_shared>>
        tpu.wait_dma2 semaphore(%run_scoped3A : memref<!tpu.dma_semaphore, #tpu.memory_space<semaphore_mem>>) src(%dma_wait3A_284 : memref<6160x8xf32, #tpu.memory_space<vmem_shared>>) dst(%dma_wait3A_282 : memref<6160x8xf32, #tpu.memory_space<hbm>>)
        tpu.yield
      }) : () -> ()
    } else {
    }
    return
  }
}

</mosaic_0001>

<sc_bundles>
// kernel: kernel.4.cloned.1.call-start
scs
__scs_entry_jumppad:
0x0: {  	(pc) =	sbr.rel $0x88, $3  }
0x1: {  	(tag) =	ssettag $0x0;
	lr =	simm.s32 $0x1  }
0x2: {  	[smem:$0x3F98] =	sst lr;
	_ =	strace $0xD0000000  }
0x3: {  	_ = 	snop  }
0x4: {  	_ = 	snop  }
0x5: {  	_ = 	snop  }
0x6: {  	_ = 	snop  }
0x7: {  	_ = 	snop  }
__scs_overlays_trampoline_lowered:
0x8: {  	[smem:$0x3FA7] =	sst s0  }
0x9: {  	[smem:$0x3FA8] =	sst s1  }
0xa: {  	[smem:$0x3FA9] =	sst s2  }
0xb: {  	[smem:$0x3FAA] =	sst s3  }
0xc: {  	[smem:$0x3FAB] =	sst s4  }
0xd: {  	[smem:$0x3FAC] =	sst s5  }
0xe: {  	[smem:$0x3FAD] =	sst s6  }
0xf: {  	[smem:$0x3FAE] =	sst s7  }
0x10: {  	[smem:$0x3FAF] =	sst s8  }
0x11: {  	[smem:$0x3FB0] =	sst s9;
	s0 =	simm.s32 @!p0 $0x0  }
0x12: {  	s1 =	sld [smem:$0x3F96];
	s0 =	simm.s32 @p0 $0x1  }
0x13: {  	[smem:$0x3FB1] =	sst s0;
	s0 =	simm.s32 @!p1 $0x0  }
0x14: {  	s2 =	sld [smem:$0x3F95];
	s0 =	simm.s32 @p1 $0x1  }
0x15: {  	[smem:$0x3FB2] =	sst s0;
	s0 =	simm.s32 @!p2 $0x0  }
0x16: {  	s3 =	sld [smem:$0x3FDB];
	s0 =	simm.s32 @p2 $0x1  }
0x17: {  	s4 =	simm.s32 $0x1BF5;
	[smem:$0x3FB4] =	sst s0  }
0x18: {  	s0 =	sld [smem:$0x3F97];
	_ =	swait.ge [sflag:s4], $0x0  }
0x19: {  	s7 =	sld [smem:$0x3F98]  }
0x1a: {  	s8 =	sadd.s32 $0xFFFFE003, lr  }
0x1b: {  	s9 =	sadd.s32 $0xFFFFFEF7, lr;
	s5 =	simm.s32 $0xFFFFFFFF;
	p2 =	slt.u32 s8, $0xFFFFF086  }
0x1c: {  	p1 =	slt.u32 s9, $0xF7A;
	s5 =	simm.s32 @!p2 $0x0  }
0x1d: {  	s5 =	simm.s32 @p1 $0x1;
	p0 =	seq.s32 s7, s2  }
0x1e: {  	s7 =	smul.u32 @!p0 $0xF7A, s2;
	p2 =	seq.s32 @!p0 s5, $0x0  }
0x1f: {  	s9 =	smul.u32 $0xF7A, s1;
	s8 =	simm.s32 @!p0 $0x1BF5;
	p2 =	por !p2, p0  }
0x20: {  	[sflag:s8] =	ssyncset.s32 @!p0 $0xFFFFF086;
	s6 =	sadd.s32 @!p0 s3, s7;
	s7 =	simm.s32 @!p0 $0x108  }
0x21: {  	s3 =	sadd.s32 s3, s9;
	s6 =	sadd.s32 @!p0 $0x88, s6;
	s7 =	simm.s32 @p2 $0x1082  }
0x22: {  	[simem:s7], [sflag:s8] =	dma.local @!p0 [hbm:s6], $0xF7A  }
0x23: {  	s9 =	sor.u32 $0xD0000000, s2;
	s6 =	simm.s32 $0x108;
	_ =	swait.ge @!p0 [sflag:s8], $0x0  }
0x24: {  	s3 =	sadd.s32 $0x88, s3;
	s6 =	simm.s32 @!p1 $0x1082;
	[sflag:s4] =	ssyncset.s32 $0xFFFFF086  }
0x25: {  	[simem:s6], [sflag:s4] =	dma.local [hbm:s3], $0xF7A  }
0x26: {  	[smem:$0x3F98] =	sst s1;
	(tag) =	ssettag s2;
	_ =	strace s9  }
0x27: {  	s1 =	sld [smem:$0x3FA8]  }
0x28: {  	s2 =	sld [smem:$0x3FA9]  }
0x29: {  	s4 =	sld [smem:$0x3FAB]  }
0x2a: {  	p0 =	seq.s32 s5, $0x0;
	s5 =	sld [smem:$0x3FAC]  }
0x2b: {  	s6 =	sld [smem:$0x3FAD]  }
0x2c: {  	s7 =	sld [smem:$0x3FAE]  }
0x2d: {  	s3 =	simm.s32 $0x108;
	s8 =	sld [smem:$0x3FAF]  }
0x2e: {  	s3 =	simm.s32 @!p0 $0x1082;
	s9 =	sld [smem:$0x3FB0]  }
0x2f: {  	lr =	sadd.s32 s0, s3;
	s0 =	sld [smem:$0x3FA7]  }
0x30: {  	s3 =	sld [smem:$0x3FAA]  }
0x31: {  	[smem:$0x3FB3] =	sst s10  }
0x32: {  	s10 =	sld [smem:$0x3FB1];
	_ =	sdelay $0x3  }
0x33: {  	p0 =	seq.s32 s10, $0x1;
	s10 =	sld [smem:$0x3FB3];
	_ =	sdelay $0x3  }
0x34: {  	[smem:$0x3FB3] =	sst s10  }
0x35: {  	s10 =	sld [smem:$0x3FB2];
	_ =	sdelay $0x3  }
0x36: {  	p1 =	seq.s32 s10, $0x1;
	s10 =	sld [smem:$0x3FB3];
	_ =	sdelay $0x3  }
0x37: {  	[smem:$0x3FB3] =	sst s10  }
0x38: {  	s10 =	sld [smem:$0x3FB4]  }
0x39: {  	_ = 	snop;
	(pc) =	sbr.ind lr, $3  }
0x3a: {  	_ = 	snop  }
0x3b: {  	_ = 	snop  }
0x3c: {  	p2 =	seq.s32 s10, $0x1;
	s10 =	sld [smem:$0x3FB3]  }
0x3d: {  	_ =	shalt  }
0x3e: {  	_ =	shalt  }
0x3f: {  	_ =	shalt  }
0x40: {  	_ =	shalt  }
0x41: {  	_ =	shalt  }
0x42: {  	_ =	shalt  }
0x43: {  	_ =	shalt  }
0x44: {  	_ =	shalt  }
0x45: {  	_ =	shalt  }
0x46: {  	_ =	shalt  }
0x47: {  	_ =	shalt  }
0x48: {  	_ =	shalt  }
0x49: {  	_ =	shalt  }
0x4a: {  	_ =	shalt  }
0x4b: {  	_ =	shalt  }
0x4c: {  	_ =	shalt  }
0x4d: {  	_ =	shalt  }
0x4e: {  	_ =	shalt  }
0x4f: {  	_ =	shalt  }
0x50: {  	_ =	shalt  }
0x51: {  	_ =	shalt  }
0x52: {  	_ =	shalt  }
0x53: {  	_ =	shalt  }
0x54: {  	_ =	shalt  }
0x55: {  	_ =	shalt  }
0x56: {  	_ =	shalt  }
0x57: {  	_ =	shalt  }
0x58: {  	_ =	shalt  }
0x59: {  	_ =	shalt  }
0x5a: {  	_ =	shalt  }
0x5b: {  	_ =	shalt  }
0x5c: {  	_ =	shalt  }
0x5d: {  	_ =	shalt  }
0x5e: {  	_ =	shalt  }
0x5f: {  	_ =	shalt  }
0x60: {  	_ =	shalt  }
0x61: {  	_ =	shalt  }
0x62: {  	_ =	shalt  }
0x63: {  	_ =	shalt  }
0x64: {  	_ =	shalt  }
0x65: {  	_ =	shalt  }
0x66: {  	_ =	shalt  }
0x67: {  	_ =	shalt  }
0x68: {  	_ =	shalt  }
0x69: {  	_ =	shalt  }
0x6a: {  	_ =	shalt  }
0x6b: {  	_ =	shalt  }
0x6c: {  	_ =	shalt  }
0x6d: {  	_ =	shalt  }
0x6e: {  	_ =	shalt  }
0x6f: {  	_ =	shalt  }
0x70: {  	_ =	shalt  }
0x71: {  	_ =	shalt  }
0x72: {  	_ =	shalt  }
0x73: {  	_ =	shalt  }
0x74: {  	_ =	shalt  }
0x75: {  	_ =	shalt  }
0x76: {  	_ =	shalt  }
0x77: {  	_ =	shalt  }
0x78: {  	_ =	shalt  }
0x79: {  	_ =	shalt  }
0x7a: {  	_ =	shalt  }
0x7b: {  	_ =	shalt  }
0x7c: {  	_ =	shalt  }
0x7d: {  	_ =	shalt  }
0x7e: {  	_ =	shalt  }
0x7f: {  	_ =	shalt  }
0x80: {  	_ =	shalt  }
0x81: {  	_ =	shalt  }
0x82: {  	_ =	shalt  }
0x83: {  	_ =	shalt  }
0x84: {  	_ =	shalt  }
0x85: {  	_ =	shalt  }
0x86: {  	_ =	shalt  }
0x87: {  	_ =	shalt  }
.Lfunc_end0:
.L_simem_size_0:
called_computation_lowered:
.L_overlay_start_0:
0x88: {  	s2 =	sld [smem:$0x3FD9]  }
0x89: {  	s3 =	sld [smem:$0x3FFE];
	_ =	sdelay $0x1  }
0x8a: {  	s1 =	srdreg.scid  }
0x8b: {  	s0 =	sand.u32 $0x1, s1  }
0x8c: {  	s17 =	sshll.u32 s0, $0xA;
	s2 =	sadd.s32 s3, s2  }
0x8d: {  	s2 =	sadd.s32 s2, s17  }
0x8e: {  	[smem:$0x3FBF] =	sst s2  }
0x8f: {  	_ = 	snop  }
0x90: {  	s2 =	sld [smem:$0x3FC7]  }
0x91: {  	s18 =	sld [smem:$0x3FD0];
	(tm) =	ssettm $0x1  }
0x92: {  	s4 =	sld [smem:$0x3FFB];
	_ =	sdelay $0x3  }
0x93: {  	_ =	strace s4  }
0x94: {  	s4 =	sld [smem:$0x3FFC];
	_ =	sdelay $0x3  }
0x95: {  	_ =	strace s4  }
0x96: {  	s4 =	sld [smem:$0x3FFD];
	_ =	sdelay $0x3  }
0x97: {  	_ =	strace s4  }
0x98: {  	_ =	strace $0x8FFFFFFF  }
0x99: {  	s19 =	sld [smem:$0x3FDB];
	_ =	sdelay $0x1  }
0x9a: {  	s5 =	simm.s32 $_scs_section_size  }
0x9b: {  	s6 =	simm.s32 $_size__tile_overlayer_lowered;
	s7 =	simm.s32 $_tile_overlayer_lowered  }
0x9c: {  	s22 =	simm.s32 $0x1BFF;
	s21 =	sshll.u32 s7, $0x1;
	s4 =	sadd.s32 s5, s19  }
0x9d: {  	s8 =	simm.s32 $0x0;
	s20 =	sshll.u32 s6, $0x1;
	s6 =	sadd.s32 s21, s4  }
0x9e: {  	[timem:s8], [sflag:s22] =	dma.local [hbm:s6], s20  }
0x9f: {  	_ =	swait.ge [sflag:s22], s20  }
0xa0: {  	s5 =	ssub.s32 $0x0, s20;
	[sflag:s22] =	ssyncset.done $0x0  }
0xa1: {  	[sflag:s22] =	ssyncadd.s32 s5;
	_ =	sdelay $0x1  }
0xa2: {  	s23 =	simm.s32 $0x1B8B  }
0xa3: {  	_ =	swait.ge [sflag:s23], $0x1  }
0xa4: {  	[sflag:s23] =	ssyncset.done $0x0  }
0xa5: {  	s25 =	simm.s32 $0x1B8E;
	s24 =	sld [smem:$0x3FFE];
	[sflag:s23] =	ssyncadd.s32 $0xFFFFFFFF  }
0xa6: {  	s26 =	simm.s32 $execute0_lowered;
	[smem:$0x3FD2] =	sst s25  }
0xa7: {  	s6 =	sshll.u32 s26, $0x1;
	_ =	strace $0x80000046;
	[dreg:$0x1] =	wrdreg $0xFFFFFFFF  }
0xa8: {  	s28 =	simm.s32 $_size_execute0_lowered;
	s4 =	sadd.s32 s4, s6;
	[dreg:$0x0] =	wrdreg $0x0  }
0xa9: {  	s6 =	sshll.u32 s28, $0x1;
	[dreg:$0x2] =	wrdreg s4  }
0xaa: {  	[dreg:$0x3] =	wrdreg s6  }
0xab: {  	[dreg:$0x4] =	wrdreg $0xC0  }
0xac: {  	_ =	task [dreg:s8], $0x5FFFF  }
0xad: {  	[dreg:$0x1] =	wrdreg $0xFFFFFFFF  }
0xae: {  	[dreg:$0x0] =	wrdreg $0x60  }
0xaf: {  	[dreg:$0x2] =	wrdreg s24  }
0xb0: {  	[dreg:$0x3] =	wrdreg s2  }
0xb1: {  	[dreg:$0x4] =	wrdreg s18  }
0xb2: {  	[dreg:$0x5] =	wrdreg $0x125B00  }
0xb3: {  	[dreg:$0x6] =	wrdreg $0x125A00  }
0xb4: {  	[dreg:$0x7] =	wrdreg $0x9  }
0xb5: {  	_ =	task.clear_ibuf [dreg:s8], $0x8FFFF;
	_ =	strace $0x90000046  }
0xb6: {  	s29 =	simm.s32 $0x9;
	_ =	strace $0x80000048  }
0xb7: {  	_ =	swait.ge [sflag:s29], $0x1  }
0xb8: {  	[sflag:s29] =	ssyncadd.s32 $0xFFFFFFFF  }
0xb9: {  	_ =	strace $0x90000048  }
0xba: {  	_ =	sfence  }
0xbb: {  	s30 =	sld [smem:$0x0];
	_ =	sdelay $0x2  }
0xbc: {  	s31 =	sshll.u32 s1, $0xD;
	s1 =	sshrl.u32 s1, $0x2  }
0xbd: {  	s3 =	sand.u32 $0x4000, s31;
	s1 =	sadd.s32 s1, s30  }
0xbe: {  	s0 =	sor.u32 s3, s0;
	s1 =	sshll.u32 s1, $0x11  }
0xbf: {  	s0 =	sor.u32 s1, s0  }
0xc0: {  	s0 =	sadd.s32 $0x8F2B, s0  }
0xc1: {  	[sflag:s0] =	ssyncadd.remote.s32 $0x1  }
0xc2: {  	_ =	sfence.sel $0xFFFF  }
0xc3: {  	[dreg:$0x0] =	wrdreg $0xFFFFFFFF;
	(pc) =	sbr.abs _section_cstart, $3  }
0xc4: {  	[dreg:$0x1] =	wrdreg $0xFFFFFFFF  }
0xc5: {  	_ =	task.clear_ibuf [dreg:s8], $0x2FFFF;
	_ =	strace $0x9FFFFFFF  }
0xc6: {  	(tm) =	ssettm $0x7FFFFFFF  }
0xc7: {  	_ =	shalt  }
tec
execute0_lowered:
.L_overlay_start_1:
0x0: {  	(tag) =	ssettag $0x1  }
0x1: {  	s0 =	rddreg [dreg:$0x0]  }
0x2: {  	s1 =	rddreg [dreg:$0x1]  }
0x3: {  	s3 =	rddreg [dreg:$0x3]  }
0x4: {  	s13 =	rddreg [dreg:$0x4];
	s2 =	simm.s32 $0x0;
	s17 =	srdreg.scid  }
0x5: {  	s15 =	stileid.u32;
	s31 =	simm.s32 $0x1;
	s28 =	simm.s32 $0x3  }
0x6: {  	s29 =	simm.s32 $0x5D40;
	s30 =	simm.s32 $0x0;
	[smem:$0x7FF] =	sst s2  }
0x7: {  	s7 =	sadd.s32 $0xA00, s0;
	s16 =	sadd.s32 $0xC4000, s0;
	s4 =	sadd.s32 $0xC4200, s0  }
0x8: {  	s2 =	sand.u32 $0x1, s17;
	s18 =	sadd.s32 $0xC5C00, s0;
	s6 =	smul.u32 $0x30E00, s15  }
0x9: {  	s9 =	sshll.u32 s15, $0x1;
	s11 =	smul.u32 $0x3100, s15;
	s20 =	sshll.u32 s15, $0x4  }
0xa: {  	s12 =	smul.u32 $0xC380, s15;
	_ =	strace $0x80000047;
	[dreg:$0x6] =	wrdreg s16  }
0xb: {  	s14 =	sadd.s32 $0x62480, s0;
	p0 =	seq.s32 s15, $0xF;
	[dreg:$0x7] =	wrdreg s4  }
0xc: {  	s5 =	ssub.s32 $0x2, s2;
	s10 =	sor.u32 s2, s9;
	s2 =	smul.u32 $0xC3500, s2  }
0xd: {  	s9 =	sadd.s32 s20, s13;
	s20 =	simm.s32 $0x5;
	s4 =	simm.s32 $0x2  }
0xe: {  	v0 =	vimm.s32 $0xEFCDAB89;
	v1 =	vimm.s32 $0x67452301;
	v3 =	vimm.s32 $0x54761032;
	s8 =	sshrl.u32 s5, $0x1;
	s6 =	sshrl.u32 s6, $0x2;
	s19 =	sshrl.u32 s11, $0x2  }
0xf: {  	v4 =	vimm.s32 $0xBA98FEDC;
	v5 =	vimm.s32 $0x32107654;
	s11 =	sadd.s32 $0xB7480, s3;
	[dreg:$0x8] =	wrdreg s9;
	s21 =	sshll.u32 s10, $0x7  }
0x10: {  	v6 =	vimm.s32 $0xFEDCBA98;
	v7 =	vimm.s32 $0x76543210;
	v0 =	vunpack.c.l.s4.s8 v0;
	p1 =	sgt.u32 s10, $0x14;
	s5 =	ssub.s32 s5, s8;
	s6 =	sadd.s32 s6, s3  }
0x11: {  	v1 =	vunpack.c.l.s4.s8 v1;
	v3 =	vunpack.c.l.s4.s8 v3;
	v4 =	vunpack.c.l.s4.s8 v4;
	s8 =	sadd.s32 $0x6140, s19;
	s22 =	sadd.s32 s7, s21;
	s23 =	sadd.s32 s12, s2  }
0x12: {  	v5 =	vunpack.c.l.s4.s8 v5;
	v2 =	vunpack.c.0.s8.s32 v0;
	v0 =	vimm.s32 $0xDCFE98BA;
	s24 =	sadd.s32 s21, s14;
	s2 =	sshrl.u32 s2, $0x3;
	[dreg:$0x9] =	wrdreg s22  }
0x13: {  	v6 =	vunpack.c.l.s4.s8 v6;
	v7 =	vunpack.c.l.s4.s8 v7;
	s9 =	sadd.s32 s1, s21;
	v0 =	vunpack.c.l.s4.s8 v0;
	s21 =	simm.s32 $0x6140;
	[dreg:$0xa] =	wrdreg s24  }
0x14: {  	v1 =	vunpack.c.0.s8.s32 v1;
	v4 =	vunpack.c.0.s8.s32 v4;
	v5 =	vunpack.c.0.s8.s32 v5;
	s0 =	sshrl.u32 s23, $0x3;
	[dreg:$0xb] =	wrdreg s9;
	s25 =	sadd.s32 s18, s2  }
.Ltmp0:
0x15: {  	v3 =	vunpack.c.0.s8.s32 v3;
	v6 =	vunpack.c.0.s8.s32 v6;
	s2 =	sadd.s32 s12, s3;
	s19 =	smax.u32 s5, $0x1;
	v8 =	vunpack.c.0.s8.s32 v0;
	(pc) =	sbr.rel .LBB2_1-.Ltmp0, $4  }
0x16: {  	s26 =	sshrl.u32 s6, $0x3;
	v1 =	vcombine.low v1, v2;
	v2 =	vunpack.c.0.s8.s32 v7;
	v4 =	vcombine.low v5, v4;
	s22 =	simm.s32 $0x400;
	s24 =	simm.s32 $0x0  }
0x17: {  	v5 =	vand.u32 $0xF, v6;
	s0 =	sadd.s32 s18, s0;
	s18 =	sadd.s32 $0x16E90, s25;
	s23 =	sshrl.u32 @!p0 s2, $0x3;
	v0 =	vmov s8;
	v3 =	vcombine.low v3, v8  }
0x18: {  	[dreg:$0xd] =	wrdreg s26;
	s25 =	simm.s32 $0x12490;
	s2 =	simm.s32 $0x5940;
	v1 =	vand.u32 $0xF, v1;
	v2 =	vcombine.low v5, v2;
	v5 =	vlaneseq.u32  }
0x19: {  	s26 =	simm.s32 $0x3940;
	[dreg:$0xc] =	wrdreg s0;
	s0 =	simm.s32 $0xD40;
	v4 =	vand.u32 $0xF, v4;
	v5 =	vmul.u32 $0x8, v5;
	v3 =	vand.u32 $0xF, v3  }
.LBB2_16:
0x1a: {  	s5 =	simm.s32 @!p1 $0x4  }
0x1b: {  	_ =	swait.ge @!p1 [sflag:s5], $0x2000  }
0x1c: {  	[sflag:s5] =	ssyncset.done @!p1 $0x0  }
0x1d: {  	[sflag:s5] =	ssyncadd.s32 @!p1 $0xFFFFE000  }
0x1e: {  	s6 =	simm.s32 @p0 $0x1FC5;
	s5 =	sshrl.u32 @p0 s11, $0x3;
	[bflag:$0x0] =	sbarrier.arrive $0xFFFF  }
0x1f: {  	[hbm:s18], [sflag:s6] =	dma.local @p0 [spmem:s5], $0x1810  }
0x20: {  	s5 =	simm.s32 @p0 $0x5  }
0x21: {  	s30 =	sadd.s32 $0x1, s30;
	s6 =	stileid.u32;
	_ =	swait.ge @p0 [sflag:s5], $0x1810  }
0x22: {  	p2 =	sne.s32 s30, s19;
	s6 =	sshll.u32 @!p0 s6, $0x6;
	[sflag:s5] =	ssyncset.done @p0 $0x0  }
0x23: {  	[sflag:s5] =	ssyncadd.s32 @p0 $0xFFFFE7F0;
	s5 =	sor.u32 @!p0 $0x1C05, s6;
	s6 =	rddreg [dreg:$0xc]  }
0x24: {  	[hbm:s6], [sflag:s5] =	dma.local @!p0 [spmem:s23], $0x1870  }
.Ltmp1:
0x25: {  	_ = 	snop;
	(pc) =	sbr.rel @!p2 .LBB2_17-.Ltmp1, $4  }
0x26: {  	s5 =	simm.s32 @!p0 $0x5  }
0x27: {  	_ =	swait.ge @!p0 [sflag:s5], $0x1870  }
0x28: {  	[sflag:s5] =	ssyncset.done @!p0 $0x0  }
0x29: {  	[sflag:s5] =	ssyncadd.s32 @!p0 $0xFFFFE790  }
.LBB2_1:
0x2a: {  	s6 =	simm.s32 $0x0;
	s5 =	rddreg [dreg:$0x6]  }
0x2b: {  	[tilespmem:s6], [sflag:$0x5] =	stream.linear.gather [hbm4b:s5+s6], $0x140, $0x38;
	[tilespmem:$0x1E900] =	vst v63  }
0x2c: {  	_ =	swait.ge [sflag:s20], $0x140  }
0x2d: {  	[sflag:s20] =	ssyncset.done $0x0  }
0x2e: {  	[sflag:s20] =	ssyncadd.s32 $0xFFFFFEC0  }
.Ltmp2:
0x2f: {  	s17 =	rddreg [dreg:$0x2];
	(pc) =	sbr.rel @!p0 .LBB2_2-.Ltmp2, $4  }
0x30: {  	[tilespmem:s21], [sflag:$0x5] =	stream.linear.gather [hbm4b:s17+s6], $0xC350, $0x38;
	[tilespmem:$0x1E900] =	vst v63  }
0x31: {  	_ =	swait.ge [sflag:s20], $0xC350  }
0x32: {  	[sflag:s20] =	ssyncset.done $0x0  }
0x33: {  	[sflag:s20] =	ssyncadd.s32 $0xFFFF3CB0  }
0x34: {  	s5 =	sshrl.u32 s11, $0x3;
	s6 =	rddreg [dreg:$0x7];
	s8 =	simm.s32 $0x1FC5  }
0x35: {  	[spmem:s5], [sflag:s8] =	dma.local [hbm:s6], $0x1810  }
0x36: {  	_ =	swait.ge [sflag:s20], $0x1810  }
0x37: {  	[sflag:s20] =	ssyncset.done $0x0  }
0x38: {  	s17 =	simm.s32 $0x0;
	[sflag:s20] =	ssyncadd.s32 $0xFFFFE7F0  }
0x39: {  	v6 =	vimm.f32 $0.0e+00;
	s5 =	simm.s32 $0x40;
	v7 =	vld [tilespmem:s17+$0x11900]  }
.LBB2_6:
0x3a: {  	_ =	sdelay $0x1  }
0x3b: {  	p2 =	sne.s32 s5, $0x2E00  }
.Ltmp3:
0x3c: {  	_ = 	snop;
	(pc) =	sbr.rel @p2 .LBB2_6-.Ltmp3, $4  }
0x3d: {  	v8 =	vshll.u32 v7, $0x10;
	v9 =	vand.u32 $0xFFFF0000, v7  }
0x3e: {  	v8 =	vand.u32 $0x7FFFFFFF, v8;
	v9 =	vand.u32 $0x7FFFFFFF, v9  }
0x3f: {  	s6 =	sshra.s32 s5, $0x2;
	v8 =	vmax.f32 v8, v9  }
0x40: {  	s5 =	sadd.s32 $0x40, s5;
	v7 =	vld [tilespmem:s6+$0x11900];
	v6 =	vmax.f32 v6, v8  }
0x41: {  	_ =	sdelay $0x2  }
.Ltmp4:
0x42: {  	_ = 	snop;
	(pc) =	sbr.rel .LBB2_8-.Ltmp4, $4  }
0x43: {  	v8 =	vshll.u32 v7, $0x10;
	v7 =	vand.u32 $0xFFFF0000, v7  }
0x44: {  	v8 =	vand.u32 $0x7FFFFFFF, v8;
	v7 =	vand.u32 $0x7FFFFFFF, v7  }
0x45: {  	v7 =	vmax.f32 v8, v7  }
0x46: {  	v6 =	vmax.f32 v6, v7  }
.LBB2_2:
0x47: {  	s5 =	stileid.u32  }
0x48: {  	s6 =	rddreg [dreg:$0x7];
	s5 =	sshll.u32 s5, $0x6  }
0x49: {  	s8 =	rddreg [dreg:$0xd];
	s5 =	sor.u32 $0x1C05, s5  }
0x4a: {  	[spmem:s8], [sflag:s5] =	dma.local [hbm:s6], $0x1870  }
0x4b: {  	_ =	swait.ge [sflag:s20], $0x1870  }
0x4c: {  	[sflag:s20] =	ssyncset.done $0x0  }
0x4d: {  	s17 =	simm.s32 $0x0;
	[sflag:s20] =	ssyncadd.s32 $0xFFFFE790  }
0x4e: {  	v7 =	vld.idx.msk [tilespmem:v0+s17+$0x0 ss:$0x1], $0xffff;
	_ =	sdelay $0x1  }
0x4f: {  	v6 =	vimm.f32 $0.0e+00;
	s5 =	simm.s32 $0x40  }
.LBB2_3:
0x50: {  	p2 =	seq.s32 s5, $0x30C0  }
.Ltmp5:
0x51: {  	s6 =	sshra.s32 s5, $0x2;
	s5 =	sadd.s32 $0x40, s5;
	(pc) =	sbr.rel @!p2 .LBB2_3-.Ltmp5, $4  }
0x52: {  	v8 =	vshll.u32 v7, $0x10;
	v9 =	vand.u32 $0xFFFF0000, v7;
	v7 =	vld.idx.msk [tilespmem:v0+s6+$0x0 ss:$0x1], $0xffff  }
0x53: {  	v8 =	vand.u32 $0x7FFFFFFF, v8;
	v9 =	vand.u32 $0x7FFFFFFF, v9  }
0x54: {  	v8 =	vmax.f32 v8, v9  }
0x55: {  	v6 =	vmax.f32 v6, v8  }
0x56: {  	_ = 	snop  }
0x57: {  	v8 =	vshll.u32 v7, $0x10;
	v7 =	vand.u32 $0xFFFF0000, v7  }
0x58: {  	v8 =	vand.u32 $0x7FFFFFFF, v8;
	v7 =	vand.u32 $0x7FFFFFFF, v7  }
0x59: {  	v7 =	vmax.f32 v8, v7  }
0x5a: {  	v6 =	vmax.f32 v6, v7  }
.LBB2_8:
0x5b: {  	[tilespmem:$0x12490] =	vst v6;
	s5 =	rddreg [dreg:$0x8]  }
0x5c: {  	[spmem:s5] =	stream.linear.scatter [tilespmem:s25], [sflag:$0x5], $0x10, $0x38;
	[tilespmem:$0x1E900] =	vst v63  }
0x5d: {  	_ =	swait.ge [sflag:s20], $0x10  }
0x5e: {  	[sflag:s20] =	ssyncset.done $0x0  }
0x5f: {  	[sflag:s20] =	ssyncadd.s32 $0xFFFFFFF0  }
0x60: {  	[bflag:$0x0] =	sbarrier.arrive $0xFFFF  }
0x61: {  	s6 =	simm.s32 $0x124A0;
	s8 =	rddreg [dreg:$0x4]  }
0x62: {  	[tilespmem:s6], [sflag:$0x5] =	stream.linear.gather [spmem:s8], $0x100, $0x38;
	[tilespmem:$0x1E900] =	vst v63  }
0x63: {  	_ =	swait.ge [sflag:s20], $0x100  }
0x64: {  	[sflag:s20] =	ssyncset.done $0x0  }
0x65: {  	[sflag:s20] =	ssyncadd.s32 $0xFFFFFF00  }
0x66: {  	v6 =	vld [tilespmem:$0x124A0]  }
0x67: {  	v7 =	vld [tilespmem:$0x124B0]  }
0x68: {  	v8 =	vld [tilespmem:$0x124C0]  }
0x69: {  	v9 =	vld [tilespmem:$0x124D0]  }
0x6a: {  	v10 =	vld [tilespmem:$0x124E0]  }
0x6b: {  	v11 =	vld [tilespmem:$0x124F0]  }
0x6c: {  	v6 =	vmax.f32 v6, v7;
	v7 =	vld [tilespmem:$0x12500]  }
0x6d: {  	v6 =	vmax.f32 v6, v8;
	v8 =	vld [tilespmem:$0x12510]  }
0x6e: {  	v6 =	vmax.f32 v6, v9;
	v9 =	vld [tilespmem:$0x12520]  }
0x6f: {  	v6 =	vmax.f32 v6, v10;
	v10 =	vld [tilespmem:$0x12530]  }
0x70: {  	v6 =	vmax.f32 v6, v11;
	v11 =	vld [tilespmem:$0x12540]  }
0x71: {  	v6 =	vmax.f32 v6, v7;
	v7 =	vld [tilespmem:$0x12550]  }
0x72: {  	v6 =	vmax.f32 v6, v8;
	v8 =	vld [tilespmem:$0x12560]  }
0x73: {  	v6 =	vmax.f32 v6, v9;
	v9 =	vld [tilespmem:$0x12570]  }
0x74: {  	v6 =	vmax.f32 v6, v10;
	v10 =	vld [tilespmem:$0x12580]  }
0x75: {  	v6 =	vmax.f32 v6, v11;
	v11 =	vld [tilespmem:$0x12590]  }
0x76: {  	v6 =	vmax.f32 v6, v7  }
0x77: {  	v6 =	vmax.f32 v6, v8  }
0x78: {  	v6 =	vmax.f32 v6, v9  }
0x79: {  	v6 =	vmax.f32 v6, v10  }
0x7a: {  	v6 =	vmax.f32 v6, v11  }
0x7b: {  	[tilespmem:$0x12490] =	vst v6  }
0x7c: {  	v7 =	vld.idx.msk [tilespmem:v1+s25+$0x0], $0xffff;
	_ =	sdelay $0x4  }
0x7d: {  	v6 =	vmax.f32 v6, v7  }
0x7e: {  	[tilespmem:$0x12490] =	vst v6  }
0x7f: {  	v7 =	vld.idx.msk [tilespmem:v3+s25+$0x0], $0xffff;
	_ =	sdelay $0x4  }
0x80: {  	v6 =	vmax.f32 v6, v7  }
0x81: {  	[tilespmem:$0x12490] =	vst v6  }
0x82: {  	v7 =	vld.idx.msk [tilespmem:v4+s25+$0x0], $0xffff;
	_ =	sdelay $0x3  }
0x83: {  	v12 =	vld [tilespmem:$0x80]  }
0x84: {  	v8 =	vld [tilespmem:$0x40];
	v13 =	vmax.f32 v6, v7  }
0x85: {  	v9 =	vld [tilespmem:$0x20];
	[tilespmem:$0x12490] =	vst v13  }
0x86: {  	v14 =	vld.idx.msk [tilespmem:v2+s25+$0x0], $0xffff  }
0x87: {  	v6 =	vld [tilespmem:$0x0]  }
0x88: {  	v10 =	vld [tilespmem:$0x30]  }
0x89: {  	v11 =	vld [tilespmem:$0x50]  }
0x8a: {  	v7 =	vld [tilespmem:$0x10]  }
0x8b: {  	v25 =	vmax.f32 v13, v14;
	v13 =	vld [tilespmem:$0x60]  }
0x8c: {  	v16 =	vand.u32 $0x7FFFFFFF, v8;
	v15 =	vand.u32 $0x7FFFFFFF, v6;
	v14 =	vld [tilespmem:$0xC0]  }
0x8d: {  	v17 =	vmul.f32 v15, v25;
	v18 =	vmul.f32 v16, v25;
	v15 =	vld [tilespmem:$0x70]  }
0x8e: {  	v23 =	vand.u32 $0x7FFFFFFF, v11;
	v16 =	vld [tilespmem:$0x90]  }
0x8f: {  	v28 =	vmul.f32 v23, v25;
	v23 =	vld [tilespmem:$0x110];
	v19 =	vadd.f32 v18, v17  }
0x90: {  	v20 =	vand.u32 $0x7FFFFFFF, v12;
	v17 =	vld [tilespmem:$0xA0]  }
0x91: {  	v24 =	vand.u32 $0x7FFFFFFF, v9;
	v21 =	vadd.f32 v20, v19;
	v19 =	vld [tilespmem:$0x100]  }
0x92: {  	v31 =	vand.u32 $0x7FFFFFFF, v10;
	v29 =	vmul.f32 v24, v25;
	v18 =	vld [tilespmem:$0xB0];
	v22 =	vand.u32 $0x7FFFFFFF, v14  }
0x93: {  	v20 =	vld [tilespmem:$0xD0];
	v24 =	vand.u32 $0x7FFFFFFF, v13;
	v26 =	vadd.f32 v22, v21;
	v22 =	vand.u32 $0x7FFFFFFF, v7  }
0x94: {  	v30 =	vmul.f32 v24, v25;
	v32 =	vand.u32 $0x7FFFFFFF, v15;
	v21 =	vld [tilespmem:$0xE0];
	v27 =	vmul.f32 v22, v25  }
0x95: {  	v31 =	vmul.f32 v31, v25;
	v32 =	vmul.f32 v32, v25;
	v22 =	vld [tilespmem:$0xF0]  }
0x96: {  	v24 =	vld [tilespmem:$0x120];
	v25 =	vand.u32 $0x7FFFFFFF, v19;
	v27 =	vadd.f32 v28, v27;
	v28 =	vadd.f32 v30, v29  }
0x97: {  	s12 =	simm.s32 $0x140;
	s9 =	rddreg [dreg:$0x9];
	v29 =	vand.u32 $0x7FFFFFFF, v16;
	v30 =	vadd.f32 v32, v31;
	v25 =	vadd.f32 v25, v26;
	v26 =	vld [tilespmem:$0x130]  }
0x98: {  	v31 =	vand.u32 $0x7FFFFFFF, v18;
	[tilespmem:s12], [sflag:$0x1] =	stream.linear.gather [hbm4b:s9+s24], $0x400, $0x38;
	v27 =	vadd.f32 v29, v27;
	v29 =	vand.u32 $0x7FFFFFFF, v17;
	[tilespmem:$0x1E900] =	vst v63  }
.Ltmp6:
0x99: {  	v30 =	vadd.f32 v31, v30;
	v28 =	vadd.f32 v29, v28;
	v29 =	vand.u32 $0x7FFFFFFF, v20;
	(pc) =	sbr.rel .LBB2_9-.Ltmp6, $4  }
0x9a: {  	s15 =	simm.s32 $0x540;
	s13 =	rddreg [dreg:$0xa];
	v31 =	vand.u32 $0x7FFFFFFF, v22;
	v27 =	vadd.f32 v29, v27;
	v29 =	vand.u32 $0x7FFFFFFF, v21  }
0x9b: {  	[tilespmem:s15], [sflag:$0x1] =	stream.linear.gather [hbm4b:s13+s24], $0x400, $0x38;
	v30 =	vadd.f32 v31, v30;
	v28 =	vadd.f32 v29, v28;
	v29 =	vand.u32 $0x7FFFFFFF, v23;
	[tilespmem:$0x1E900] =	vst v63  }
0x9c: {  	s17 =	simm.s32 $0x940;
	s6 =	simm.s32 $0x0;
	s16 =	rddreg [dreg:$0xb];
	v27 =	vadd.f32 v29, v27;
	v29 =	vand.u32 $0x7FFFFFFF, v24;
	v31 =	vand.u32 $0x7FFFFFFF, v26  }
0x9d: {  	[tilespmem:s17], [sflag:$0x1] =	stream.linear.gather [hbm4b:s16+s24], $0x400, $0x38;
	v28 =	vadd.f32 v29, v28;
	v29 =	vadd.f32 v31, v30;
	[tilespmem:$0x1E900] =	vst v63  }
.LBB2_18:
0x9e: {  	_ =	swait.ge [sflag:s28], $0x2000  }
0x9f: {  	[sflag:s28] =	ssyncset.done $0x0  }
0xa0: {  	[sflag:s28] =	ssyncadd.s32 $0xFFFFE000  }
.LBB2_15:
0xa1: {  	s6 =	sadd.s32 $0x1, s6  }
0xa2: {  	p2 =	sne.s32 s6, $0x31  }
.Ltmp7:
0xa3: {  	_ = 	snop;
	(pc) =	sbr.rel @!p2 .LBB2_16-.Ltmp7, $1  }
0xa4: {  	_ =	sdelay $0x3  }
.LBB2_9:
0xa5: {  	_ =	swait.ge [sflag:s31], $0x400  }
0xa6: {  	[sflag:s31] =	ssyncset.done $0x0  }
0xa7: {  	[sflag:s31] =	ssyncadd.s32 $0xFFFFFC00  }
0xa8: {  	s5 =	sshll.u32 s6, $0x6;
	_ =	swait.ge [sflag:s31], $0x400  }
0xa9: {  	s13 =	sor.u32 s10, s5;
	[sflag:s31] =	ssyncset.done $0x0  }
0xaa: {  	s5 =	sor.u32 $0x20, s13;
	[sflag:s31] =	ssyncadd.s32 $0xFFFFFC00  }
0xab: {  	p2 =	sgt.u32 s5, $0xC34;
	_ =	swait.ge [sflag:s31], $0x400  }
0xac: {  	s8 =	sshll.u32 @!p2 s5, $0x7;
	s12 =	simm.s32 @!p2 $0x0;
	[sflag:s31] =	ssyncset.done $0x0  }
0xad: {  	s15 =	simm.s32 @!p2 $0x2D40;
	s9 =	sadd.s32 @!p2 s7, s8;
	[sflag:s31] =	ssyncadd.s32 $0xFFFFFC00  }
0xae: {  	[tilespmem:s15], [sflag:$0x2] =	stream.linear.gather @!p2 [hbm4b:s9+s12], $0x400, $0x38;
	[tilespmem:$0x1E900] =	vst v63  }
0xaf: {  	s9 =	sadd.s32 @!p2 s8, s14;
	s15 =	simm.s32 @!p2 $0x3140  }
0xb0: {  	[tilespmem:s15], [sflag:$0x2] =	stream.linear.gather @!p2 [hbm4b:s9+s12], $0x400, $0x38;
	[tilespmem:$0x1E900] =	vst v63  }
0xb1: {  	s8 =	sadd.s32 @!p2 s1, s8;
	s9 =	simm.s32 @!p2 $0x3540  }
0xb2: {  	[tilespmem:s9], [sflag:$0x2] =	stream.linear.gather @!p2 [hbm4b:s8+s12], $0x400, $0x38;
	[tilespmem:$0x1E900] =	vst v63  }
0xb3: {  	s8 =	simm.s32 $0x140  }
0xb4: {  	s9 =	simm.s32 $0x540;
	v30 =	vld [tilespmem:s8+$0x0]  }
0xb5: {  	v31 =	vld [tilespmem:s9+$0x0];
	_ =	sdelay $0x3  }
0xb6: {  	v32 =	vshra.s32 v30, $0x1  }
0xb7: {  	v33 =	vshra.s32 v31, $0x1;
	_ =	sdelay $0x1  }
0xb8: {  	s17 =	simm.s32 $0x5940;
	s12 =	simm.s32 $0x940  }
0xb9: {  	v34 =	vld [tilespmem:s12+$0x0];
	[tilespmem:s17+$0x0] =	vst v31  }
0xba: {  	v32 =	vld.idx.msk [tilespmem:v32+s21+$0x0], $0xffff  }
0xbb: {  	v33 =	vld.idx.msk [tilespmem:v33+s21+$0x0], $0xffff;
	_ =	sdelay $0x2  }
0xbc: {  	v30 =	vand.u32 $0x1, v30;
	v31 =	vand.u32 $0x1, v31  }
0xbd: {  	vm0 =	veq.s32 v31, $0x0;
	vm1 =	veq.s32 v30, $0x0;
	v31 =	vshll.u32 v32, $0x10  }
0xbe: {  	v32 =	vand.u32 $0xFFFF0000, v32;
	v30 =	vshll.u32 v33, $0x10;
	v33 =	vand.u32 $0xFFFF0000, v33  }
0xbf: {  	v31 =	vsel vm1, v31, v32;
	v30 =	vsel vm0, v30, v33  }
0xc0: {  	v32 =	vmul.f32 v31, v6;
	v33 =	vmul.f32 v30, v8  }
0xc1: {  	v35 =	vmul.f32 v34, v12  }
0xc2: {  	v36 =	vmul.f32 v31, v7;
	v37 =	vmul.f32 v30, v11;
	v32 =	vadd.f32 v33, v32  }
0xc3: {  	v63 =	vmul.f32 v31, v9;
	v38 =	vmul.f32 v30, v13  }
0xc4: {  	v39 =	vmul.f32 v34, v16;
	v36 =	vadd.f32 v37, v36;
	v32 =	vadd.f32 v32, v35  }
0xc5: {  	v40 =	vmul.f32 v31, v10;
	v30 =	vmul.f32 v30, v15;
	v33 =	vadd.f32 v38, v63  }
0xc6: {  	v41 =	vmul.f32 v34, v17;
	v36 =	vadd.f32 v36, v39;
	v32 =	vadd.f32 v32, v14  }
0xc7: {  	v42 =	vmul.f32 v34, v18;
	v30 =	vadd.f32 v30, v40  }
0xc8: {  	v33 =	vadd.f32 v33, v41;
	v36 =	vadd.f32 v36, v20;
	v43 =	vmul.f32 $2.000000030e-01, v32  }
0xc9: {  	v44 =	vmul.f32 v34, v19;
	v30 =	vadd.f32 v30, v42  }
0xca: {  	v33 =	vadd.f32 v33, v21;
	v45 =	vmul.f32 $2.000000030e-01, v36;
	v32 =	vmax.f32 v32, v43  }
0xcb: {  	v46 =	vmul.f32 v34, v23;
	v32 =	vadd.f32 v32, v44  }
0xcc: {  	v30 =	vadd.f32 v30, v22;
	v47 =	vmul.f32 $2.000000030e-01, v33;
	v36 =	vmax.f32 v36, v45  }
0xcd: {  	v48 =	vmul.f32 v34, v24;
	v36 =	vadd.f32 v36, v46;
	v32 =	vsub.f32 v32, v25  }
0xce: {  	v49 =	vmul.f32 $2.000000030e-01, v30;
	v33 =	vmax.f32 v33, v47  }
0xcf: {  	v33 =	vadd.f32 v33, v48;
	v50 =	vsub.f32 v36, v27;
	v32 =	vmul.f32 $1.442695020e+00, v32  }
0xd0: {  	v34 =	vmul.f32 v34, v26;
	v30 =	vmax.f32 v30, v49  }
0xd1: {  	v33 =	vsub.f32 v33, v28;
	v35 =	vmul.f32 $1.442695020e+00, v50;
	(erf) = vpow2.f32 v32  }
0xd2: {  	v30 =	vadd.f32 v30, v34  }
0xd3: {  	v51 =	vmul.f32 $1.442695020e+00, v33;
	(erf) = vpow2.f32 v35  }
0xd4: {  	v30 =	vsub.f32 v30, v29  }
0xd5: {  	v52 =	vmov s24;
	(erf) = vpow2.f32 v51  }
0xd6: {  	v53 =	vshll.u32 v52, $0x3;
	v30 =	vmul.f32 $1.442695020e+00, v30  }
0xd7: {  	v32 =	vor.u32 v5, v53  }
0xd8: {  	(erf) = vpow2.f32 v30;
	v30 =	vor.u32 $0x4, v32  }
0xd9: {  	v54 =	vor.u32 $0x1, v32  }
0xda: {  	v55 =	vor.u32 $0x5, v32;
	v56 =	vpop (erf)  }
0xdb: {  	v58 =	vor.u32 $0x2, v32;
	v57 =	vmul.f32 v31, v56  }
0xdc: {  	v59 =	vor.u32 $0x6, v32;
	[tilespmem:v32+s0+$0x0] =	vst.idx.msk $0xffff, v56;
	v60 =	vpop (erf)  }
0xdd: {  	[tilespmem:v30+s0+$0x0] =	vst.idx.msk $0xffff, v57;
	v30 =	vmul.f32 v31, v60  }
0xde: {  	v62 =	vpop (erf);
	[tilespmem:v54+s0+$0x0] =	vst.idx.msk $0xffff, v60  }
0xdf: {  	[tilespmem:v55+s0+$0x0] =	vst.idx.msk $0xffff, v30;
	v30 =	vmul.f32 v31, v62  }
0xe0: {  	v61 =	vor.u32 $0x3, v32;
	[tilespmem:v58+s0+$0x0] =	vst.idx.msk $0xffff, v62  }
0xe1: {  	[tilespmem:v59+s0+$0x0] =	vst.idx.msk $0xffff, v30;
	v30 =	vor.u32 $0x7, v32;
	_ =	sdelay $0x1  }
0xe2: {  	v63 =	vpop (erf)  }
0xe3: {  	v31 =	vmul.f32 v31, v63  }
0xe4: {  	s16 =	simm.s32 $0x5950;
	s13 =	sadd.s32 $0xFFFFFFE0, s13;
	s15 =	simm.s32 $0x10;
	[tilespmem:v61+s0+$0x0] =	vst.idx.msk $0xffff, v63  }
.LBB2_10:
0xe5: {  	[tilespmem:v30+s0+$0x0] =	vst.idx.msk $0xffff, v31;
	s8 =	sadd.s32 $0x10, s8;
	s9 =	sadd.s32 $0x10, s9;
	s12 =	sadd.s32 $0x10, s12  }
0xe6: {  	p3 =	sne.s32 s15, $0x3F0;
	s17 =	smov.u32 s15;
	s15 =	sadd.s32 $0x10, s15;
	v30 =	vld [tilespmem:s8+$0x0]  }
0xe7: {  	v31 =	vld [tilespmem:s9+$0x0];
	_ =	sdelay $0x3  }
0xe8: {  	v32 =	vshra.s32 v30, $0x1;
	v30 =	vand.u32 $0x1, v30  }
0xe9: {  	v33 =	vshra.s32 v31, $0x1;
	v34 =	vand.u32 $0x1, v31;
	_ =	sdelay $0x1  }
0xea: {  	v35 =	vld [tilespmem:s12+$0x0]  }
0xeb: {  	[tilespmem:s16+$0x0] =	vst v31  }
0xec: {  	v31 =	vld.idx.msk [tilespmem:v32+s21+$0x0], $0xffff  }
0xed: {  	v32 =	vld.idx.msk [tilespmem:v33+s21+$0x0], $0xffff;
	_ =	sdelay $0x3  }
0xee: {  	vm0 =	veq.s32 v34, $0x0  }
0xef: {  	vm1 =	veq.s32 v30, $0x0;
	v33 =	vshll.u32 v31, $0x10;
	v31 =	vand.u32 $0xFFFF0000, v31  }
0xf0: {  	v31 =	vsel vm1, v33, v31;
	v30 =	vshll.u32 v32, $0x10;
	v32 =	vand.u32 $0xFFFF0000, v32  }
0xf1: {  	v33 =	vmul.f32 v35, v16;
	v30 =	vsel vm0, v30, v32;
	v32 =	vmul.f32 v35, v12  }
0xf2: {  	v34 =	vmul.f32 v31, v6;
	v36 =	vmul.f32 v30, v8  }
0xf3: {  	v37 =	vmul.f32 v31, v7;
	v38 =	vmul.f32 v30, v11  }
0xf4: {  	v39 =	vmul.f32 v30, v13;
	v34 =	vadd.f32 v36, v34;
	v36 =	vmul.f32 v31, v9  }
0xf5: {  	v30 =	vmul.f32 v30, v15;
	v37 =	vadd.f32 v38, v37;
	v38 =	vmul.f32 v31, v10  }
0xf6: {  	v32 =	vadd.f32 v34, v32;
	v34 =	vadd.f32 v39, v36;
	v36 =	vmul.f32 v35, v17  }
0xf7: {  	v33 =	vadd.f32 v37, v33;
	v30 =	vadd.f32 v30, v38;
	v37 =	vmul.f32 v35, v18  }
0xf8: {  	v32 =	vadd.f32 v32, v14;
	v34 =	vadd.f32 v34, v36  }
0xf9: {  	v33 =	vadd.f32 v33, v20;
	v30 =	vadd.f32 v30, v37  }
0xfa: {  	v37 =	vmul.f32 v35, v24;
	v36 =	vmul.f32 $2.000000030e-01, v32;
	v34 =	vadd.f32 v34, v21  }
0xfb: {  	v38 =	vmul.f32 v35, v19;
	v39 =	vmul.f32 $2.000000030e-01, v33;
	v30 =	vadd.f32 v30, v22  }
0xfc: {  	v32 =	vmax.f32 v32, v36;
	v36 =	vmul.f32 v35, v23;
	v40 =	vmul.f32 $2.000000030e-01, v34  }
0xfd: {  	v33 =	vmax.f32 v33, v39;
	v32 =	vadd.f32 v32, v38;
	v38 =	vmul.f32 $2.000000030e-01, v30  }
0xfe: {  	v35 =	vmul.f32 v35, v26;
	v33 =	vadd.f32 v33, v36;
	v34 =	vmax.f32 v34, v40  }
0xff: {  	v32 =	vsub.f32 v32, v25;
	v34 =	vadd.f32 v34, v37;
	v30 =	vmax.f32 v30, v38  }
0x100: {  	v33 =	vsub.f32 v33, v27;
	v30 =	vadd.f32 v30, v35  }
0x101: {  	v32 =	vmul.f32 $1.442695020e+00, v32;
	v34 =	vsub.f32 v34, v28  }
0x102: {  	v33 =	vmul.f32 $1.442695020e+00, v33;
	v30 =	vsub.f32 v30, v29  }
0x103: {  	v34 =	vmul.f32 $1.442695020e+00, v34;
	(erf) = vpow2.f32 v32  }
0x104: {  	v30 =	vmul.f32 $1.442695020e+00, v30  }
0x105: {  	(erf) = vpow2.f32 v33;
	_ =	sdelay $0x1  }
0x106: {  	v32 =	vmov s17;
	(erf) = vpow2.f32 v34  }
0x107: {  	v32 =	vshll.u32 v32, $0x3  }
0x108: {  	v32 =	vor.u32 v5, v32;
	(erf) = vpow2.f32 v30  }
0x109: {  	v30 =	vor.u32 $0x4, v32  }
0x10a: {  	v33 =	vor.u32 $0x1, v32  }
0x10b: {  	v34 =	vor.u32 $0x5, v32;
	v35 =	vpop (erf)  }
0x10c: {  	v37 =	vor.u32 $0x2, v32;
	v36 =	vmul.f32 v31, v35  }
0x10d: {  	[tilespmem:v32+s0+$0x0] =	vst.idx.msk $0xffff, v35;
	v35 =	vor.u32 $0x6, v32;
	v38 =	vpop (erf)  }
0x10e: {  	v39 =	vor.u32 $0x3, v32;
	[tilespmem:v30+s0+$0x0] =	vst.idx.msk $0xffff, v36;
	v36 =	vmul.f32 v31, v38  }
.Ltmp8:
0x10f: {  	v30 =	vor.u32 $0x7, v32;
	[tilespmem:v33+s0+$0x0] =	vst.idx.msk $0xffff, v38;
	v32 =	vpop (erf);
	(pc) =	sbr.rel @p3 .LBB2_10-.Ltmp8, $4  }
0x110: {  	[tilespmem:v34+s0+$0x0] =	vst.idx.msk $0xffff, v36;
	v33 =	vmul.f32 v31, v32  }
0x111: {  	[tilespmem:v37+s0+$0x0] =	vst.idx.msk $0xffff, v32;
	v32 =	vpop (erf)  }
0x112: {  	[tilespmem:v35+s0+$0x0] =	vst.idx.msk $0xffff, v33;
	v31 =	vmul.f32 v31, v32  }
0x113: {  	s16 =	sadd.s32 $0x10, s16;
	[tilespmem:v39+s0+$0x0] =	vst.idx.msk $0xffff, v32  }
0x114: {  	_ =	sdelay $0x2  }
0x115: {  	p3 =	sgt.u32 s13, $0xC34  }
.Ltmp9:
0x116: {  	[tilespmem:v30+s0+$0x0] =	vst.idx.msk $0xffff, v31;
	s8 =	simm.s32 @!p3 $0x4;
	(pc) =	sbr.rel @p2 .LBB2_18-.Ltmp9, $4  }
0x117: {  	_ =	swait.ge @!p3 [sflag:s8], $0x2000  }
0x118: {  	[sflag:s8] =	ssyncset.done @!p3 $0x0  }
0x119: {  	[sflag:s8] =	ssyncadd.s32 @!p3 $0xFFFFE000  }
0x11a: {  	[spmem:s3] =	stream.indirect.scatter.add.f32 [tilespmem:s0], [sflag:$0x3], $0x8, s2, s22, $0xb8;
	[tilespmem:$0x1E900] =	vst v63  }
0x11b: {  	_ =	swait.ge [sflag:s4], $0x400  }
0x11c: {  	[sflag:s4] =	ssyncset.done $0x0  }
0x11d: {  	[sflag:s4] =	ssyncadd.s32 $0xFFFFFC00  }
0x11e: {  	_ =	swait.ge [sflag:s4], $0x400  }
0x11f: {  	p2 =	sgt.u32 s5, $0xC14;
	[sflag:s4] =	ssyncset.done $0x0  }
0x120: {  	s5 =	sshll.u32 @!p2 s5, $0x7;
	[sflag:s4] =	ssyncadd.s32 $0xFFFFFC00  }
0x121: {  	s12 =	simm.s32 @!p2 $0x0;
	s5 =	sand.u32 @!p2 $0x1FFFFF80, s5;
	_ =	swait.ge [sflag:s4], $0x400  }
0x122: {  	s13 =	simm.s32 @!p2 $0x140;
	s8 =	sadd.s32 @!p2 $0x1000, s5;
	[sflag:s4] =	ssyncset.done $0x0  }
0x123: {  	s5 =	sadd.s32 @!p2 s7, s5;
	s9 =	sadd.s32 @!p2 s7, s8;
	[sflag:s4] =	ssyncadd.s32 $0xFFFFFC00  }
0x124: {  	[tilespmem:s13], [sflag:$0x1] =	stream.linear.gather @!p2 [hbm4b:s9+s12], $0x400, $0x38;
	[tilespmem:$0x1E900] =	vst v63  }
0x125: {  	s5 =	sadd.s32 @!p2 $0x62A80, s5;
	s9 =	simm.s32 @!p2 $0x540  }
0x126: {  	[tilespmem:s9], [sflag:$0x1] =	stream.linear.gather @!p2 [hbm4b:s5+s12], $0x400, $0x38;
	[tilespmem:$0x1E900] =	vst v63  }
0x127: {  	s5 =	sadd.s32 @!p2 s1, s8;
	s8 =	simm.s32 @!p2 $0x940  }
0x128: {  	[tilespmem:s8], [sflag:$0x1] =	stream.linear.gather @!p2 [hbm4b:s5+s12], $0x400, $0x38;
	[tilespmem:$0x1E900] =	vst v63  }
0x129: {  	s5 =	simm.s32 $0x2D40  }
0x12a: {  	s8 =	simm.s32 $0x3140;
	v30 =	vld [tilespmem:s5+$0x0]  }
0x12b: {  	v31 =	vld [tilespmem:s8+$0x0];
	_ =	sdelay $0x3  }
0x12c: {  	v32 =	vshra.s32 v30, $0x1  }
0x12d: {  	v33 =	vshra.s32 v31, $0x1;
	_ =	sdelay $0x1  }
0x12e: {  	s16 =	simm.s32 $0x5D40;
	s9 =	simm.s32 $0x3540  }
0x12f: {  	v34 =	vld [tilespmem:s9+$0x0];
	[tilespmem:s16+$0x0] =	vst v31  }
0x130: {  	v32 =	vld.idx.msk [tilespmem:v32+s21+$0x0], $0xffff  }
0x131: {  	v33 =	vld.idx.msk [tilespmem:v33+s21+$0x0], $0xffff;
	_ =	sdelay $0x2  }
0x132: {  	v30 =	vand.u32 $0x1, v30;
	v31 =	vand.u32 $0x1, v31  }
0x133: {  	vm0 =	veq.s32 v31, $0x0;
	vm1 =	veq.s32 v30, $0x0;
	v31 =	vshll.u32 v32, $0x10  }
0x134: {  	v32 =	vand.u32 $0xFFFF0000, v32;
	v30 =	vshll.u32 v33, $0x10;
	v33 =	vand.u32 $0xFFFF0000, v33  }
0x135: {  	v31 =	vsel vm1, v31, v32;
	v30 =	vsel vm0, v30, v33  }
0x136: {  	v32 =	vmul.f32 v31, v6;
	v33 =	vmul.f32 v30, v8  }
0x137: {  	v35 =	vmul.f32 v34, v12  }
0x138: {  	v36 =	vmul.f32 v31, v7;
	v37 =	vmul.f32 v30, v11;
	v32 =	vadd.f32 v33, v32  }
0x139: {  	v63 =	vmul.f32 v31, v9;
	v38 =	vmul.f32 v30, v13  }
0x13a: {  	v39 =	vmul.f32 v34, v16;
	v36 =	vadd.f32 v37, v36;
	v32 =	vadd.f32 v32, v35  }
0x13b: {  	v40 =	vmul.f32 v31, v10;
	v30 =	vmul.f32 v30, v15;
	v33 =	vadd.f32 v38, v63  }
0x13c: {  	v41 =	vmul.f32 v34, v17;
	v36 =	vadd.f32 v36, v39;
	v32 =	vadd.f32 v32, v14  }
0x13d: {  	v42 =	vmul.f32 v34, v18;
	v30 =	vadd.f32 v30, v40  }
0x13e: {  	v33 =	vadd.f32 v33, v41;
	v36 =	vadd.f32 v36, v20;
	v43 =	vmul.f32 $2.000000030e-01, v32  }
0x13f: {  	v44 =	vmul.f32 v34, v19;
	v30 =	vadd.f32 v30, v42  }
0x140: {  	v33 =	vadd.f32 v33, v21;
	v45 =	vmul.f32 $2.000000030e-01, v36;
	v32 =	vmax.f32 v32, v43  }
0x141: {  	v46 =	vmul.f32 v34, v23;
	v32 =	vadd.f32 v32, v44  }
0x142: {  	v30 =	vadd.f32 v30, v22;
	v47 =	vmul.f32 $2.000000030e-01, v33;
	v36 =	vmax.f32 v36, v45  }
0x143: {  	v48 =	vmul.f32 v34, v24;
	v36 =	vadd.f32 v36, v46;
	v32 =	vsub.f32 v32, v25  }
0x144: {  	v49 =	vmul.f32 $2.000000030e-01, v30;
	v33 =	vmax.f32 v33, v47  }
0x145: {  	v33 =	vadd.f32 v33, v48;
	v50 =	vsub.f32 v36, v27;
	v32 =	vmul.f32 $1.442695020e+00, v32  }
0x146: {  	v34 =	vmul.f32 v34, v26;
	v30 =	vmax.f32 v30, v49  }
0x147: {  	v33 =	vsub.f32 v33, v28;
	v35 =	vmul.f32 $1.442695020e+00, v50;
	(erf) = vpow2.f32 v32  }
0x148: {  	v30 =	vadd.f32 v30, v34  }
0x149: {  	v51 =	vmul.f32 $1.442695020e+00, v33;
	(erf) = vpow2.f32 v35  }
0x14a: {  	s17 =	simm.s32 $0x0;
	v30 =	vsub.f32 v30, v29  }
0x14b: {  	v52 =	vmov s17;
	(erf) = vpow2.f32 v51  }
0x14c: {  	v53 =	vshll.u32 v52, $0x3;
	v30 =	vmul.f32 $1.442695020e+00, v30  }
0x14d: {  	v32 =	vor.u32 v5, v53  }
0x14e: {  	(erf) = vpow2.f32 v30;
	v30 =	vor.u32 $0x4, v32  }
0x14f: {  	v54 =	vor.u32 $0x1, v32  }
0x150: {  	v55 =	vor.u32 $0x5, v32;
	v56 =	vpop (erf)  }
0x151: {  	v58 =	vor.u32 $0x2, v32;
	v57 =	vmul.f32 v31, v56  }
0x152: {  	v59 =	vor.u32 $0x6, v32;
	[tilespmem:v32+s26+$0x0] =	vst.idx.msk $0xffff, v56;
	v60 =	vpop (erf)  }
0x153: {  	[tilespmem:v30+s26+$0x0] =	vst.idx.msk $0xffff, v57;
	v30 =	vmul.f32 v31, v60  }
0x154: {  	v62 =	vpop (erf);
	[tilespmem:v54+s26+$0x0] =	vst.idx.msk $0xffff, v60  }
0x155: {  	[tilespmem:v55+s26+$0x0] =	vst.idx.msk $0xffff, v30;
	v30 =	vmul.f32 v31, v62  }
0x156: {  	v61 =	vor.u32 $0x3, v32;
	[tilespmem:v58+s26+$0x0] =	vst.idx.msk $0xffff, v62  }
0x157: {  	[tilespmem:v59+s26+$0x0] =	vst.idx.msk $0xffff, v30;
	v30 =	vor.u32 $0x7, v32;
	_ =	sdelay $0x1  }
0x158: {  	v63 =	vpop (erf)  }
0x159: {  	v31 =	vmul.f32 v31, v63  }
0x15a: {  	s13 =	simm.s32 $0x5D50;
	s12 =	simm.s32 $0x10;
	[tilespmem:v61+s26+$0x0] =	vst.idx.msk $0xffff, v63  }
.LBB2_13:
0x15b: {  	[tilespmem:v30+s26+$0x0] =	vst.idx.msk $0xffff, v31;
	s5 =	sadd.s32 $0x10, s5;
	s8 =	sadd.s32 $0x10, s8;
	s9 =	sadd.s32 $0x10, s9  }
0x15c: {  	p2 =	seq.s32 s12, $0x3F0;
	s15 =	smov.u32 s12;
	s12 =	sadd.s32 $0x10, s12;
	v30 =	vld [tilespmem:s5+$0x0]  }
0x15d: {  	v31 =	vld [tilespmem:s8+$0x0];
	_ =	sdelay $0x3  }
0x15e: {  	v32 =	vshra.s32 v30, $0x1;
	v30 =	vand.u32 $0x1, v30  }
0x15f: {  	v33 =	vshra.s32 v31, $0x1;
	v34 =	vand.u32 $0x1, v31;
	_ =	sdelay $0x1  }
0x160: {  	v35 =	vld [tilespmem:s9+$0x0]  }
0x161: {  	[tilespmem:s13+$0x0] =	vst v31  }
0x162: {  	v31 =	vld.idx.msk [tilespmem:v32+s21+$0x0], $0xffff  }
0x163: {  	v32 =	vld.idx.msk [tilespmem:v33+s21+$0x0], $0xffff;
	_ =	sdelay $0x3  }
0x164: {  	vm0 =	veq.s32 v34, $0x0  }
0x165: {  	vm1 =	veq.s32 v30, $0x0;
	v33 =	vshll.u32 v31, $0x10;
	v31 =	vand.u32 $0xFFFF0000, v31  }
0x166: {  	v31 =	vsel vm1, v33, v31;
	v30 =	vshll.u32 v32, $0x10;
	v32 =	vand.u32 $0xFFFF0000, v32  }
0x167: {  	v33 =	vmul.f32 v35, v16;
	v30 =	vsel vm0, v30, v32;
	v32 =	vmul.f32 v35, v12  }
0x168: {  	v34 =	vmul.f32 v31, v6;
	v36 =	vmul.f32 v30, v8  }
0x169: {  	v37 =	vmul.f32 v31, v7;
	v38 =	vmul.f32 v30, v11  }
0x16a: {  	v39 =	vmul.f32 v30, v13;
	v34 =	vadd.f32 v36, v34;
	v36 =	vmul.f32 v31, v9  }
0x16b: {  	v30 =	vmul.f32 v30, v15;
	v37 =	vadd.f32 v38, v37;
	v38 =	vmul.f32 v31, v10  }
0x16c: {  	v32 =	vadd.f32 v34, v32;
	v34 =	vadd.f32 v39, v36;
	v36 =	vmul.f32 v35, v17  }
0x16d: {  	v33 =	vadd.f32 v37, v33;
	v30 =	vadd.f32 v30, v38;
	v37 =	vmul.f32 v35, v18  }
0x16e: {  	v32 =	vadd.f32 v32, v14;
	v34 =	vadd.f32 v34, v36  }
0x16f: {  	v33 =	vadd.f32 v33, v20;
	v30 =	vadd.f32 v30, v37  }
0x170: {  	v37 =	vmul.f32 v35, v24;
	v36 =	vmul.f32 $2.000000030e-01, v32;
	v34 =	vadd.f32 v34, v21  }
0x171: {  	v38 =	vmul.f32 v35, v19;
	v39 =	vmul.f32 $2.000000030e-01, v33;
	v30 =	vadd.f32 v30, v22  }
0x172: {  	v32 =	vmax.f32 v32, v36;
	v36 =	vmul.f32 v35, v23;
	v40 =	vmul.f32 $2.000000030e-01, v34  }
0x173: {  	v33 =	vmax.f32 v33, v39;
	v32 =	vadd.f32 v32, v38;
	v38 =	vmul.f32 $2.000000030e-01, v30  }
0x174: {  	v35 =	vmul.f32 v35, v26;
	v33 =	vadd.f32 v33, v36;
	v34 =	vmax.f32 v34, v40  }
0x175: {  	v32 =	vsub.f32 v32, v25;
	v34 =	vadd.f32 v34, v37;
	v30 =	vmax.f32 v30, v38  }
0x176: {  	v33 =	vsub.f32 v33, v27;
	v30 =	vadd.f32 v30, v35  }
0x177: {  	v32 =	vmul.f32 $1.442695020e+00, v32;
	v34 =	vsub.f32 v34, v28  }
0x178: {  	v33 =	vmul.f32 $1.442695020e+00, v33;
	v30 =	vsub.f32 v30, v29  }
0x179: {  	v34 =	vmul.f32 $1.442695020e+00, v34;
	(erf) = vpow2.f32 v32  }
0x17a: {  	v30 =	vmul.f32 $1.442695020e+00, v30  }
0x17b: {  	(erf) = vpow2.f32 v33;
	_ =	sdelay $0x1  }
0x17c: {  	v32 =	vmov s15;
	(erf) = vpow2.f32 v34  }
0x17d: {  	v32 =	vshll.u32 v32, $0x3  }
0x17e: {  	v32 =	vor.u32 v5, v32;
	(erf) = vpow2.f32 v30  }
0x17f: {  	v30 =	vor.u32 $0x4, v32  }
0x180: {  	v33 =	vor.u32 $0x1, v32  }
0x181: {  	v34 =	vor.u32 $0x5, v32;
	v35 =	vpop (erf)  }
0x182: {  	v37 =	vor.u32 $0x2, v32;
	v36 =	vmul.f32 v31, v35  }
0x183: {  	[tilespmem:v32+s26+$0x0] =	vst.idx.msk $0xffff, v35;
	v35 =	vor.u32 $0x6, v32;
	v38 =	vpop (erf)  }
0x184: {  	v39 =	vor.u32 $0x3, v32;
	[tilespmem:v30+s26+$0x0] =	vst.idx.msk $0xffff, v36;
	v36 =	vmul.f32 v31, v38  }
.Ltmp10:
0x185: {  	v30 =	vor.u32 $0x7, v32;
	[tilespmem:v33+s26+$0x0] =	vst.idx.msk $0xffff, v38;
	v32 =	vpop (erf);
	(pc) =	sbr.rel @!p2 .LBB2_13-.Ltmp10, $4  }
0x186: {  	[tilespmem:v34+s26+$0x0] =	vst.idx.msk $0xffff, v36;
	v33 =	vmul.f32 v31, v32  }
0x187: {  	[tilespmem:v37+s26+$0x0] =	vst.idx.msk $0xffff, v32;
	v32 =	vpop (erf)  }
0x188: {  	[tilespmem:v35+s26+$0x0] =	vst.idx.msk $0xffff, v33;
	v31 =	vmul.f32 v31, v32  }
0x189: {  	s13 =	sadd.s32 $0x10, s13;
	[tilespmem:v39+s26+$0x0] =	vst.idx.msk $0xffff, v32  }
0x18a: {  	_ =	sdelay $0x3  }
.Ltmp11:
0x18b: {  	[tilespmem:v30+s26+$0x0] =	vst.idx.msk $0xffff, v31;
	(pc) =	sbr.rel .LBB2_15-.Ltmp11, $4  }
0x18c: {  	_ =	swait.ge [sflag:s28], $0x2000  }
0x18d: {  	[sflag:s28] =	ssyncset.done $0x0  }
0x18e: {  	[sflag:s28] =	ssyncadd.s32 $0xFFFFE000  }
0x18f: {  	[spmem:s3] =	stream.indirect.scatter.add.f32 [tilespmem:s26], [sflag:$0x4], $0x8, s29, s22, $0xb8;
	[tilespmem:$0x1E900] =	vst v63  }
.LBB2_17:
0x190: {  	_ =	sfence.sel $0x180000  }
0x191: {  	[bflag:$0x0] =	sbarrier.arrive $0xFFFF  }
0x192: {  	_ =	strace $0x90000047  }
0x193: {  	s0 =	stileid.u32;
	[bflag:$0x2] =	sbarrier.arrive $0xFFFF  }
0x194: {  	p0 =	sne.s32 s0, $0x0;
	s0 =	rddreg [dreg:$0x5]  }
0x195: {  	s0 =	sadd.s32 @!p0 $0x100000, s0  }
0x196: {  	[sflag:s0] =	ssyncadd.tile.s32 @!p0 $0x1;
	_ =	shalt  }
.Lfunc_end2:
_tile_overlayer_lowered:
.L_overlay_start_2:
0x197: {  	(tag) =	ssettag $0x2  }
0x198: {  	s0 =	rddreg [dreg:$0x0];
	s2 =	stileid.u32  }
0x199: {  	s1 =	rddreg [dreg:$0x1];
	p0 =	sne.s32 s2, $0x0  }
0x19a: {  	s3 =	rddreg [dreg:$0x2];
	[bflag:$0x3] =	sbarrier.arrive $0xFFFF;
	s2 =	simm.s32 @!p0 $0x1C05  }
0x19b: {  	[timem:s3], [sflag:s2] =	dma.local @!p0 [hbm:s0], s1  }
0x19c: {  	s0 =	simm.s32 @!p0 $0x5  }
0x19d: {  	_ =	swait.ge @!p0 [sflag:s0], s1  }
0x19e: {  	s1 =	ssub.s32 @!p0 $0x0, s1;
	[sflag:s0] =	ssyncset.done @!p0 $0x0  }
0x19f: {  	[sflag:s0] =	ssyncadd.s32 @!p0 s1  }
0x1a0: {  	[bflag:$0x3] =	sbarrier.arrive $0xFFFF  }
0x1a1: {  	_ =	shalt  }

// kernel: kernel.7.cloned.1.call-start
scs
__scs_entry_jumppad:
0x0: {  	(pc) =	sbr.rel $0x88, $3  }
0x1: {  	(tag) =	ssettag $0x0;
	lr =	simm.s32 $0x1  }
0x2: {  	[smem:$0x3F98] =	sst lr;
	_ =	strace $0xD0000000  }
0x3: {  	_ = 	snop  }
0x4: {  	_ = 	snop  }
0x5: {  	_ = 	snop  }
0x6: {  	_ = 	snop  }
0x7: {  	_ = 	snop  }
__scs_overlays_trampoline_lowered:
0x8: {  	[smem:$0x3FA7] =	sst s0  }
0x9: {  	[smem:$0x3FA8] =	sst s1  }
0xa: {  	[smem:$0x3FA9] =	sst s2  }
0xb: {  	[smem:$0x3FAA] =	sst s3  }
0xc: {  	[smem:$0x3FAB] =	sst s4  }
0xd: {  	[smem:$0x3FAC] =	sst s5  }
0xe: {  	[smem:$0x3FAD] =	sst s6  }
0xf: {  	[smem:$0x3FAE] =	sst s7  }
0x10: {  	[smem:$0x3FAF] =	sst s8  }
0x11: {  	[smem:$0x3FB0] =	sst s9;
	s0 =	simm.s32 @!p0 $0x0  }
0x12: {  	s1 =	sld [smem:$0x3F96];
	s0 =	simm.s32 @p0 $0x1  }
0x13: {  	[smem:$0x3FB1] =	sst s0;
	s0 =	simm.s32 @!p1 $0x0  }
0x14: {  	s2 =	sld [smem:$0x3F95];
	s0 =	simm.s32 @p1 $0x1  }
0x15: {  	[smem:$0x3FB2] =	sst s0;
	s0 =	simm.s32 @!p2 $0x0  }
0x16: {  	s3 =	sld [smem:$0x3FDB];
	s0 =	simm.s32 @p2 $0x1  }
0x17: {  	s4 =	simm.s32 $0x1BF5;
	[smem:$0x3FB4] =	sst s0  }
0x18: {  	s0 =	sld [smem:$0x3F97];
	_ =	swait.ge [sflag:s4], $0x0  }
0x19: {  	s7 =	sld [smem:$0x3F98]  }
0x1a: {  	s8 =	sadd.s32 $0xFFFFE003, lr  }
0x1b: {  	s9 =	sadd.s32 $0xFFFFFEF7, lr;
	s5 =	simm.s32 $0xFFFFFFFF;
	p2 =	slt.u32 s8, $0xFFFFF086  }
0x1c: {  	p1 =	slt.u32 s9, $0xF7A;
	s5 =	simm.s32 @!p2 $0x0  }
0x1d: {  	s5 =	simm.s32 @p1 $0x1;
	p0 =	seq.s32 s7, s2  }
0x1e: {  	s7 =	smul.u32 @!p0 $0xF7A, s2;
	p2 =	seq.s32 @!p0 s5, $0x0  }
0x1f: {  	s9 =	smul.u32 $0xF7A, s1;
	s8 =	simm.s32 @!p0 $0x1BF5;
	p2 =	por !p2, p0  }
0x20: {  	[sflag:s8] =	ssyncset.s32 @!p0 $0xFFFFF086;
	s6 =	sadd.s32 @!p0 s3, s7;
	s7 =	simm.s32 @!p0 $0x108  }
0x21: {  	s3 =	sadd.s32 s3, s9;
	s6 =	sadd.s32 @!p0 $0x88, s6;
	s7 =	simm.s32 @p2 $0x1082  }
0x22: {  	[simem:s7], [sflag:s8] =	dma.local @!p0 [hbm:s6], $0xF7A  }
0x23: {  	s9 =	sor.u32 $0xD0000000, s2;
	s6 =	simm.s32 $0x108;
	_ =	swait.ge @!p0 [sflag:s8], $0x0  }
0x24: {  	s3 =	sadd.s32 $0x88, s3;
	s6 =	simm.s32 @!p1 $0x1082;
	[sflag:s4] =	ssyncset.s32 $0xFFFFF086  }
0x25: {  	[simem:s6], [sflag:s4] =	dma.local [hbm:s3], $0xF7A  }
0x26: {  	[smem:$0x3F98] =	sst s1;
	(tag) =	ssettag s2;
	_ =	strace s9  }
0x27: {  	s1 =	sld [smem:$0x3FA8]  }
0x28: {  	s2 =	sld [smem:$0x3FA9]  }
0x29: {  	s4 =	sld [smem:$0x3FAB]  }
0x2a: {  	p0 =	seq.s32 s5, $0x0;
	s5 =	sld [smem:$0x3FAC]  }
0x2b: {  	s6 =	sld [smem:$0x3FAD]  }
0x2c: {  	s7 =	sld [smem:$0x3FAE]  }
0x2d: {  	s3 =	simm.s32 $0x108;
	s8 =	sld [smem:$0x3FAF]  }
0x2e: {  	s3 =	simm.s32 @!p0 $0x1082;
	s9 =	sld [smem:$0x3FB0]  }
0x2f: {  	lr =	sadd.s32 s0, s3;
	s0 =	sld [smem:$0x3FA7]  }
0x30: {  	s3 =	sld [smem:$0x3FAA]  }
0x31: {  	[smem:$0x3FB3] =	sst s10  }
0x32: {  	s10 =	sld [smem:$0x3FB1];
	_ =	sdelay $0x3  }
0x33: {  	p0 =	seq.s32 s10, $0x1;
	s10 =	sld [smem:$0x3FB3];
	_ =	sdelay $0x3  }
0x34: {  	[smem:$0x3FB3] =	sst s10  }
0x35: {  	s10 =	sld [smem:$0x3FB2];
	_ =	sdelay $0x3  }
0x36: {  	p1 =	seq.s32 s10, $0x1;
	s10 =	sld [smem:$0x3FB3];
	_ =	sdelay $0x3  }
0x37: {  	[smem:$0x3FB3] =	sst s10  }
0x38: {  	s10 =	sld [smem:$0x3FB4]  }
0x39: {  	_ = 	snop;
	(pc) =	sbr.ind lr, $3  }
0x3a: {  	_ = 	snop  }
0x3b: {  	_ = 	snop  }
0x3c: {  	p2 =	seq.s32 s10, $0x1;
	s10 =	sld [smem:$0x3FB3]  }
0x3d: {  	_ =	shalt  }
0x3e: {  	_ =	shalt  }
0x3f: {  	_ =	shalt  }
0x40: {  	_ =	shalt  }
0x41: {  	_ =	shalt  }
0x42: {  	_ =	shalt  }
0x43: {  	_ =	shalt  }
0x44: {  	_ =	shalt  }
0x45: {  	_ =	shalt  }
0x46: {  	_ =	shalt  }
0x47: {  	_ =	shalt  }
0x48: {  	_ =	shalt  }
0x49: {  	_ =	shalt  }
0x4a: {  	_ =	shalt  }
0x4b: {  	_ =	shalt  }
0x4c: {  	_ =	shalt  }
0x4d: {  	_ =	shalt  }
0x4e: {  	_ =	shalt  }
0x4f: {  	_ =	shalt  }
0x50: {  	_ =	shalt  }
0x51: {  	_ =	shalt  }
0x52: {  	_ =	shalt  }
0x53: {  	_ =	shalt  }
0x54: {  	_ =	shalt  }
0x55: {  	_ =	shalt  }
0x56: {  	_ =	shalt  }
0x57: {  	_ =	shalt  }
0x58: {  	_ =	shalt  }
0x59: {  	_ =	shalt  }
0x5a: {  	_ =	shalt  }
0x5b: {  	_ =	shalt  }
0x5c: {  	_ =	shalt  }
0x5d: {  	_ =	shalt  }
0x5e: {  	_ =	shalt  }
0x5f: {  	_ =	shalt  }
0x60: {  	_ =	shalt  }
0x61: {  	_ =	shalt  }
0x62: {  	_ =	shalt  }
0x63: {  	_ =	shalt  }
0x64: {  	_ =	shalt  }
0x65: {  	_ =	shalt  }
0x66: {  	_ =	shalt  }
0x67: {  	_ =	shalt  }
0x68: {  	_ =	shalt  }
0x69: {  	_ =	shalt  }
0x6a: {  	_ =	shalt  }
0x6b: {  	_ =	shalt  }
0x6c: {  	_ =	shalt  }
0x6d: {  	_ =	shalt  }
0x6e: {  	_ =	shalt  }
0x6f: {  	_ =	shalt  }
0x70: {  	_ =	shalt  }
0x71: {  	_ =	shalt  }
0x72: {  	_ =	shalt  }
0x73: {  	_ =	shalt  }
0x74: {  	_ =	shalt  }
0x75: {  	_ =	shalt  }
0x76: {  	_ =	shalt  }
0x77: {  	_ =	shalt  }
0x78: {  	_ =	shalt  }
0x79: {  	_ =	shalt  }
0x7a: {  	_ =	shalt  }
0x7b: {  	_ =	shalt  }
0x7c: {  	_ =	shalt  }
0x7d: {  	_ =	shalt  }
0x7e: {  	_ =	shalt  }
0x7f: {  	_ =	shalt  }
0x80: {  	_ =	shalt  }
0x81: {  	_ =	shalt  }
0x82: {  	_ =	shalt  }
0x83: {  	_ =	shalt  }
0x84: {  	_ =	shalt  }
0x85: {  	_ =	shalt  }
0x86: {  	_ =	shalt  }
0x87: {  	_ =	shalt  }
.Lfunc_end0:
.L_simem_size_0:
called_computation.1_lowered:
.L_overlay_start_0:
0x88: {  	s2 =	sld [smem:$0x3FD9]  }
0x89: {  	s3 =	sld [smem:$0x3FFE];
	_ =	sdelay $0x1  }
0x8a: {  	s1 =	srdreg.scid  }
0x8b: {  	s0 =	sand.u32 $0x1, s1  }
0x8c: {  	s17 =	sshll.u32 s0, $0xA;
	s2 =	sadd.s32 s3, s2  }
0x8d: {  	s2 =	sadd.s32 s2, s17  }
0x8e: {  	[smem:$0x3FBF] =	sst s2  }
0x8f: {  	_ = 	snop  }
0x90: {  	s2 =	sld [smem:$0x3FD0];
	(tm) =	ssettm $0x1  }
0x91: {  	s18 =	sld [smem:$0x3FFB];
	_ =	sdelay $0x3  }
0x92: {  	_ =	strace s18  }
0x93: {  	s3 =	sld [smem:$0x3FFC];
	_ =	sdelay $0x3  }
0x94: {  	_ =	strace s3  }
0x95: {  	s3 =	sld [smem:$0x3FFD];
	_ =	sdelay $0x3  }
0x96: {  	_ =	strace s3  }
0x97: {  	_ =	strace $0x8FFFFFFF  }
0x98: {  	s19 =	sld [smem:$0x3FDB];
	_ =	sdelay $0x1  }
0x99: {  	s4 =	simm.s32 $_scs_section_size  }
0x9a: {  	s5 =	simm.s32 $_size__tile_overlayer_lowered;
	s6 =	simm.s32 $_tile_overlayer_lowered  }
0x9b: {  	s22 =	simm.s32 $0x1BFF;
	s21 =	sshll.u32 s6, $0x1;
	s3 =	sadd.s32 s4, s19  }
0x9c: {  	s7 =	simm.s32 $0x0;
	s20 =	sshll.u32 s5, $0x1;
	s5 =	sadd.s32 s21, s3  }
0x9d: {  	[timem:s7], [sflag:s22] =	dma.local [hbm:s5], s20  }
0x9e: {  	_ =	swait.ge [sflag:s22], s20  }
0x9f: {  	s4 =	ssub.s32 $0x0, s20;
	[sflag:s22] =	ssyncset.done $0x0  }
0xa0: {  	[sflag:s22] =	ssyncadd.s32 s4;
	_ =	sdelay $0x1  }
0xa1: {  	s23 =	simm.s32 $0x1B8B  }
0xa2: {  	_ =	swait.ge [sflag:s23], $0x1  }
0xa3: {  	[sflag:s23] =	ssyncset.done $0x0  }
0xa4: {  	s25 =	simm.s32 $0x1B8E;
	s24 =	sld [smem:$0x3FFE];
	[sflag:s23] =	ssyncadd.s32 $0xFFFFFFFF  }
0xa5: {  	s26 =	simm.s32 $execute0_lowered;
	[smem:$0x3FD2] =	sst s25  }
0xa6: {  	s5 =	sshll.u32 s26, $0x1;
	_ =	strace $0x80000049;
	[dreg:$0x1] =	wrdreg $0xFFFFFFFF  }
0xa7: {  	s28 =	simm.s32 $_size_execute0_lowered;
	s3 =	sadd.s32 s3, s5;
	[dreg:$0x0] =	wrdreg $0x0  }
0xa8: {  	s5 =	sshll.u32 s28, $0x1;
	[dreg:$0x2] =	wrdreg s3  }
0xa9: {  	[dreg:$0x3] =	wrdreg s5  }
0xaa: {  	[dreg:$0x4] =	wrdreg $0xC0  }
0xab: {  	_ =	task [dreg:s7], $0x5FFFF  }
0xac: {  	[dreg:$0x1] =	wrdreg $0xFFFFFFFF  }
0xad: {  	[dreg:$0x0] =	wrdreg $0x60  }
0xae: {  	[dreg:$0x2] =	wrdreg s24  }
0xaf: {  	[dreg:$0x3] =	wrdreg s2  }
0xb0: {  	[dreg:$0x4] =	wrdreg $0x9  }
0xb1: {  	_ =	task.clear_ibuf [dreg:s7], $0x5FFFF;
	_ =	strace $0x90000049  }
0xb2: {  	s29 =	simm.s32 $0x9;
	_ =	strace $0x8000004B  }
0xb3: {  	_ =	swait.ge [sflag:s29], $0x1  }
0xb4: {  	[sflag:s29] =	ssyncadd.s32 $0xFFFFFFFF  }
0xb5: {  	_ =	strace $0x9000004B  }
0xb6: {  	_ =	sfence  }
0xb7: {  	s30 =	sld [smem:$0x0];
	_ =	sdelay $0x2  }
0xb8: {  	s31 =	sshll.u32 s1, $0xD;
	s1 =	sshrl.u32 s1, $0x2  }
0xb9: {  	s3 =	sand.u32 $0x4000, s31;
	s1 =	sadd.s32 s1, s30  }
0xba: {  	s0 =	sor.u32 s3, s0;
	s1 =	sshll.u32 s1, $0x11  }
0xbb: {  	s0 =	sor.u32 s1, s0  }
0xbc: {  	s0 =	sadd.s32 $0x8F2B, s0  }
0xbd: {  	[sflag:s0] =	ssyncadd.remote.s32 $0x1  }
0xbe: {  	_ =	sfence.sel $0xFFFF  }
0xbf: {  	[dreg:$0x0] =	wrdreg $0xFFFFFFFF;
	(pc) =	sbr.abs _section_cstart, $3  }
0xc0: {  	[dreg:$0x1] =	wrdreg $0xFFFFFFFF  }
0xc1: {  	_ =	task.clear_ibuf [dreg:s7], $0x2FFFF;
	_ =	strace $0x9FFFFFFF  }
0xc2: {  	(tm) =	ssettm $0x7FFFFFFF  }
0xc3: {  	_ =	shalt  }
tec
execute0_lowered:
.L_overlay_start_1:
0x0: {  	(tag) =	ssettag $0x1  }
0x1: {  	s1 =	srdreg.scid  }
0x2: {  	s0 =	stileid.u32;
	s8 =	rddreg [dreg:$0x0]  }
0x3: {  	s9 =	rddreg [dreg:$0x1];
	s2 =	simm.s32 $0x0;
	s12 =	simm.s32 $0x1  }
0x4: {  	s13 =	simm.s32 $0x6200;
	s3 =	sand.u32 $0x1, s1;
	s30 =	sshll.u32 s0, $0x1  }
0x5: {  	s14 =	simm.s32 $0xC400;
	s1 =	rddreg [dreg:$0x2];
	s11 =	sor.u32 s3, s30  }
0x6: {  	s15 =	simm.s32 $0x0;
	[smem:$0x7FF] =	sst s2;
	s4 =	smul.u32 $0x6200, s11  }
0x7: {  	_ =	strace $0x8000004A;
	s5 =	ssub.s32 $0x2, s3;
	s7 =	smul.u32 $0x188, s11  }
.Ltmp0:
0x8: {  	s3 =	sadd.s32 $0xA00, s8;
	s31 =	sshrl.u32 s5, $0x1;
	(pc) =	sbr.rel .LBB2_1-.Ltmp0, $4  }
0x9: {  	p0 =	seq.s32 s11, $0x1F;
	s10 =	ssub.s32 s5, s31;
	s4 =	sshrl.u32 s4, $0x3  }
0xa: {  	v0 =	vlaneseq.u32;
	s11 =	simm.s32 $0xD040;
	s10 =	smax.u32 s10, $0x1;
	s6 =	sadd.s32 s4, s8  }
0xb: {  	v0 =	vmul.u32 $0x8, v0;
	s4 =	sadd.s32 $0xC5C00, s6;
	s5 =	sadd.s32 $0xDE2A0, s6;
	s6 =	sadd.s32 s9, s7  }
0xc: {  	s7 =	sadd.s32 $0xDD7C0, s8;
	s8 =	sadd.s32 $0xF5E60, s8;
	s9 =	sadd.s32 $0x2F78, s9  }
.LBB2_7:
0xd: {  	v3 =	vor.u32 v0, v3;
	v2 =	vadd.f32 v4, v2;
	_ =	sdelay $0x1  }
0xe: {  	v52 =	vor.u32 $0x1, v3;
	v2 =	vmul.f32 v2, v1  }
0xf: {  	s16 =	sadd.s32 $0x10, s16  }
0x10: {  	v5 =	vor.u32 $0x2, v3;
	[tilespmem:s16+$0x0] =	vst v2  }
0x11: {  	v2 =	vld.idx.msk [tilespmem:v3+s13+$0x0], $0xffff  }
0x12: {  	v7 =	vor.u32 $0x3, v3;
	v6 =	vld.idx.msk [tilespmem:v3+s2+$0x0], $0xffff  }
0x13: {  	v8 =	vld.idx.msk [tilespmem:v52+s13+$0x0], $0xffff  }
0x14: {  	v4 =	vld.idx.msk [tilespmem:v52+s2+$0x0], $0xffff  }
0x15: {  	v10 =	vor.u32 $0x7, v3;
	v9 =	vld.idx.msk [tilespmem:v5+s13+$0x0], $0xffff  }
0x16: {  	v11 =	vor.u32 $0x4, v3;
	v5 =	vld.idx.msk [tilespmem:v5+s2+$0x0], $0xffff  }
0x17: {  	v12 =	vld.idx.msk [tilespmem:v7+s13+$0x0], $0xffff;
	v2 =	vadd.f32 v2, v6  }
0x18: {  	v53 =	vor.u32 $0x5, v3;
	v7 =	vld.idx.msk [tilespmem:v7+s2+$0x0], $0xffff  }
0x19: {  	v4 =	vadd.f32 v8, v4;
	(erf) = vrcp.f32 v2  }
0x1a: {  	v3 =	vor.u32 $0x6, v3;
	v54 =	vld.idx.msk [tilespmem:v10+s2+$0x0], $0xffff  }
0x1b: {  	v13 =	vld.idx.msk [tilespmem:v11+s2+$0x0], $0xffff;
	v5 =	vadd.f32 v9, v5;
	(erf) = vrcp.f32 v4  }
0x1c: {  	v55 =	vld.idx.msk [tilespmem:v11+s13+$0x0], $0xffff  }
0x1d: {  	v56 =	vld.idx.msk [tilespmem:v53+s2+$0x0], $0xffff;
	v7 =	vadd.f32 v12, v7;
	(erf) = vrcp.f32 v5  }
0x1e: {  	v6 =	vld.idx.msk [tilespmem:v53+s13+$0x0], $0xffff  }
0x1f: {  	v57 =	vld.idx.msk [tilespmem:v3+s2+$0x0], $0xffff;
	(erf) = vrcp.f32 v7  }
0x20: {  	v3 =	vld.idx.msk [tilespmem:v3+s13+$0x0], $0xffff  }
0x21: {  	v10 =	vld.idx.msk [tilespmem:v10+s13+$0x0], $0xffff;
	v9 =	vadd.f32 v55, v13  }
0x22: {  	v58 =	vpop (erf)  }
0x23: {  	v6 =	vadd.f32 v6, v56;
	v9 =	vmul.f32 v9, v58  }
0x24: {  	v59 =	vpop (erf)  }
0x25: {  	v3 =	vadd.f32 v3, v57;
	v6 =	vmul.f32 v6, v59;
	v9 =	vadd.f32 $0.0e+00, v9  }
0x26: {  	vm0 =	vgt.f32 v2, $0.0e+00;
	v2 =	vadd.f32 v10, v54;
	vm1 =	vgt.f32 v4, $0.0e+00;
	v60 =	vpop (erf)  }
0x27: {  	v3 =	vmul.f32 v3, v60;
	v6 =	vnsel vm1, $0x0, v6;
	v61 =	vnsel vm0, $0x0, v9  }
0x28: {  	vm14 =	vgt.f32 v5, $0.0e+00;
	v63 =	vpop (erf);
	v62 =	vadd.f32 v6, v61  }
0x29: {  	v2 =	vmul.f32 v2, v63;
	v3 =	vnsel vm14, $0x0, v3  }
0x2a: {  	vm15 =	vgt.f32 v7, $0.0e+00;
	v3 =	vadd.f32 v3, v62  }
0x2b: {  	v2 =	vnsel vm15, $0x0, v2  }
0x2c: {  	v2 =	vadd.f32 v2, v3;
	_ =	sdelay $0x1  }
0x2d: {  	v1 =	vmul.f32 v2, v1  }
0x2e: {  	s16 =	sadd.s32 $0x10, s16  }
0x2f: {  	[tilespmem:s16+$0x0] =	vst v1  }
0x30: {  	[hbm4b:s9+s2] =	stream.linear.scatter [tilespmem:s14], [sflag:$0x1], $0xAE0, $0x38;
	[tilespmem:$0xD050] =	vst v63  }
0x31: {  	_ =	swait.ge [sflag:s12], $0xAE0  }
0x32: {  	[sflag:s12] =	ssyncset.done $0x0  }
0x33: {  	[sflag:s12] =	ssyncadd.s32 $0xFFFFF520  }
.LBB2_8:
0x34: {  	s15 =	sadd.s32 $0x1, s15  }
0x35: {  	p1 =	sne.s32 s15, s10  }
.Ltmp1:
0x36: {  	_ = 	snop;
	(pc) =	sbr.rel @!p1 .LBB2_9-.Ltmp1, $1  }
0x37: {  	_ =	sdelay $0x3  }
.LBB2_1:
0x38: {  	[tilespmem:s11], [sflag:$0x1] =	stream.linear.gather [hbm4b:s3+s2], $0x10, $0x38;
	[tilespmem:$0xD050] =	vst v63  }
0x39: {  	_ =	swait.ge [sflag:s12], $0x10  }
.Ltmp2:
0x3a: {  	[sflag:s12] =	ssyncset.done $0x0;
	(pc) =	sbr.rel @!p0 .LBB2_2-.Ltmp2, $3  }
0x3b: {  	[sflag:s12] =	ssyncadd.s32 $0xFFFFFFF0  }
0x3c: {  	v1 =	vld [tilespmem:$0xD040];
	_ =	sdelay $0x1  }
0x3d: {  	s16 =	simm.s32 $0x0  }
0x3e: {  	[tilespmem:s16], [sflag:$0x1] =	stream.linear.gather [hbm4b:s7+s16], $0x5700, $0x38;
	[tilespmem:$0xD050] =	vst v63  }
0x3f: {  	v2 =	vmov s16;
	_ =	swait.ge [sflag:s12], $0x5700  }
0x40: {  	v2 =	vshll.u32 v2, $0x3;
	[sflag:s12] =	ssyncset.done $0x0  }
0x41: {  	v2 =	vor.u32 v0, v2;
	[sflag:s12] =	ssyncadd.s32 $0xFFFFA900  }
0x42: {  	[tilespmem:s13], [sflag:$0x1] =	stream.linear.gather [hbm4b:s8+s16], $0x5700, $0x38;
	[tilespmem:$0xD050] =	vst v63  }
0x43: {  	v3 =	vor.u32 $0x1, v2;
	_ =	swait.ge [sflag:s12], $0x5700  }
0x44: {  	[sflag:s12] =	ssyncset.done $0x0  }
0x45: {  	v4 =	vor.u32 $0x2, v2;
	[sflag:s12] =	ssyncadd.s32 $0xFFFFA900  }
0x46: {  	v5 =	vld.idx.msk [tilespmem:v2+s13+$0x0], $0xffff  }
0x47: {  	v7 =	vor.u32 $0x3, v2;
	v6 =	vld.idx.msk [tilespmem:v2+s2+$0x0], $0xffff  }
0x48: {  	v8 =	vld.idx.msk [tilespmem:v3+s13+$0x0], $0xffff  }
0x49: {  	v3 =	vld.idx.msk [tilespmem:v3+s2+$0x0], $0xffff  }
0x4a: {  	v10 =	vor.u32 $0x7, v2;
	v9 =	vld.idx.msk [tilespmem:v4+s13+$0x0], $0xffff  }
0x4b: {  	v11 =	vor.u32 $0x4, v2;
	v4 =	vld.idx.msk [tilespmem:v4+s2+$0x0], $0xffff  }
0x4c: {  	v12 =	vld.idx.msk [tilespmem:v7+s13+$0x0], $0xffff;
	v5 =	vadd.f32 v5, v6  }
0x4d: {  	v7 =	vld.idx.msk [tilespmem:v7+s2+$0x0], $0xffff;
	v6 =	vor.u32 $0x5, v2  }
0x4e: {  	v3 =	vadd.f32 v8, v3;
	(erf) = vrcp.f32 v5  }
0x4f: {  	v44 =	vld.idx.msk [tilespmem:v10+s2+$0x0], $0xffff;
	v2 =	vor.u32 $0x6, v2  }
0x50: {  	v13 =	vld.idx.msk [tilespmem:v11+s2+$0x0], $0xffff;
	v4 =	vadd.f32 v9, v4;
	(erf) = vrcp.f32 v3  }
0x51: {  	v45 =	vld.idx.msk [tilespmem:v11+s13+$0x0], $0xffff  }
0x52: {  	v7 =	vadd.f32 v12, v7;
	(erf) = vrcp.f32 v4;
	v46 =	vld.idx.msk [tilespmem:v6+s2+$0x0], $0xffff  }
0x53: {  	v6 =	vld.idx.msk [tilespmem:v6+s13+$0x0], $0xffff  }
0x54: {  	v47 =	vld.idx.msk [tilespmem:v2+s2+$0x0], $0xffff;
	(erf) = vrcp.f32 v7  }
0x55: {  	v2 =	vld.idx.msk [tilespmem:v2+s13+$0x0], $0xffff  }
0x56: {  	v10 =	vld.idx.msk [tilespmem:v10+s13+$0x0], $0xffff;
	v9 =	vadd.f32 v45, v13  }
0x57: {  	v48 =	vpop (erf)  }
0x58: {  	v6 =	vadd.f32 v6, v46;
	v9 =	vmul.f32 v9, v48  }
0x59: {  	v49 =	vpop (erf)  }
0x5a: {  	v2 =	vadd.f32 v2, v47;
	v6 =	vmul.f32 v6, v49;
	v9 =	vadd.f32 $0.0e+00, v9  }
0x5b: {  	vm0 =	vgt.f32 v5, $0.0e+00;
	vm1 =	vgt.f32 v3, $0.0e+00;
	v3 =	vadd.f32 v10, v44;
	v5 =	vpop (erf)  }
0x5c: {  	v2 =	vmul.f32 v2, v5;
	v6 =	vnsel vm1, $0x0, v6;
	v50 =	vnsel vm0, $0x0, v9  }
0x5d: {  	vm10 =	vgt.f32 v4, $0.0e+00;
	v4 =	vpop (erf);
	v5 =	vadd.f32 v6, v50  }
0x5e: {  	s31 =	simm.s32 $0x10;
	v3 =	vmul.f32 v3, v4;
	v2 =	vnsel vm10, $0x0, v2  }
0x5f: {  	vm11 =	vgt.f32 v7, $0.0e+00;
	v4 =	vmov s31;
	v2 =	vadd.f32 v2, v5  }
0x60: {  	v4 =	vshll.u32 v4, $0x3;
	v3 =	vnsel vm11, $0x0, v3  }
0x61: {  	v4 =	vor.u32 v0, v4;
	v2 =	vadd.f32 v3, v2;
	_ =	sdelay $0x1  }
0x62: {  	v3 =	vor.u32 $0x1, v4;
	v2 =	vmul.f32 v2, v1  }
0x63: {  	s16 =	simm.s32 $0xC400  }
0x64: {  	v5 =	vor.u32 $0x2, v4;
	[tilespmem:s16+$0x0] =	vst v2  }
0x65: {  	v2 =	vld.idx.msk [tilespmem:v4+s13+$0x0], $0xffff  }
0x66: {  	v7 =	vor.u32 $0x3, v4;
	v6 =	vld.idx.msk [tilespmem:v4+s2+$0x0], $0xffff  }
0x67: {  	v51 =	vld.idx.msk [tilespmem:v3+s13+$0x0], $0xffff  }
0x68: {  	v3 =	vld.idx.msk [tilespmem:v3+s2+$0x0], $0xffff  }
0x69: {  	v52 =	vld.idx.msk [tilespmem:v5+s13+$0x0], $0xffff  }
0x6a: {  	v54 =	vor.u32 $0x4, v4;
	v5 =	vld.idx.msk [tilespmem:v5+s2+$0x0], $0xffff  }
0x6b: {  	v55 =	vld.idx.msk [tilespmem:v7+s13+$0x0], $0xffff  }
0x6c: {  	v2 =	vadd.f32 v2, v6;
	v6 =	vld.idx.msk [tilespmem:v7+s2+$0x0], $0xffff;
	v7 =	vor.u32 $0x5, v4  }
0x6d: {  	v53 =	vor.u32 $0x7, v4  }
0x6e: {  	v3 =	vadd.f32 v51, v3;
	v4 =	vor.u32 $0x6, v4;
	(erf) = vrcp.f32 v2  }
0x6f: {  	v57 =	vld.idx.msk [tilespmem:v54+s2+$0x0], $0xffff  }
0x70: {  	v58 =	vld.idx.msk [tilespmem:v54+s13+$0x0], $0xffff;
	v5 =	vadd.f32 v52, v5;
	(erf) = vrcp.f32 v3  }
0x71: {  	v59 =	vld.idx.msk [tilespmem:v7+s2+$0x0], $0xffff  }
0x72: {  	(erf) = vrcp.f32 v5;
	v6 =	vadd.f32 v55, v6;
	v7 =	vld.idx.msk [tilespmem:v7+s13+$0x0], $0xffff  }
0x73: {  	v60 =	vld.idx.msk [tilespmem:v4+s2+$0x0], $0xffff  }
0x74: {  	v4 =	vld.idx.msk [tilespmem:v4+s13+$0x0], $0xffff;
	(erf) = vrcp.f32 v6  }
0x75: {  	v56 =	vld.idx.msk [tilespmem:v53+s2+$0x0], $0xffff  }
0x76: {  	v10 =	vld.idx.msk [tilespmem:v53+s13+$0x0], $0xffff;
	v9 =	vadd.f32 v58, v57  }
0x77: {  	v61 =	vpop (erf)  }
0x78: {  	v7 =	vadd.f32 v7, v59;
	v9 =	vmul.f32 v9, v61  }
0x79: {  	v4 =	vadd.f32 v4, v60;
	v62 =	vpop (erf)  }
0x7a: {  	v7 =	vmul.f32 v7, v62;
	v9 =	vadd.f32 $0.0e+00, v9  }
0x7b: {  	vm12 =	vgt.f32 v2, $0.0e+00;
	vm13 =	vgt.f32 v3, $0.0e+00;
	v2 =	vadd.f32 v10, v56;
	v3 =	vpop (erf)  }
0x7c: {  	v3 =	vmul.f32 v4, v3;
	v7 =	vnsel vm13, $0x0, v7;
	v63 =	vnsel vm12, $0x0, v9  }
0x7d: {  	vm14 =	vgt.f32 v5, $0.0e+00;
	v4 =	vpop (erf);
	v7 =	vadd.f32 v7, v63  }
0x7e: {  	s17 =	simm.s32 $0x20;
	v4 =	vmul.f32 v2, v4;
	v2 =	vnsel vm14, $0x0, v3  }
0x7f: {  	vm15 =	vgt.f32 v6, $0.0e+00;
	v3 =	vmov s17;
	v2 =	vadd.f32 v2, v7  }
0x80: {  	s17 =	simm.s32 $0x30;
	v3 =	vshll.u32 v3, $0x3;
	v4 =	vnsel vm15, $0x0, v4  }
.LBB2_6:
0x81: {  	p1 =	sne.s32 s17, $0xAD0;
	v3 =	vor.u32 v0, v3;
	v2 =	vadd.f32 v4, v2;
	_ =	sdelay $0x1  }
0x82: {  	v4 =	vor.u32 $0x1, v3;
	v2 =	vmul.f32 v2, v1  }
0x83: {  	s16 =	sadd.s32 $0x10, s16  }
0x84: {  	v5 =	vor.u32 $0x2, v3;
	[tilespmem:s16+$0x0] =	vst v2  }
0x85: {  	v2 =	vld.idx.msk [tilespmem:v3+s13+$0x0], $0xffff  }
0x86: {  	v7 =	vor.u32 $0x3, v3;
	v6 =	vld.idx.msk [tilespmem:v3+s2+$0x0], $0xffff  }
0x87: {  	v8 =	vld.idx.msk [tilespmem:v4+s13+$0x0], $0xffff  }
0x88: {  	v4 =	vld.idx.msk [tilespmem:v4+s2+$0x0], $0xffff  }
0x89: {  	v10 =	vor.u32 $0x7, v3;
	v9 =	vld.idx.msk [tilespmem:v5+s13+$0x0], $0xffff  }
0x8a: {  	v11 =	vor.u32 $0x4, v3;
	v5 =	vld.idx.msk [tilespmem:v5+s2+$0x0], $0xffff  }
0x8b: {  	v12 =	vld.idx.msk [tilespmem:v7+s13+$0x0], $0xffff  }
0x8c: {  	v2 =	vadd.f32 v2, v6;
	v6 =	vor.u32 $0x5, v3;
	v7 =	vld.idx.msk [tilespmem:v7+s2+$0x0], $0xffff;
	_ =	sdelay $0x1  }
0x8d: {  	v3 =	vor.u32 $0x6, v3;
	v4 =	vadd.f32 v8, v4;
	v8 =	vld.idx.msk [tilespmem:v10+s2+$0x0], $0xffff;
	(erf) = vrcp.f32 v2  }
0x8e: {  	v13 =	vld.idx.msk [tilespmem:v11+s2+$0x0], $0xffff  }
0x8f: {  	v5 =	vadd.f32 v9, v5;
	v11 =	vld.idx.msk [tilespmem:v11+s13+$0x0], $0xffff;
	(erf) = vrcp.f32 v4  }
0x90: {  	v9 =	vld.idx.msk [tilespmem:v6+s2+$0x0], $0xffff  }
0x91: {  	v7 =	vadd.f32 v12, v7;
	v6 =	vld.idx.msk [tilespmem:v6+s13+$0x0], $0xffff;
	(erf) = vrcp.f32 v5  }
0x92: {  	v12 =	vld.idx.msk [tilespmem:v3+s2+$0x0], $0xffff  }
0x93: {  	v3 =	vld.idx.msk [tilespmem:v3+s13+$0x0], $0xffff;
	(erf) = vrcp.f32 v7  }
0x94: {  	v10 =	vld.idx.msk [tilespmem:v10+s13+$0x0], $0xffff  }
0x95: {  	v11 =	vadd.f32 v11, v13  }
0x96: {  	v13 =	vpop (erf)  }
0x97: {  	v6 =	vadd.f32 v6, v9;
	v11 =	vmul.f32 v11, v13  }
0x98: {  	v9 =	vpop (erf)  }
0x99: {  	v3 =	vadd.f32 v3, v12;
	v11 =	vadd.f32 $0.0e+00, v11;
	v6 =	vmul.f32 v6, v9  }
0x9a: {  	vm0 =	vgt.f32 v2, $0.0e+00;
	vm1 =	vgt.f32 v4, $0.0e+00;
	v2 =	vadd.f32 v10, v8;
	v4 =	vpop (erf)  }
.Ltmp3:
0x9b: {  	v8 =	vnsel vm0, $0x0, v11;
	v6 =	vnsel vm1, $0x0, v6;
	v3 =	vmul.f32 v3, v4;
	(pc) =	sbr.rel @p1 .LBB2_6-.Ltmp3, $4  }
0x9c: {  	vm0 =	vgt.f32 v5, $0.0e+00;
	v4 =	vadd.f32 v6, v8;
	v5 =	vpop (erf)  }
0x9d: {  	v3 =	vnsel vm0, $0x0, v3;
	v5 =	vmul.f32 v2, v5  }
0x9e: {  	v6 =	vmov s17;
	vm0 =	vgt.f32 v7, $0.0e+00;
	v2 =	vadd.f32 v3, v4  }
0x9f: {  	s17 =	sadd.s32 $0x10, s17;
	v3 =	vshll.u32 v6, $0x3;
	v4 =	vnsel vm0, $0x0, v5  }
.Ltmp4:
0xa0: {  	_ = 	snop;
	(pc) =	sbr.rel .LBB2_7-.Ltmp4, $1  }
0xa1: {  	_ =	sdelay $0x3  }
.LBB2_2:
0xa2: {  	[tilespmem:s16], [sflag:$0x1] =	stream.linear.gather [hbm4b:s4+s16], $0x6200, $0x38;
	[tilespmem:$0xD050] =	vst v63  }
0xa3: {  	v2 =	vmov s16;
	_ =	swait.ge [sflag:s12], $0x6200  }
0xa4: {  	v2 =	vshll.u32 v2, $0x3;
	[sflag:s12] =	ssyncset.done $0x0  }
0xa5: {  	v2 =	vor.u32 v0, v2;
	[sflag:s12] =	ssyncadd.s32 $0xFFFF9E00  }
0xa6: {  	[tilespmem:s13], [sflag:$0x1] =	stream.linear.gather [hbm4b:s5+s16], $0x6200, $0x38;
	[tilespmem:$0xD050] =	vst v63  }
0xa7: {  	v3 =	vor.u32 $0x1, v2;
	_ =	swait.ge [sflag:s12], $0x6200  }
0xa8: {  	[sflag:s12] =	ssyncset.done $0x0  }
0xa9: {  	v4 =	vor.u32 $0x2, v2;
	[sflag:s12] =	ssyncadd.s32 $0xFFFF9E00  }
0xaa: {  	v5 =	vld.idx.msk [tilespmem:v2+s13+$0x0], $0xffff  }
0xab: {  	v7 =	vor.u32 $0x3, v2;
	v6 =	vld.idx.msk [tilespmem:v2+s2+$0x0], $0xffff  }
0xac: {  	v8 =	vld.idx.msk [tilespmem:v3+s13+$0x0], $0xffff  }
0xad: {  	v3 =	vld.idx.msk [tilespmem:v3+s2+$0x0], $0xffff  }
0xae: {  	v10 =	vor.u32 $0x7, v2;
	v9 =	vld.idx.msk [tilespmem:v4+s13+$0x0], $0xffff  }
0xaf: {  	v11 =	vor.u32 $0x4, v2;
	v4 =	vld.idx.msk [tilespmem:v4+s2+$0x0], $0xffff  }
0xb0: {  	v12 =	vld.idx.msk [tilespmem:v7+s13+$0x0], $0xffff;
	v5 =	vadd.f32 v5, v6  }
0xb1: {  	v7 =	vld.idx.msk [tilespmem:v7+s2+$0x0], $0xffff;
	v6 =	vor.u32 $0x5, v2  }
0xb2: {  	v3 =	vadd.f32 v8, v3;
	(erf) = vrcp.f32 v5  }
0xb3: {  	v44 =	vld.idx.msk [tilespmem:v10+s2+$0x0], $0xffff;
	v2 =	vor.u32 $0x6, v2  }
0xb4: {  	v13 =	vld.idx.msk [tilespmem:v11+s2+$0x0], $0xffff;
	v4 =	vadd.f32 v9, v4;
	(erf) = vrcp.f32 v3  }
0xb5: {  	v45 =	vld.idx.msk [tilespmem:v11+s13+$0x0], $0xffff  }
0xb6: {  	v7 =	vadd.f32 v12, v7;
	(erf) = vrcp.f32 v4;
	v46 =	vld.idx.msk [tilespmem:v6+s2+$0x0], $0xffff  }
0xb7: {  	v6 =	vld.idx.msk [tilespmem:v6+s13+$0x0], $0xffff  }
0xb8: {  	v47 =	vld.idx.msk [tilespmem:v2+s2+$0x0], $0xffff;
	(erf) = vrcp.f32 v7  }
0xb9: {  	v2 =	vld.idx.msk [tilespmem:v2+s13+$0x0], $0xffff  }
0xba: {  	v10 =	vld.idx.msk [tilespmem:v10+s13+$0x0], $0xffff;
	v9 =	vadd.f32 v45, v13  }
0xbb: {  	v48 =	vpop (erf)  }
0xbc: {  	v6 =	vadd.f32 v6, v46;
	v9 =	vmul.f32 v9, v48  }
0xbd: {  	v49 =	vpop (erf)  }
0xbe: {  	v2 =	vadd.f32 v2, v47;
	v6 =	vmul.f32 v6, v49;
	v9 =	vadd.f32 $0.0e+00, v9  }
0xbf: {  	vm0 =	vgt.f32 v5, $0.0e+00;
	vm1 =	vgt.f32 v3, $0.0e+00;
	v3 =	vadd.f32 v10, v44;
	v5 =	vpop (erf)  }
0xc0: {  	v2 =	vmul.f32 v2, v5;
	v6 =	vnsel vm1, $0x0, v6;
	v50 =	vnsel vm0, $0x0, v9  }
0xc1: {  	vm10 =	vgt.f32 v4, $0.0e+00;
	v4 =	vpop (erf);
	v5 =	vadd.f32 v6, v50  }
0xc2: {  	s31 =	simm.s32 $0x10;
	v3 =	vmul.f32 v3, v4;
	v2 =	vnsel vm10, $0x0, v2  }
0xc3: {  	vm11 =	vgt.f32 v7, $0.0e+00;
	v4 =	vmov s31;
	v2 =	vadd.f32 v2, v5  }
0xc4: {  	v4 =	vshll.u32 v4, $0x3;
	v3 =	vnsel vm11, $0x0, v3  }
0xc5: {  	v4 =	vor.u32 v0, v4;
	v2 =	vadd.f32 v3, v2;
	_ =	sdelay $0x1  }
0xc6: {  	v3 =	vor.u32 $0x1, v4;
	v2 =	vmul.f32 v2, v1  }
0xc7: {  	s16 =	simm.s32 $0xC400  }
0xc8: {  	v5 =	vor.u32 $0x2, v4;
	[tilespmem:s16+$0x0] =	vst v2  }
0xc9: {  	v2 =	vld.idx.msk [tilespmem:v4+s13+$0x0], $0xffff  }
0xca: {  	v7 =	vor.u32 $0x3, v4;
	v6 =	vld.idx.msk [tilespmem:v4+s2+$0x0], $0xffff  }
0xcb: {  	v51 =	vld.idx.msk [tilespmem:v3+s13+$0x0], $0xffff  }
0xcc: {  	v3 =	vld.idx.msk [tilespmem:v3+s2+$0x0], $0xffff  }
0xcd: {  	v52 =	vld.idx.msk [tilespmem:v5+s13+$0x0], $0xffff  }
0xce: {  	v54 =	vor.u32 $0x4, v4;
	v5 =	vld.idx.msk [tilespmem:v5+s2+$0x0], $0xffff  }
0xcf: {  	v55 =	vld.idx.msk [tilespmem:v7+s13+$0x0], $0xffff  }
0xd0: {  	v2 =	vadd.f32 v2, v6;
	v6 =	vld.idx.msk [tilespmem:v7+s2+$0x0], $0xffff;
	v7 =	vor.u32 $0x5, v4  }
0xd1: {  	v53 =	vor.u32 $0x7, v4  }
0xd2: {  	v3 =	vadd.f32 v51, v3;
	v4 =	vor.u32 $0x6, v4;
	(erf) = vrcp.f32 v2  }
0xd3: {  	v57 =	vld.idx.msk [tilespmem:v54+s2+$0x0], $0xffff  }
0xd4: {  	v58 =	vld.idx.msk [tilespmem:v54+s13+$0x0], $0xffff;
	v5 =	vadd.f32 v52, v5;
	(erf) = vrcp.f32 v3  }
0xd5: {  	v59 =	vld.idx.msk [tilespmem:v7+s2+$0x0], $0xffff  }
0xd6: {  	(erf) = vrcp.f32 v5;
	v6 =	vadd.f32 v55, v6;
	v7 =	vld.idx.msk [tilespmem:v7+s13+$0x0], $0xffff  }
0xd7: {  	v60 =	vld.idx.msk [tilespmem:v4+s2+$0x0], $0xffff  }
0xd8: {  	v4 =	vld.idx.msk [tilespmem:v4+s13+$0x0], $0xffff;
	(erf) = vrcp.f32 v6  }
0xd9: {  	v56 =	vld.idx.msk [tilespmem:v53+s2+$0x0], $0xffff  }
0xda: {  	v10 =	vld.idx.msk [tilespmem:v53+s13+$0x0], $0xffff;
	v9 =	vadd.f32 v58, v57  }
0xdb: {  	v61 =	vpop (erf)  }
0xdc: {  	v7 =	vadd.f32 v7, v59;
	v9 =	vmul.f32 v9, v61  }
0xdd: {  	v4 =	vadd.f32 v4, v60;
	v62 =	vpop (erf)  }
0xde: {  	v7 =	vmul.f32 v7, v62;
	v9 =	vadd.f32 $0.0e+00, v9  }
0xdf: {  	vm12 =	vgt.f32 v2, $0.0e+00;
	vm13 =	vgt.f32 v3, $0.0e+00;
	v2 =	vadd.f32 v10, v56;
	v3 =	vpop (erf)  }
0xe0: {  	v3 =	vmul.f32 v4, v3;
	v7 =	vnsel vm13, $0x0, v7;
	v63 =	vnsel vm12, $0x0, v9  }
0xe1: {  	vm14 =	vgt.f32 v5, $0.0e+00;
	v4 =	vpop (erf);
	v7 =	vadd.f32 v7, v63  }
0xe2: {  	s17 =	simm.s32 $0x20;
	v4 =	vmul.f32 v2, v4;
	v2 =	vnsel vm14, $0x0, v3  }
0xe3: {  	vm15 =	vgt.f32 v6, $0.0e+00;
	v3 =	vmov s17;
	v2 =	vadd.f32 v2, v7  }
0xe4: {  	s17 =	simm.s32 $0x30;
	v3 =	vshll.u32 v3, $0x3;
	v4 =	vnsel vm15, $0x0, v4  }
.LBB2_3:
0xe5: {  	p1 =	sne.s32 s17, $0xC30;
	v3 =	vor.u32 v0, v3;
	v2 =	vadd.f32 v4, v2;
	_ =	sdelay $0x1  }
0xe6: {  	v4 =	vor.u32 $0x1, v3;
	v2 =	vmul.f32 v2, v1  }
0xe7: {  	s16 =	sadd.s32 $0x10, s16  }
0xe8: {  	v5 =	vor.u32 $0x2, v3;
	[tilespmem:s16+$0x0] =	vst v2  }
0xe9: {  	v2 =	vld.idx.msk [tilespmem:v3+s13+$0x0], $0xffff  }
0xea: {  	v7 =	vor.u32 $0x3, v3;
	v6 =	vld.idx.msk [tilespmem:v3+s2+$0x0], $0xffff  }
0xeb: {  	v8 =	vld.idx.msk [tilespmem:v4+s13+$0x0], $0xffff  }
0xec: {  	v4 =	vld.idx.msk [tilespmem:v4+s2+$0x0], $0xffff  }
0xed: {  	v10 =	vor.u32 $0x7, v3;
	v9 =	vld.idx.msk [tilespmem:v5+s13+$0x0], $0xffff  }
0xee: {  	v11 =	vor.u32 $0x4, v3;
	v5 =	vld.idx.msk [tilespmem:v5+s2+$0x0], $0xffff  }
0xef: {  	v12 =	vld.idx.msk [tilespmem:v7+s13+$0x0], $0xffff  }
0xf0: {  	v2 =	vadd.f32 v2, v6;
	v6 =	vor.u32 $0x5, v3;
	v7 =	vld.idx.msk [tilespmem:v7+s2+$0x0], $0xffff;
	_ =	sdelay $0x1  }
0xf1: {  	v3 =	vor.u32 $0x6, v3;
	v4 =	vadd.f32 v8, v4;
	v8 =	vld.idx.msk [tilespmem:v10+s2+$0x0], $0xffff;
	(erf) = vrcp.f32 v2  }
0xf2: {  	v13 =	vld.idx.msk [tilespmem:v11+s2+$0x0], $0xffff  }
0xf3: {  	v5 =	vadd.f32 v9, v5;
	v11 =	vld.idx.msk [tilespmem:v11+s13+$0x0], $0xffff;
	(erf) = vrcp.f32 v4  }
0xf4: {  	v9 =	vld.idx.msk [tilespmem:v6+s2+$0x0], $0xffff  }
0xf5: {  	v7 =	vadd.f32 v12, v7;
	v6 =	vld.idx.msk [tilespmem:v6+s13+$0x0], $0xffff;
	(erf) = vrcp.f32 v5  }
0xf6: {  	v12 =	vld.idx.msk [tilespmem:v3+s2+$0x0], $0xffff  }
0xf7: {  	v3 =	vld.idx.msk [tilespmem:v3+s13+$0x0], $0xffff;
	(erf) = vrcp.f32 v7  }
0xf8: {  	v10 =	vld.idx.msk [tilespmem:v10+s13+$0x0], $0xffff  }
0xf9: {  	v11 =	vadd.f32 v11, v13  }
0xfa: {  	v13 =	vpop (erf)  }
0xfb: {  	v6 =	vadd.f32 v6, v9;
	v11 =	vmul.f32 v11, v13  }
0xfc: {  	v9 =	vpop (erf)  }
0xfd: {  	v3 =	vadd.f32 v3, v12;
	v11 =	vadd.f32 $0.0e+00, v11;
	v6 =	vmul.f32 v6, v9  }
0xfe: {  	vm0 =	vgt.f32 v2, $0.0e+00;
	vm1 =	vgt.f32 v4, $0.0e+00;
	v2 =	vadd.f32 v10, v8;
	v4 =	vpop (erf)  }
.Ltmp5:
0xff: {  	v8 =	vnsel vm0, $0x0, v11;
	v6 =	vnsel vm1, $0x0, v6;
	v3 =	vmul.f32 v3, v4;
	(pc) =	sbr.rel @p1 .LBB2_3-.Ltmp5, $4  }
0x100: {  	vm0 =	vgt.f32 v5, $0.0e+00;
	v4 =	vadd.f32 v6, v8;
	v5 =	vpop (erf)  }
0x101: {  	v3 =	vnsel vm0, $0x0, v3;
	v5 =	vmul.f32 v2, v5  }
0x102: {  	v6 =	vmov s17;
	vm0 =	vgt.f32 v7, $0.0e+00;
	v2 =	vadd.f32 v3, v4  }
0x103: {  	s17 =	sadd.s32 $0x10, s17;
	v3 =	vshll.u32 v6, $0x3;
	v4 =	vnsel vm0, $0x0, v5  }
0x104: {  	v3 =	vor.u32 v0, v3;
	v2 =	vadd.f32 v4, v2;
	_ =	sdelay $0x1  }
0x105: {  	v52 =	vor.u32 $0x1, v3;
	v2 =	vmul.f32 v2, v1  }
0x106: {  	s16 =	sadd.s32 $0x10, s16  }
0x107: {  	v5 =	vor.u32 $0x2, v3;
	[tilespmem:s16+$0x0] =	vst v2  }
0x108: {  	v2 =	vld.idx.msk [tilespmem:v3+s13+$0x0], $0xffff  }
0x109: {  	v7 =	vor.u32 $0x3, v3;
	v6 =	vld.idx.msk [tilespmem:v3+s2+$0x0], $0xffff  }
0x10a: {  	v8 =	vld.idx.msk [tilespmem:v52+s13+$0x0], $0xffff  }
0x10b: {  	v4 =	vld.idx.msk [tilespmem:v52+s2+$0x0], $0xffff  }
0x10c: {  	v10 =	vor.u32 $0x7, v3;
	v9 =	vld.idx.msk [tilespmem:v5+s13+$0x0], $0xffff  }
0x10d: {  	v11 =	vor.u32 $0x4, v3;
	v5 =	vld.idx.msk [tilespmem:v5+s2+$0x0], $0xffff  }
0x10e: {  	v12 =	vld.idx.msk [tilespmem:v7+s13+$0x0], $0xffff;
	v2 =	vadd.f32 v2, v6  }
0x10f: {  	v53 =	vor.u32 $0x5, v3;
	v7 =	vld.idx.msk [tilespmem:v7+s2+$0x0], $0xffff  }
0x110: {  	v4 =	vadd.f32 v8, v4;
	(erf) = vrcp.f32 v2  }
0x111: {  	v3 =	vor.u32 $0x6, v3;
	v54 =	vld.idx.msk [tilespmem:v10+s2+$0x0], $0xffff  }
0x112: {  	v13 =	vld.idx.msk [tilespmem:v11+s2+$0x0], $0xffff;
	v5 =	vadd.f32 v9, v5;
	(erf) = vrcp.f32 v4  }
0x113: {  	v55 =	vld.idx.msk [tilespmem:v11+s13+$0x0], $0xffff  }
0x114: {  	v56 =	vld.idx.msk [tilespmem:v53+s2+$0x0], $0xffff;
	v7 =	vadd.f32 v12, v7;
	(erf) = vrcp.f32 v5  }
0x115: {  	v6 =	vld.idx.msk [tilespmem:v53+s13+$0x0], $0xffff  }
0x116: {  	v57 =	vld.idx.msk [tilespmem:v3+s2+$0x0], $0xffff;
	(erf) = vrcp.f32 v7  }
0x117: {  	v3 =	vld.idx.msk [tilespmem:v3+s13+$0x0], $0xffff  }
0x118: {  	v10 =	vld.idx.msk [tilespmem:v10+s13+$0x0], $0xffff;
	v9 =	vadd.f32 v55, v13  }
0x119: {  	v58 =	vpop (erf)  }
0x11a: {  	v6 =	vadd.f32 v6, v56;
	v9 =	vmul.f32 v9, v58  }
0x11b: {  	v59 =	vpop (erf)  }
0x11c: {  	v3 =	vadd.f32 v3, v57;
	v6 =	vmul.f32 v6, v59;
	v9 =	vadd.f32 $0.0e+00, v9  }
0x11d: {  	vm0 =	vgt.f32 v2, $0.0e+00;
	v2 =	vadd.f32 v10, v54;
	vm1 =	vgt.f32 v4, $0.0e+00;
	v60 =	vpop (erf)  }
0x11e: {  	v3 =	vmul.f32 v3, v60;
	v6 =	vnsel vm1, $0x0, v6;
	v61 =	vnsel vm0, $0x0, v9  }
0x11f: {  	vm14 =	vgt.f32 v5, $0.0e+00;
	v63 =	vpop (erf);
	v62 =	vadd.f32 v6, v61  }
0x120: {  	v2 =	vmul.f32 v2, v63;
	v3 =	vnsel vm14, $0x0, v3  }
0x121: {  	vm15 =	vgt.f32 v7, $0.0e+00;
	v3 =	vadd.f32 v3, v62  }
0x122: {  	v2 =	vnsel vm15, $0x0, v2  }
0x123: {  	v2 =	vadd.f32 v2, v3;
	_ =	sdelay $0x1  }
0x124: {  	v1 =	vmul.f32 v2, v1  }
0x125: {  	s16 =	sadd.s32 $0x10, s16  }
.Ltmp6:
0x126: {  	[tilespmem:s16+$0x0] =	vst v1;
	(pc) =	sbr.rel .LBB2_8-.Ltmp6, $4  }
0x127: {  	[hbm4b:s6+s2] =	stream.linear.scatter [tilespmem:s14], [sflag:$0x1], $0xC40, $0x38;
	[tilespmem:$0xD050] =	vst v63  }
0x128: {  	_ =	swait.ge [sflag:s12], $0xC40  }
0x129: {  	[sflag:s12] =	ssyncset.done $0x0  }
0x12a: {  	[sflag:s12] =	ssyncadd.s32 $0xFFFFF3C0  }
.LBB2_9:
0x12b: {  	_ =	sfence.sel $0x180000  }
0x12c: {  	[bflag:$0x0] =	sbarrier.arrive $0xFFFF  }
0x12d: {  	p0 =	sne.s32 s0, $0x0;
	_ =	strace $0x9000004A  }
0x12e: {  	s0 =	sadd.s32 @!p0 $0x100000, s1;
	[bflag:$0x2] =	sbarrier.arrive $0xFFFF  }
0x12f: {  	[sflag:s0] =	ssyncadd.tile.s32 @!p0 $0x1;
	_ =	shalt  }
.Lfunc_end2:
_tile_overlayer_lowered:
.L_overlay_start_2:
0x130: {  	(tag) =	ssettag $0x2  }
0x131: {  	s0 =	rddreg [dreg:$0x0];
	s2 =	stileid.u32  }
0x132: {  	s1 =	rddreg [dreg:$0x1];
	p0 =	sne.s32 s2, $0x0  }
0x133: {  	s3 =	rddreg [dreg:$0x2];
	[bflag:$0x3] =	sbarrier.arrive $0xFFFF;
	s2 =	simm.s32 @!p0 $0x1C01  }
0x134: {  	[timem:s3], [sflag:s2] =	dma.local @!p0 [hbm:s0], s1  }
0x135: {  	s0 =	simm.s32 @!p0 $0x1  }
0x136: {  	_ =	swait.ge @!p0 [sflag:s0], s1  }
0x137: {  	s1 =	ssub.s32 @!p0 $0x0, s1;
	[sflag:s0] =	ssyncset.done @!p0 $0x0  }
0x138: {  	[sflag:s0] =	ssyncadd.s32 @!p0 s1  }
0x139: {  	[bflag:$0x3] =	sbarrier.arrive $0xFFFF  }
0x13a: {  	_ =	shalt  }

</sc_bundles>
